<compile_context>
chip_gen: v7x
topology: tpu7x:2x2x1
jax: 0.10.2.dev20260603
libtpu: 0.0.44.dev20260713+nightly
codegen_flags: <defaults>
</compile_context>

<pallas_src>
import functools

import jax
import jax.numpy as jnp
from jax import lax
from jax.experimental import pallas as pl
from jax.experimental.pallas import tpu as pltpu
from jax.experimental.pallas import tpu_sc as plsc

BATCH = 16384
EMBED_DIM = 64
LANES = 16
NUM_CORES = 2
NUM_SUBCORES = 16
NUM_WORKERS = NUM_CORES * NUM_SUBCORES
BPW = BATCH // NUM_WORKERS
CHUNK = 128
NCHUNK = BPW // CHUNK


def _mf_body(ui_ref, ii_ref, ue_ref, ie_ref, ub_ref, ib_ref, out_ref,
             uidx_v, iidx_v, urows_v, irows_v, ubias_v, ibias_v, out_v, sem):
    wid = lax.axis_index("s") * NUM_CORES + lax.axis_index("c")
    base = wid * BPW

    pltpu.sync_copy(ui_ref.at[pl.ds(wid * NCHUNK, NCHUNK)], uidx_v)
    pltpu.sync_copy(ii_ref.at[pl.ds(wid * NCHUNK, NCHUNK)], iidx_v)

    copies = []
    for j in range(NCHUNK):
        sl = pl.ds(j * CHUNK, CHUNK)
        copies.append(pltpu.async_copy(ue_ref.at[uidx_v.at[j]], urows_v.at[sl], sem))
        copies.append(pltpu.async_copy(ie_ref.at[iidx_v.at[j]], irows_v.at[sl], sem))
        copies.append(pltpu.async_copy(ub_ref.at[uidx_v.at[j]], ubias_v.at[sl], sem))
        copies.append(pltpu.async_copy(ib_ref.at[iidx_v.at[j]], ibias_v.at[sl], sem))
    for c in copies:
        c.wait()

    lane_iota = lax.iota(jnp.int32, LANES)
    perms = [(lane_iota + s) & (LANES - 1) for s in (8, 4, 2, 1)]
    onehots = [
        jnp.where(lane_iota == k, jnp.float32(1.0), jnp.float32(0.0))
        for k in range(LANES)
    ]

    def group(g, carry):
        r0 = g * LANES
        acc = ubias_v[pl.ds(r0, LANES)] + ibias_v[pl.ds(r0, LANES)]
        for l in range(LANES):
            r = r0 + l
            p = (urows_v[r, pl.ds(0, LANES)] * irows_v[r, pl.ds(0, LANES)]
                 + urows_v[r, pl.ds(LANES, LANES)] * irows_v[r, pl.ds(LANES, LANES)]
                 + urows_v[r, pl.ds(2 * LANES, LANES)] * irows_v[r, pl.ds(2 * LANES, LANES)]
                 + urows_v[r, pl.ds(3 * LANES, LANES)] * irows_v[r, pl.ds(3 * LANES, LANES)])
            for perm in perms:
                p = p + p.at[perm].get(mode="promise_in_bounds", unique_indices=True)
            acc = acc + p * onehots[l]
        out_v[pl.ds(r0, LANES)] = acc
        return carry

    lax.fori_loop(0, BPW // LANES, group, 0)

    pltpu.sync_copy(out_v, out_ref.at[pl.ds(base, BPW)])


@functools.partial(
    pl.kernel,
    out_type=jax.ShapeDtypeStruct((BATCH,), jnp.float32),
    mesh=plsc.VectorSubcoreMesh(core_axis_name="c", subcore_axis_name="s"),
    compiler_params=pltpu.CompilerParams(use_tc_tiling_on_sc=False),
    scratch_types=[
        pltpu.VMEM((NCHUNK, CHUNK), jnp.int32),
        pltpu.VMEM((NCHUNK, CHUNK), jnp.int32),
        pltpu.VMEM((BPW, EMBED_DIM), jnp.float32),
        pltpu.VMEM((BPW, EMBED_DIM), jnp.float32),
        pltpu.VMEM((BPW,), jnp.float32),
        pltpu.VMEM((BPW,), jnp.float32),
        pltpu.VMEM((BPW,), jnp.float32),
        pltpu.SemaphoreType.DMA,
    ],
)
def _mf_kernel(ui, ii, ue, ie, ub, ib, out,
               uidx_v, iidx_v, urows_v, irows_v, ubias_v, ibias_v, out_v, sem):
    _mf_body(ui, ii, ue, ie, ub, ib, out,
             uidx_v, iidx_v, urows_v, irows_v, ubias_v, ibias_v, out_v, sem)


def kernel(user_indices, item_indices, user_emb, item_emb, user_bias, item_bias):
    ui = user_indices.astype(jnp.int32).reshape(NUM_WORKERS * NCHUNK, CHUNK)
    ii = item_indices.astype(jnp.int32).reshape(NUM_WORKERS * NCHUNK, CHUNK)
    ub = user_bias.reshape(-1)
    ib = item_bias.reshape(-1)
    return _mf_kernel(ui, ii, user_emb, item_emb, ub, ib)

# --- scband reference (transcript-rebuilt; emitter-appended) ---
"""Pipeline reference for scband-matrix-factorization-35407710388990 (READ-ONLY COPY).

The authoritative reference and input builder live on the scoring server;
editing this copy changes nothing except your own understanding.
"""

import jax, jax.numpy as jnp
import numpy as np

NUM_USERS = 1000000
NUM_ITEMS = 1000000
EMBED_DIM = 64
BATCH = 16384


def setup_inputs(seed: int = 0) -> dict:
    key = jax.random.key(seed)
    k1, k2, k3, k4 = jax.random.split(key, 4)
    user_indices = jax.random.randint(k1, (BATCH,), 0, NUM_USERS)
    item_indices = jax.random.randint(k2, (BATCH,), 0, NUM_ITEMS)
    user_emb = jax.random.normal(k3, (NUM_USERS, EMBED_DIM), dtype=jnp.float32) * 0.01
    item_emb = jax.random.normal(k4, (NUM_ITEMS, EMBED_DIM), dtype=jnp.float32) * 0.01
    user_bias = jnp.zeros((NUM_USERS, 1), dtype=jnp.float32)
    item_bias = jnp.zeros((NUM_ITEMS, 1), dtype=jnp.float32)
    return {
        "user_indices": user_indices,
        "item_indices": item_indices,
        "user_emb": user_emb,
        "item_emb": item_emb,
        "user_bias": user_bias,
        "item_bias": item_bias,
    }


def reference(user_indices, item_indices, user_emb, item_emb, user_bias, item_bias):
    user_embeds = jnp.take(user_emb, user_indices, axis=0)
    item_embeds = jnp.take(item_emb, item_indices, axis=0)
    user_b = jnp.take(user_bias, user_indices, axis=0).squeeze(-1)
    item_b = jnp.take(item_bias, item_indices, axis=0).squeeze(-1)
    dot_product = (user_embeds * item_embeds).sum(axis=1)
    return dot_product + user_b + item_b

if __name__ == "__main__":
    import jax
    _d = setup_inputs()
    print(jax.jit(kernel)(*tuple(_d.values())))

</pallas_src>

<mosaic_0001>
#map = affine_map<(d0, d1) -> (0, 0)>
#map1 = affine_map<(d0, d1) -> (0)>
module attributes {stable_mosaic.version = 14 : i64} {
  func.func @_mf_kernel(%arg0: i32, %arg1: i32, %arg2: memref<128x128xi32, #tpu.memory_space<hbm>>, %arg3: memref<128x128xi32, #tpu.memory_space<hbm>>, %arg4: memref<1000000x64xf32, #tpu.memory_space<hbm>>, %arg5: memref<1000000x64xf32, #tpu.memory_space<hbm>>, %arg6: memref<1000000xf32, #tpu.memory_space<hbm>>, %arg7: memref<1000000xf32, #tpu.memory_space<hbm>>, %arg8: memref<16384xf32, #tpu.memory_space<hbm>>, %arg9: memref<4x128xi32, #tpu.memory_space<vmem>>, %arg10: memref<4x128xi32, #tpu.memory_space<vmem>>, %arg11: memref<512x64xf32, #tpu.memory_space<vmem>>, %arg12: memref<512x64xf32, #tpu.memory_space<vmem>>, %arg13: memref<512xf32, #tpu.memory_space<vmem>>, %arg14: memref<512xf32, #tpu.memory_space<vmem>>, %arg15: memref<512xf32, #tpu.memory_space<vmem>>, %arg16: memref<!tpu.dma_semaphore, #tpu.memory_space<semaphore_mem>>) attributes {dimension_semantics = [#tpu.dimension_semantics<core_parallel>, #tpu.dimension_semantics<subcore_parallel>], iteration_bounds = array<i64: 2, 16>, scalar_prefetch = 0 : i64, scratch_operands = 8 : i64, tpu.core_type = #tpu.core_type<sc_vector_subcore>, window_params = [{transform_indices = #map}, {transform_indices = #map}, {transform_indices = #map}, {transform_indices = #map}, {transform_indices = #map1}, {transform_indices = #map1}, {transform_indices = #map1}]} {
    %mul3A = arith.constant 2 : i32
    %mul3A_0 = arith.muli %arg1, %mul3A : i32
    %add3A = arith.addi %mul3A_0, %arg0 : i32
    %mul3A_1 = arith.constant 512 : i32
    %mul3A_2 = arith.muli %add3A, %mul3A_1 : i32
    %mul3A_3 = arith.constant 4 : i32
    %mul3A_4 = arith.muli %add3A, %mul3A_3 : i32
    "tpu.region"() ({
      %run_scoped3A = tpu.sem_alloc : memref<!tpu.dma_semaphore, #tpu.memory_space<semaphore_mem>>
      %dma_start3A_445 = arith.constant 0 : i32
      %dma_start3A_446 = tpu.memref_slice %arg2[%mul3A_4, %dma_start3A_445] : memref<128x128xi32, #tpu.memory_space<hbm>> -> memref<4x128xi32, #tpu.memory_space<hbm>>
      %dma_start3A_447 = arith.constant 0 : i32
      %dma_start3A_448 = tpu.memref_slice %arg2[%mul3A_4, %dma_start3A_447] : memref<128x128xi32, #tpu.memory_space<hbm>> -> memref<4x128xi32, #tpu.memory_space<hbm>>
      tpu.enqueue_dma source(%dma_start3A_448 : memref<4x128xi32, #tpu.memory_space<hbm>>) target(%arg9 : memref<4x128xi32, #tpu.memory_space<vmem>>) target_semaphore(%run_scoped3A : memref<!tpu.dma_semaphore, #tpu.memory_space<semaphore_mem>>)
      %dma_wait3A_449 = arith.constant 0 : i32
      %dma_wait3A_450 = tpu.memref_slice %arg2[%mul3A_4, %dma_wait3A_449] : memref<128x128xi32, #tpu.memory_space<hbm>> -> memref<4x128xi32, #tpu.memory_space<hbm>>
      %dma_wait3A_451 = arith.constant 0 : i32
      %dma_wait3A_452 = tpu.memref_slice %arg2[%mul3A_4, %dma_wait3A_451] : memref<128x128xi32, #tpu.memory_space<hbm>> -> memref<4x128xi32, #tpu.memory_space<hbm>>
      tpu.wait_dma2 semaphore(%run_scoped3A : memref<!tpu.dma_semaphore, #tpu.memory_space<semaphore_mem>>) src(%dma_wait3A_452 : memref<4x128xi32, #tpu.memory_space<hbm>>) dst(%arg9 : memref<4x128xi32, #tpu.memory_space<vmem>>)
      tpu.yield
    }) : () -> ()
    %mul3A_5 = arith.constant 4 : i32
    %mul3A_6 = arith.muli %add3A, %mul3A_5 : i32
    "tpu.region"() ({
      %run_scoped3A = tpu.sem_alloc : memref<!tpu.dma_semaphore, #tpu.memory_space<semaphore_mem>>
      %dma_start3A_445 = arith.constant 0 : i32
      %dma_start3A_446 = tpu.memref_slice %arg3[%mul3A_6, %dma_start3A_445] : memref<128x128xi32, #tpu.memory_space<hbm>> -> memref<4x128xi32, #tpu.memory_space<hbm>>
      %dma_start3A_447 = arith.constant 0 : i32
      %dma_start3A_448 = tpu.memref_slice %arg3[%mul3A_6, %dma_start3A_447] : memref<128x128xi32, #tpu.memory_space<hbm>> -> memref<4x128xi32, #tpu.memory_space<hbm>>
      tpu.enqueue_dma source(%dma_start3A_448 : memref<4x128xi32, #tpu.memory_space<hbm>>) target(%arg10 : memref<4x128xi32, #tpu.memory_space<vmem>>) target_semaphore(%run_scoped3A : memref<!tpu.dma_semaphore, #tpu.memory_space<semaphore_mem>>)
      %dma_wait3A_449 = arith.constant 0 : i32
      %dma_wait3A_450 = tpu.memref_slice %arg3[%mul3A_6, %dma_wait3A_449] : memref<128x128xi32, #tpu.memory_space<hbm>> -> memref<4x128xi32, #tpu.memory_space<hbm>>
      %dma_wait3A_451 = arith.constant 0 : i32
      %dma_wait3A_452 = tpu.memref_slice %arg3[%mul3A_6, %dma_wait3A_451] : memref<128x128xi32, #tpu.memory_space<hbm>> -> memref<4x128xi32, #tpu.memory_space<hbm>>
      tpu.wait_dma2 semaphore(%run_scoped3A : memref<!tpu.dma_semaphore, #tpu.memory_space<semaphore_mem>>) src(%dma_wait3A_452 : memref<4x128xi32, #tpu.memory_space<hbm>>) dst(%arg10 : memref<4x128xi32, #tpu.memory_space<vmem>>)
      tpu.yield
    }) : () -> ()
    %dma_start3A = arith.constant 0 : i32
    %dma_start3A_7 = arith.constant 0 : i32
    %dma_start3A_8 = arith.constant 0 : i32
    %dma_start3A_9 = tpu.memref_slice %arg11[%dma_start3A_7, %dma_start3A_8] : memref<512x64xf32, #tpu.memory_space<vmem>> -> memref<128x64xf32, #tpu.memory_space<vmem>>
    %dma_start3A_10 = arith.constant 0 : i32
    %dma_start3A_11 = tpu.memref_slice %arg9[%dma_start3A, %dma_start3A_10] : memref<4x128xi32, #tpu.memory_space<vmem>> -> memref<1x128xi32, #tpu.memory_space<vmem>>
    %dma_start3A_12 = tpu.memref_squeeze %dma_start3A_11 : memref<1x128xi32, #tpu.memory_space<vmem>> -> memref<128xi32, #tpu.memory_space<vmem>>
    %dma_start3A_13 = arith.constant 0 : i32
    %dma_start3A_14 = arith.constant 0 : i32
    %dma_start3A_15 = tpu.memref_slice %arg4[%dma_start3A_13, %dma_start3A_14] : memref<1000000x64xf32, #tpu.memory_space<hbm>> -> memref<1000000x64xf32, #tpu.memory_space<hbm>>
    tpu.enqueue_indirect_dma source(%dma_start3A_15 : memref<1000000x64xf32, #tpu.memory_space<hbm>>) target(%dma_start3A_9 : memref<128x64xf32, #tpu.memory_space<vmem>>) offsets(%dma_start3A_12 : memref<128xi32, #tpu.memory_space<vmem>>) semaphore(%arg16 : memref<!tpu.dma_semaphore, #tpu.memory_space<semaphore_mem>>)
    %dma_start3A_16 = arith.constant 0 : i32
    %dma_start3A_17 = arith.constant 0 : i32
    %dma_start3A_18 = arith.constant 0 : i32
    %dma_start3A_19 = tpu.memref_slice %arg12[%dma_start3A_17, %dma_start3A_18] : memref<512x64xf32, #tpu.memory_space<vmem>> -> memref<128x64xf32, #tpu.memory_space<vmem>>
    %dma_start3A_20 = arith.constant 0 : i32
    %dma_start3A_21 = tpu.memref_slice %arg10[%dma_start3A_16, %dma_start3A_20] : memref<4x128xi32, #tpu.memory_space<vmem>> -> memref<1x128xi32, #tpu.memory_space<vmem>>
    %dma_start3A_22 = tpu.memref_squeeze %dma_start3A_21 : memref<1x128xi32, #tpu.memory_space<vmem>> -> memref<128xi32, #tpu.memory_space<vmem>>
    %dma_start3A_23 = arith.constant 0 : i32
    %dma_start3A_24 = arith.constant 0 : i32
    %dma_start3A_25 = tpu.memref_slice %arg5[%dma_start3A_23, %dma_start3A_24] : memref<1000000x64xf32, #tpu.memory_space<hbm>> -> memref<1000000x64xf32, #tpu.memory_space<hbm>>
    tpu.enqueue_indirect_dma source(%dma_start3A_25 : memref<1000000x64xf32, #tpu.memory_space<hbm>>) target(%dma_start3A_19 : memref<128x64xf32, #tpu.memory_space<vmem>>) offsets(%dma_start3A_22 : memref<128xi32, #tpu.memory_space<vmem>>) semaphore(%arg16 : memref<!tpu.dma_semaphore, #tpu.memory_space<semaphore_mem>>)
    %dma_start3A_26 = arith.constant 0 : i32
    %dma_start3A_27 = arith.constant 0 : i32
    %dma_start3A_28 = tpu.memref_slice %arg13[%dma_start3A_27] : memref<512xf32, #tpu.memory_space<vmem>> -> memref<128xf32, #tpu.memory_space<vmem>>
    %dma_start3A_29 = arith.constant 0 : i32
    %dma_start3A_30 = tpu.memref_slice %arg9[%dma_start3A_26, %dma_start3A_29] : memref<4x128xi32, #tpu.memory_space<vmem>> -> memref<1x128xi32, #tpu.memory_space<vmem>>
    %dma_start3A_31 = tpu.memref_squeeze %dma_start3A_30 : memref<1x128xi32, #tpu.memory_space<vmem>> -> memref<128xi32, #tpu.memory_space<vmem>>
    %dma_start3A_32 = arith.constant 0 : i32
    %dma_start3A_33 = tpu.memref_slice %arg6[%dma_start3A_32] : memref<1000000xf32, #tpu.memory_space<hbm>> -> memref<1000000xf32, #tpu.memory_space<hbm>>
    tpu.enqueue_indirect_dma source(%dma_start3A_33 : memref<1000000xf32, #tpu.memory_space<hbm>>) target(%dma_start3A_28 : memref<128xf32, #tpu.memory_space<vmem>>) offsets(%dma_start3A_31 : memref<128xi32, #tpu.memory_space<vmem>>) semaphore(%arg16 : memref<!tpu.dma_semaphore, #tpu.memory_space<semaphore_mem>>)
    %dma_start3A_34 = arith.constant 0 : i32
    %dma_start3A_35 = arith.constant 0 : i32
    %dma_start3A_36 = tpu.memref_slice %arg14[%dma_start3A_35] : memref<512xf32, #tpu.memory_space<vmem>> -> memref<128xf32, #tpu.memory_space<vmem>>
    %dma_start3A_37 = arith.constant 0 : i32
    %dma_start3A_38 = tpu.memref_slice %arg10[%dma_start3A_34, %dma_start3A_37] : memref<4x128xi32, #tpu.memory_space<vmem>> -> memref<1x128xi32, #tpu.memory_space<vmem>>
    %dma_start3A_39 = tpu.memref_squeeze %dma_start3A_38 : memref<1x128xi32, #tpu.memory_space<vmem>> -> memref<128xi32, #tpu.memory_space<vmem>>
    %dma_start3A_40 = arith.constant 0 : i32
    %dma_start3A_41 = tpu.memref_slice %arg7[%dma_start3A_40] : memref<1000000xf32, #tpu.memory_space<hbm>> -> memref<1000000xf32, #tpu.memory_space<hbm>>
    tpu.enqueue_indirect_dma source(%dma_start3A_41 : memref<1000000xf32, #tpu.memory_space<hbm>>) target(%dma_start3A_36 : memref<128xf32, #tpu.memory_space<vmem>>) offsets(%dma_start3A_39 : memref<128xi32, #tpu.memory_space<vmem>>) semaphore(%arg16 : memref<!tpu.dma_semaphore, #tpu.memory_space<semaphore_mem>>)
    %dma_start3A_42 = arith.constant 1 : i32
    %dma_start3A_43 = arith.constant 128 : i32
    %dma_start3A_44 = arith.constant 0 : i32
    %dma_start3A_45 = tpu.memref_slice %arg11[%dma_start3A_43, %dma_start3A_44] : memref<512x64xf32, #tpu.memory_space<vmem>> -> memref<128x64xf32, #tpu.memory_space<vmem>>
    %dma_start3A_46 = arith.constant 0 : i32
    %dma_start3A_47 = tpu.memref_slice %arg9[%dma_start3A_42, %dma_start3A_46] : memref<4x128xi32, #tpu.memory_space<vmem>> -> memref<1x128xi32, #tpu.memory_space<vmem>>
    %dma_start3A_48 = tpu.memref_squeeze %dma_start3A_47 : memref<1x128xi32, #tpu.memory_space<vmem>> -> memref<128xi32, #tpu.memory_space<vmem>>
    %dma_start3A_49 = arith.constant 0 : i32
    %dma_start3A_50 = arith.constant 0 : i32
    %dma_start3A_51 = tpu.memref_slice %arg4[%dma_start3A_49, %dma_start3A_50] : memref<1000000x64xf32, #tpu.memory_space<hbm>> -> memref<1000000x64xf32, #tpu.memory_space<hbm>>
    tpu.enqueue_indirect_dma source(%dma_start3A_51 : memref<1000000x64xf32, #tpu.memory_space<hbm>>) target(%dma_start3A_45 : memref<128x64xf32, #tpu.memory_space<vmem>>) offsets(%dma_start3A_48 : memref<128xi32, #tpu.memory_space<vmem>>) semaphore(%arg16 : memref<!tpu.dma_semaphore, #tpu.memory_space<semaphore_mem>>)
    %dma_start3A_52 = arith.constant 1 : i32
    %dma_start3A_53 = arith.constant 128 : i32
    %dma_start3A_54 = arith.constant 0 : i32
    %dma_start3A_55 = tpu.memref_slice %arg12[%dma_start3A_53, %dma_start3A_54] : memref<512x64xf32, #tpu.memory_space<vmem>> -> memref<128x64xf32, #tpu.memory_space<vmem>>
    %dma_start3A_56 = arith.constant 0 : i32
    %dma_start3A_57 = tpu.memref_slice %arg10[%dma_start3A_52, %dma_start3A_56] : memref<4x128xi32, #tpu.memory_space<vmem>> -> memref<1x128xi32, #tpu.memory_space<vmem>>
    %dma_start3A_58 = tpu.memref_squeeze %dma_start3A_57 : memref<1x128xi32, #tpu.memory_space<vmem>> -> memref<128xi32, #tpu.memory_space<vmem>>
    %dma_start3A_59 = arith.constant 0 : i32
    %dma_start3A_60 = arith.constant 0 : i32
    %dma_start3A_61 = tpu.memref_slice %arg5[%dma_start3A_59, %dma_start3A_60] : memref<1000000x64xf32, #tpu.memory_space<hbm>> -> memref<1000000x64xf32, #tpu.memory_space<hbm>>
    tpu.enqueue_indirect_dma source(%dma_start3A_61 : memref<1000000x64xf32, #tpu.memory_space<hbm>>) target(%dma_start3A_55 : memref<128x64xf32, #tpu.memory_space<vmem>>) offsets(%dma_start3A_58 : memref<128xi32, #tpu.memory_space<vmem>>) semaphore(%arg16 : memref<!tpu.dma_semaphore, #tpu.memory_space<semaphore_mem>>)
    %dma_start3A_62 = arith.constant 1 : i32
    %dma_start3A_63 = arith.constant 128 : i32
    %dma_start3A_64 = tpu.memref_slice %arg13[%dma_start3A_63] : memref<512xf32, #tpu.memory_space<vmem>> -> memref<128xf32, #tpu.memory_space<vmem>>
    %dma_start3A_65 = arith.constant 0 : i32
    %dma_start3A_66 = tpu.memref_slice %arg9[%dma_start3A_62, %dma_start3A_65] : memref<4x128xi32, #tpu.memory_space<vmem>> -> memref<1x128xi32, #tpu.memory_space<vmem>>
    %dma_start3A_67 = tpu.memref_squeeze %dma_start3A_66 : memref<1x128xi32, #tpu.memory_space<vmem>> -> memref<128xi32, #tpu.memory_space<vmem>>
    %dma_start3A_68 = arith.constant 0 : i32
    %dma_start3A_69 = tpu.memref_slice %arg6[%dma_start3A_68] : memref<1000000xf32, #tpu.memory_space<hbm>> -> memref<1000000xf32, #tpu.memory_space<hbm>>
    tpu.enqueue_indirect_dma source(%dma_start3A_69 : memref<1000000xf32, #tpu.memory_space<hbm>>) target(%dma_start3A_64 : memref<128xf32, #tpu.memory_space<vmem>>) offsets(%dma_start3A_67 : memref<128xi32, #tpu.memory_space<vmem>>) semaphore(%arg16 : memref<!tpu.dma_semaphore, #tpu.memory_space<semaphore_mem>>)
    %dma_start3A_70 = arith.constant 1 : i32
    %dma_start3A_71 = arith.constant 128 : i32
    %dma_start3A_72 = tpu.memref_slice %arg14[%dma_start3A_71] : memref<512xf32, #tpu.memory_space<vmem>> -> memref<128xf32, #tpu.memory_space<vmem>>
    %dma_start3A_73 = arith.constant 0 : i32
    %dma_start3A_74 = tpu.memref_slice %arg10[%dma_start3A_70, %dma_start3A_73] : memref<4x128xi32, #tpu.memory_space<vmem>> -> memref<1x128xi32, #tpu.memory_space<vmem>>
    %dma_start3A_75 = tpu.memref_squeeze %dma_start3A_74 : memref<1x128xi32, #tpu.memory_space<vmem>> -> memref<128xi32, #tpu.memory_space<vmem>>
    %dma_start3A_76 = arith.constant 0 : i32
    %dma_start3A_77 = tpu.memref_slice %arg7[%dma_start3A_76] : memref<1000000xf32, #tpu.memory_space<hbm>> -> memref<1000000xf32, #tpu.memory_space<hbm>>
    tpu.enqueue_indirect_dma source(%dma_start3A_77 : memref<1000000xf32, #tpu.memory_space<hbm>>) target(%dma_start3A_72 : memref<128xf32, #tpu.memory_space<vmem>>) offsets(%dma_start3A_75 : memref<128xi32, #tpu.memory_space<vmem>>) semaphore(%arg16 : memref<!tpu.dma_semaphore, #tpu.memory_space<semaphore_mem>>)
    %dma_start3A_78 = arith.constant 2 : i32
    %dma_start3A_79 = arith.constant 256 : i32
    %dma_start3A_80 = arith.constant 0 : i32
    %dma_start3A_81 = tpu.memref_slice %arg11[%dma_start3A_79, %dma_start3A_80] : memref<512x64xf32, #tpu.memory_space<vmem>> -> memref<128x64xf32, #tpu.memory_space<vmem>>
    %dma_start3A_82 = arith.constant 0 : i32
    %dma_start3A_83 = tpu.memref_slice %arg9[%dma_start3A_78, %dma_start3A_82] : memref<4x128xi32, #tpu.memory_space<vmem>> -> memref<1x128xi32, #tpu.memory_space<vmem>>
    %dma_start3A_84 = tpu.memref_squeeze %dma_start3A_83 : memref<1x128xi32, #tpu.memory_space<vmem>> -> memref<128xi32, #tpu.memory_space<vmem>>
    %dma_start3A_85 = arith.constant 0 : i32
    %dma_start3A_86 = arith.constant 0 : i32
    %dma_start3A_87 = tpu.memref_slice %arg4[%dma_start3A_85, %dma_start3A_86] : memref<1000000x64xf32, #tpu.memory_space<hbm>> -> memref<1000000x64xf32, #tpu.memory_space<hbm>>
    tpu.enqueue_indirect_dma source(%dma_start3A_87 : memref<1000000x64xf32, #tpu.memory_space<hbm>>) target(%dma_start3A_81 : memref<128x64xf32, #tpu.memory_space<vmem>>) offsets(%dma_start3A_84 : memref<128xi32, #tpu.memory_space<vmem>>) semaphore(%arg16 : memref<!tpu.dma_semaphore, #tpu.memory_space<semaphore_mem>>)
    %dma_start3A_88 = arith.constant 2 : i32
    %dma_start3A_89 = arith.constant 256 : i32
    %dma_start3A_90 = arith.constant 0 : i32
    %dma_start3A_91 = tpu.memref_slice %arg12[%dma_start3A_89, %dma_start3A_90] : memref<512x64xf32, #tpu.memory_space<vmem>> -> memref<128x64xf32, #tpu.memory_space<vmem>>
    %dma_start3A_92 = arith.constant 0 : i32
    %dma_start3A_93 = tpu.memref_slice %arg10[%dma_start3A_88, %dma_start3A_92] : memref<4x128xi32, #tpu.memory_space<vmem>> -> memref<1x128xi32, #tpu.memory_space<vmem>>
    %dma_start3A_94 = tpu.memref_squeeze %dma_start3A_93 : memref<1x128xi32, #tpu.memory_space<vmem>> -> memref<128xi32, #tpu.memory_space<vmem>>
    %dma_start3A_95 = arith.constant 0 : i32
    %dma_start3A_96 = arith.constant 0 : i32
    %dma_start3A_97 = tpu.memref_slice %arg5[%dma_start3A_95, %dma_start3A_96] : memref<1000000x64xf32, #tpu.memory_space<hbm>> -> memref<1000000x64xf32, #tpu.memory_space<hbm>>
    tpu.enqueue_indirect_dma source(%dma_start3A_97 : memref<1000000x64xf32, #tpu.memory_space<hbm>>) target(%dma_start3A_91 : memref<128x64xf32, #tpu.memory_space<vmem>>) offsets(%dma_start3A_94 : memref<128xi32, #tpu.memory_space<vmem>>) semaphore(%arg16 : memref<!tpu.dma_semaphore, #tpu.memory_space<semaphore_mem>>)
    %dma_start3A_98 = arith.constant 2 : i32
    %dma_start3A_99 = arith.constant 256 : i32
    %dma_start3A_100 = tpu.memref_slice %arg13[%dma_start3A_99] : memref<512xf32, #tpu.memory_space<vmem>> -> memref<128xf32, #tpu.memory_space<vmem>>
    %dma_start3A_101 = arith.constant 0 : i32
    %dma_start3A_102 = tpu.memref_slice %arg9[%dma_start3A_98, %dma_start3A_101] : memref<4x128xi32, #tpu.memory_space<vmem>> -> memref<1x128xi32, #tpu.memory_space<vmem>>
    %dma_start3A_103 = tpu.memref_squeeze %dma_start3A_102 : memref<1x128xi32, #tpu.memory_space<vmem>> -> memref<128xi32, #tpu.memory_space<vmem>>
    %dma_start3A_104 = arith.constant 0 : i32
    %dma_start3A_105 = tpu.memref_slice %arg6[%dma_start3A_104] : memref<1000000xf32, #tpu.memory_space<hbm>> -> memref<1000000xf32, #tpu.memory_space<hbm>>
    tpu.enqueue_indirect_dma source(%dma_start3A_105 : memref<1000000xf32, #tpu.memory_space<hbm>>) target(%dma_start3A_100 : memref<128xf32, #tpu.memory_space<vmem>>) offsets(%dma_start3A_103 : memref<128xi32, #tpu.memory_space<vmem>>) semaphore(%arg16 : memref<!tpu.dma_semaphore, #tpu.memory_space<semaphore_mem>>)
    %dma_start3A_106 = arith.constant 2 : i32
    %dma_start3A_107 = arith.constant 256 : i32
    %dma_start3A_108 = tpu.memref_slice %arg14[%dma_start3A_107] : memref<512xf32, #tpu.memory_space<vmem>> -> memref<128xf32, #tpu.memory_space<vmem>>
    %dma_start3A_109 = arith.constant 0 : i32
    %dma_start3A_110 = tpu.memref_slice %arg10[%dma_start3A_106, %dma_start3A_109] : memref<4x128xi32, #tpu.memory_space<vmem>> -> memref<1x128xi32, #tpu.memory_space<vmem>>
    %dma_start3A_111 = tpu.memref_squeeze %dma_start3A_110 : memref<1x128xi32, #tpu.memory_space<vmem>> -> memref<128xi32, #tpu.memory_space<vmem>>
    %dma_start3A_112 = arith.constant 0 : i32
    %dma_start3A_113 = tpu.memref_slice %arg7[%dma_start3A_112] : memref<1000000xf32, #tpu.memory_space<hbm>> -> memref<1000000xf32, #tpu.memory_space<hbm>>
    tpu.enqueue_indirect_dma source(%dma_start3A_113 : memref<1000000xf32, #tpu.memory_space<hbm>>) target(%dma_start3A_108 : memref<128xf32, #tpu.memory_space<vmem>>) offsets(%dma_start3A_111 : memref<128xi32, #tpu.memory_space<vmem>>) semaphore(%arg16 : memref<!tpu.dma_semaphore, #tpu.memory_space<semaphore_mem>>)
    %dma_start3A_114 = arith.constant 3 : i32
    %dma_start3A_115 = arith.constant 384 : i32
    %dma_start3A_116 = arith.constant 0 : i32
    %dma_start3A_117 = tpu.memref_slice %arg11[%dma_start3A_115, %dma_start3A_116] : memref<512x64xf32, #tpu.memory_space<vmem>> -> memref<128x64xf32, #tpu.memory_space<vmem>>
    %dma_start3A_118 = arith.constant 0 : i32
    %dma_start3A_119 = tpu.memref_slice %arg9[%dma_start3A_114, %dma_start3A_118] : memref<4x128xi32, #tpu.memory_space<vmem>> -> memref<1x128xi32, #tpu.memory_space<vmem>>
    %dma_start3A_120 = tpu.memref_squeeze %dma_start3A_119 : memref<1x128xi32, #tpu.memory_space<vmem>> -> memref<128xi32, #tpu.memory_space<vmem>>
    %dma_start3A_121 = arith.constant 0 : i32
    %dma_start3A_122 = arith.constant 0 : i32
    %dma_start3A_123 = tpu.memref_slice %arg4[%dma_start3A_121, %dma_start3A_122] : memref<1000000x64xf32, #tpu.memory_space<hbm>> -> memref<1000000x64xf32, #tpu.memory_space<hbm>>
    tpu.enqueue_indirect_dma source(%dma_start3A_123 : memref<1000000x64xf32, #tpu.memory_space<hbm>>) target(%dma_start3A_117 : memref<128x64xf32, #tpu.memory_space<vmem>>) offsets(%dma_start3A_120 : memref<128xi32, #tpu.memory_space<vmem>>) semaphore(%arg16 : memref<!tpu.dma_semaphore, #tpu.memory_space<semaphore_mem>>)
    %dma_start3A_124 = arith.constant 3 : i32
    %dma_start3A_125 = arith.constant 384 : i32
    %dma_start3A_126 = arith.constant 0 : i32
    %dma_start3A_127 = tpu.memref_slice %arg12[%dma_start3A_125, %dma_start3A_126] : memref<512x64xf32, #tpu.memory_space<vmem>> -> memref<128x64xf32, #tpu.memory_space<vmem>>
    %dma_start3A_128 = arith.constant 0 : i32
    %dma_start3A_129 = tpu.memref_slice %arg10[%dma_start3A_124, %dma_start3A_128] : memref<4x128xi32, #tpu.memory_space<vmem>> -> memref<1x128xi32, #tpu.memory_space<vmem>>
    %dma_start3A_130 = tpu.memref_squeeze %dma_start3A_129 : memref<1x128xi32, #tpu.memory_space<vmem>> -> memref<128xi32, #tpu.memory_space<vmem>>
    %dma_start3A_131 = arith.constant 0 : i32
    %dma_start3A_132 = arith.constant 0 : i32
    %dma_start3A_133 = tpu.memref_slice %arg5[%dma_start3A_131, %dma_start3A_132] : memref<1000000x64xf32, #tpu.memory_space<hbm>> -> memref<1000000x64xf32, #tpu.memory_space<hbm>>
    tpu.enqueue_indirect_dma source(%dma_start3A_133 : memref<1000000x64xf32, #tpu.memory_space<hbm>>) target(%dma_start3A_127 : memref<128x64xf32, #tpu.memory_space<vmem>>) offsets(%dma_start3A_130 : memref<128xi32, #tpu.memory_space<vmem>>) semaphore(%arg16 : memref<!tpu.dma_semaphore, #tpu.memory_space<semaphore_mem>>)
    %dma_start3A_134 = arith.constant 3 : i32
    %dma_start3A_135 = arith.constant 384 : i32
    %dma_start3A_136 = tpu.memref_slice %arg13[%dma_start3A_135] : memref<512xf32, #tpu.memory_space<vmem>> -> memref<128xf32, #tpu.memory_space<vmem>>
    %dma_start3A_137 = arith.constant 0 : i32
    %dma_start3A_138 = tpu.memref_slice %arg9[%dma_start3A_134, %dma_start3A_137] : memref<4x128xi32, #tpu.memory_space<vmem>> -> memref<1x128xi32, #tpu.memory_space<vmem>>
    %dma_start3A_139 = tpu.memref_squeeze %dma_start3A_138 : memref<1x128xi32, #tpu.memory_space<vmem>> -> memref<128xi32, #tpu.memory_space<vmem>>
    %dma_start3A_140 = arith.constant 0 : i32
    %dma_start3A_141 = tpu.memref_slice %arg6[%dma_start3A_140] : memref<1000000xf32, #tpu.memory_space<hbm>> -> memref<1000000xf32, #tpu.memory_space<hbm>>
    tpu.enqueue_indirect_dma source(%dma_start3A_141 : memref<1000000xf32, #tpu.memory_space<hbm>>) target(%dma_start3A_136 : memref<128xf32, #tpu.memory_space<vmem>>) offsets(%dma_start3A_139 : memref<128xi32, #tpu.memory_space<vmem>>) semaphore(%arg16 : memref<!tpu.dma_semaphore, #tpu.memory_space<semaphore_mem>>)
    %dma_start3A_142 = arith.constant 3 : i32
    %dma_start3A_143 = arith.constant 384 : i32
    %dma_start3A_144 = tpu.memref_slice %arg14[%dma_start3A_143] : memref<512xf32, #tpu.memory_space<vmem>> -> memref<128xf32, #tpu.memory_space<vmem>>
    %dma_start3A_145 = arith.constant 0 : i32
    %dma_start3A_146 = tpu.memref_slice %arg10[%dma_start3A_142, %dma_start3A_145] : memref<4x128xi32, #tpu.memory_space<vmem>> -> memref<1x128xi32, #tpu.memory_space<vmem>>
    %dma_start3A_147 = tpu.memref_squeeze %dma_start3A_146 : memref<1x128xi32, #tpu.memory_space<vmem>> -> memref<128xi32, #tpu.memory_space<vmem>>
    %dma_start3A_148 = arith.constant 0 : i32
    %dma_start3A_149 = tpu.memref_slice %arg7[%dma_start3A_148] : memref<1000000xf32, #tpu.memory_space<hbm>> -> memref<1000000xf32, #tpu.memory_space<hbm>>
    tpu.enqueue_indirect_dma source(%dma_start3A_149 : memref<1000000xf32, #tpu.memory_space<hbm>>) target(%dma_start3A_144 : memref<128xf32, #tpu.memory_space<vmem>>) offsets(%dma_start3A_147 : memref<128xi32, #tpu.memory_space<vmem>>) semaphore(%arg16 : memref<!tpu.dma_semaphore, #tpu.memory_space<semaphore_mem>>)
    %dma_wait3A = arith.constant 0 : i32
    %dma_wait3A_150 = arith.constant 0 : i32
    %dma_wait3A_151 = arith.constant 0 : i32
    %dma_wait3A_152 = tpu.memref_slice %arg11[%dma_wait3A_150, %dma_wait3A_151] : memref<512x64xf32, #tpu.memory_space<vmem>> -> memref<128x64xf32, #tpu.memory_space<vmem>>
    %dma_wait3A_153 = arith.constant 0 : i32
    %dma_wait3A_154 = tpu.memref_slice %arg9[%dma_wait3A, %dma_wait3A_153] : memref<4x128xi32, #tpu.memory_space<vmem>> -> memref<1x128xi32, #tpu.memory_space<vmem>>
    %dma_wait3A_155 = tpu.memref_squeeze %dma_wait3A_154 : memref<1x128xi32, #tpu.memory_space<vmem>> -> memref<128xi32, #tpu.memory_space<vmem>>
    %dma_wait3A_156 = arith.constant 0 : i32
    %dma_wait3A_157 = arith.constant 0 : i32
    %dma_wait3A_158 = tpu.memref_slice %arg4[%dma_wait3A_156, %dma_wait3A_157] : memref<1000000x64xf32, #tpu.memory_space<hbm>> -> memref<1000000x64xf32, #tpu.memory_space<hbm>>
    tpu.wait_indirect_dma semaphore(%arg16 : memref<!tpu.dma_semaphore, #tpu.memory_space<semaphore_mem>>) src(%dma_wait3A_158 : memref<1000000x64xf32, #tpu.memory_space<hbm>>) dst(%dma_wait3A_152 : memref<128x64xf32, #tpu.memory_space<vmem>>)
    %dma_wait3A_159 = arith.constant 0 : i32
    %dma_wait3A_160 = arith.constant 0 : i32
    %dma_wait3A_161 = arith.constant 0 : i32
    %dma_wait3A_162 = tpu.memref_slice %arg12[%dma_wait3A_160, %dma_wait3A_161] : memref<512x64xf32, #tpu.memory_space<vmem>> -> memref<128x64xf32, #tpu.memory_space<vmem>>
    %dma_wait3A_163 = arith.constant 0 : i32
    %dma_wait3A_164 = tpu.memref_slice %arg10[%dma_wait3A_159, %dma_wait3A_163] : memref<4x128xi32, #tpu.memory_space<vmem>> -> memref<1x128xi32, #tpu.memory_space<vmem>>
    %dma_wait3A_165 = tpu.memref_squeeze %dma_wait3A_164 : memref<1x128xi32, #tpu.memory_space<vmem>> -> memref<128xi32, #tpu.memory_space<vmem>>
    %dma_wait3A_166 = arith.constant 0 : i32
    %dma_wait3A_167 = arith.constant 0 : i32
    %dma_wait3A_168 = tpu.memref_slice %arg5[%dma_wait3A_166, %dma_wait3A_167] : memref<1000000x64xf32, #tpu.memory_space<hbm>> -> memref<1000000x64xf32, #tpu.memory_space<hbm>>
    tpu.wait_indirect_dma semaphore(%arg16 : memref<!tpu.dma_semaphore, #tpu.memory_space<semaphore_mem>>) src(%dma_wait3A_168 : memref<1000000x64xf32, #tpu.memory_space<hbm>>) dst(%dma_wait3A_162 : memref<128x64xf32, #tpu.memory_space<vmem>>)
    %dma_wait3A_169 = arith.constant 0 : i32
    %dma_wait3A_170 = arith.constant 0 : i32
    %dma_wait3A_171 = tpu.memref_slice %arg13[%dma_wait3A_170] : memref<512xf32, #tpu.memory_space<vmem>> -> memref<128xf32, #tpu.memory_space<vmem>>
    %dma_wait3A_172 = arith.constant 0 : i32
    %dma_wait3A_173 = tpu.memref_slice %arg9[%dma_wait3A_169, %dma_wait3A_172] : memref<4x128xi32, #tpu.memory_space<vmem>> -> memref<1x128xi32, #tpu.memory_space<vmem>>
    %dma_wait3A_174 = tpu.memref_squeeze %dma_wait3A_173 : memref<1x128xi32, #tpu.memory_space<vmem>> -> memref<128xi32, #tpu.memory_space<vmem>>
    %dma_wait3A_175 = arith.constant 0 : i32
    %dma_wait3A_176 = tpu.memref_slice %arg6[%dma_wait3A_175] : memref<1000000xf32, #tpu.memory_space<hbm>> -> memref<1000000xf32, #tpu.memory_space<hbm>>
    tpu.wait_indirect_dma semaphore(%arg16 : memref<!tpu.dma_semaphore, #tpu.memory_space<semaphore_mem>>) src(%dma_wait3A_176 : memref<1000000xf32, #tpu.memory_space<hbm>>) dst(%dma_wait3A_171 : memref<128xf32, #tpu.memory_space<vmem>>)
    %dma_wait3A_177 = arith.constant 0 : i32
    %dma_wait3A_178 = arith.constant 0 : i32
    %dma_wait3A_179 = tpu.memref_slice %arg14[%dma_wait3A_178] : memref<512xf32, #tpu.memory_space<vmem>> -> memref<128xf32, #tpu.memory_space<vmem>>
    %dma_wait3A_180 = arith.constant 0 : i32
    %dma_wait3A_181 = tpu.memref_slice %arg10[%dma_wait3A_177, %dma_wait3A_180] : memref<4x128xi32, #tpu.memory_space<vmem>> -> memref<1x128xi32, #tpu.memory_space<vmem>>
    %dma_wait3A_182 = tpu.memref_squeeze %dma_wait3A_181 : memref<1x128xi32, #tpu.memory_space<vmem>> -> memref<128xi32, #tpu.memory_space<vmem>>
    %dma_wait3A_183 = arith.constant 0 : i32
    %dma_wait3A_184 = tpu.memref_slice %arg7[%dma_wait3A_183] : memref<1000000xf32, #tpu.memory_space<hbm>> -> memref<1000000xf32, #tpu.memory_space<hbm>>
    tpu.wait_indirect_dma semaphore(%arg16 : memref<!tpu.dma_semaphore, #tpu.memory_space<semaphore_mem>>) src(%dma_wait3A_184 : memref<1000000xf32, #tpu.memory_space<hbm>>) dst(%dma_wait3A_179 : memref<128xf32, #tpu.memory_space<vmem>>)
    %dma_wait3A_185 = arith.constant 1 : i32
    %dma_wait3A_186 = arith.constant 128 : i32
    %dma_wait3A_187 = arith.constant 0 : i32
    %dma_wait3A_188 = tpu.memref_slice %arg11[%dma_wait3A_186, %dma_wait3A_187] : memref<512x64xf32, #tpu.memory_space<vmem>> -> memref<128x64xf32, #tpu.memory_space<vmem>>
    %dma_wait3A_189 = arith.constant 0 : i32
    %dma_wait3A_190 = tpu.memref_slice %arg9[%dma_wait3A_185, %dma_wait3A_189] : memref<4x128xi32, #tpu.memory_space<vmem>> -> memref<1x128xi32, #tpu.memory_space<vmem>>
    %dma_wait3A_191 = tpu.memref_squeeze %dma_wait3A_190 : memref<1x128xi32, #tpu.memory_space<vmem>> -> memref<128xi32, #tpu.memory_space<vmem>>
    %dma_wait3A_192 = arith.constant 0 : i32
    %dma_wait3A_193 = arith.constant 0 : i32
    %dma_wait3A_194 = tpu.memref_slice %arg4[%dma_wait3A_192, %dma_wait3A_193] : memref<1000000x64xf32, #tpu.memory_space<hbm>> -> memref<1000000x64xf32, #tpu.memory_space<hbm>>
    tpu.wait_indirect_dma semaphore(%arg16 : memref<!tpu.dma_semaphore, #tpu.memory_space<semaphore_mem>>) src(%dma_wait3A_194 : memref<1000000x64xf32, #tpu.memory_space<hbm>>) dst(%dma_wait3A_188 : memref<128x64xf32, #tpu.memory_space<vmem>>)
    %dma_wait3A_195 = arith.constant 1 : i32
    %dma_wait3A_196 = arith.constant 128 : i32
    %dma_wait3A_197 = arith.constant 0 : i32
    %dma_wait3A_198 = tpu.memref_slice %arg12[%dma_wait3A_196, %dma_wait3A_197] : memref<512x64xf32, #tpu.memory_space<vmem>> -> memref<128x64xf32, #tpu.memory_space<vmem>>
    %dma_wait3A_199 = arith.constant 0 : i32
    %dma_wait3A_200 = tpu.memref_slice %arg10[%dma_wait3A_195, %dma_wait3A_199] : memref<4x128xi32, #tpu.memory_space<vmem>> -> memref<1x128xi32, #tpu.memory_space<vmem>>
    %dma_wait3A_201 = tpu.memref_squeeze %dma_wait3A_200 : memref<1x128xi32, #tpu.memory_space<vmem>> -> memref<128xi32, #tpu.memory_space<vmem>>
    %dma_wait3A_202 = arith.constant 0 : i32
    %dma_wait3A_203 = arith.constant 0 : i32
    %dma_wait3A_204 = tpu.memref_slice %arg5[%dma_wait3A_202, %dma_wait3A_203] : memref<1000000x64xf32, #tpu.memory_space<hbm>> -> memref<1000000x64xf32, #tpu.memory_space<hbm>>
    tpu.wait_indirect_dma semaphore(%arg16 : memref<!tpu.dma_semaphore, #tpu.memory_space<semaphore_mem>>) src(%dma_wait3A_204 : memref<1000000x64xf32, #tpu.memory_space<hbm>>) dst(%dma_wait3A_198 : memref<128x64xf32, #tpu.memory_space<vmem>>)
    %dma_wait3A_205 = arith.constant 1 : i32
    %dma_wait3A_206 = arith.constant 128 : i32
    %dma_wait3A_207 = tpu.memref_slice %arg13[%dma_wait3A_206] : memref<512xf32, #tpu.memory_space<vmem>> -> memref<128xf32, #tpu.memory_space<vmem>>
    %dma_wait3A_208 = arith.constant 0 : i32
    %dma_wait3A_209 = tpu.memref_slice %arg9[%dma_wait3A_205, %dma_wait3A_208] : memref<4x128xi32, #tpu.memory_space<vmem>> -> memref<1x128xi32, #tpu.memory_space<vmem>>
    %dma_wait3A_210 = tpu.memref_squeeze %dma_wait3A_209 : memref<1x128xi32, #tpu.memory_space<vmem>> -> memref<128xi32, #tpu.memory_space<vmem>>
    %dma_wait3A_211 = arith.constant 0 : i32
    %dma_wait3A_212 = tpu.memref_slice %arg6[%dma_wait3A_211] : memref<1000000xf32, #tpu.memory_space<hbm>> -> memref<1000000xf32, #tpu.memory_space<hbm>>
    tpu.wait_indirect_dma semaphore(%arg16 : memref<!tpu.dma_semaphore, #tpu.memory_space<semaphore_mem>>) src(%dma_wait3A_212 : memref<1000000xf32, #tpu.memory_space<hbm>>) dst(%dma_wait3A_207 : memref<128xf32, #tpu.memory_space<vmem>>)
    %dma_wait3A_213 = arith.constant 1 : i32
    %dma_wait3A_214 = arith.constant 128 : i32
    %dma_wait3A_215 = tpu.memref_slice %arg14[%dma_wait3A_214] : memref<512xf32, #tpu.memory_space<vmem>> -> memref<128xf32, #tpu.memory_space<vmem>>
    %dma_wait3A_216 = arith.constant 0 : i32
    %dma_wait3A_217 = tpu.memref_slice %arg10[%dma_wait3A_213, %dma_wait3A_216] : memref<4x128xi32, #tpu.memory_space<vmem>> -> memref<1x128xi32, #tpu.memory_space<vmem>>
    %dma_wait3A_218 = tpu.memref_squeeze %dma_wait3A_217 : memref<1x128xi32, #tpu.memory_space<vmem>> -> memref<128xi32, #tpu.memory_space<vmem>>
    %dma_wait3A_219 = arith.constant 0 : i32
    %dma_wait3A_220 = tpu.memref_slice %arg7[%dma_wait3A_219] : memref<1000000xf32, #tpu.memory_space<hbm>> -> memref<1000000xf32, #tpu.memory_space<hbm>>
    tpu.wait_indirect_dma semaphore(%arg16 : memref<!tpu.dma_semaphore, #tpu.memory_space<semaphore_mem>>) src(%dma_wait3A_220 : memref<1000000xf32, #tpu.memory_space<hbm>>) dst(%dma_wait3A_215 : memref<128xf32, #tpu.memory_space<vmem>>)
    %dma_wait3A_221 = arith.constant 2 : i32
    %dma_wait3A_222 = arith.constant 256 : i32
    %dma_wait3A_223 = arith.constant 0 : i32
    %dma_wait3A_224 = tpu.memref_slice %arg11[%dma_wait3A_222, %dma_wait3A_223] : memref<512x64xf32, #tpu.memory_space<vmem>> -> memref<128x64xf32, #tpu.memory_space<vmem>>
    %dma_wait3A_225 = arith.constant 0 : i32
    %dma_wait3A_226 = tpu.memref_slice %arg9[%dma_wait3A_221, %dma_wait3A_225] : memref<4x128xi32, #tpu.memory_space<vmem>> -> memref<1x128xi32, #tpu.memory_space<vmem>>
    %dma_wait3A_227 = tpu.memref_squeeze %dma_wait3A_226 : memref<1x128xi32, #tpu.memory_space<vmem>> -> memref<128xi32, #tpu.memory_space<vmem>>
    %dma_wait3A_228 = arith.constant 0 : i32
    %dma_wait3A_229 = arith.constant 0 : i32
    %dma_wait3A_230 = tpu.memref_slice %arg4[%dma_wait3A_228, %dma_wait3A_229] : memref<1000000x64xf32, #tpu.memory_space<hbm>> -> memref<1000000x64xf32, #tpu.memory_space<hbm>>
    tpu.wait_indirect_dma semaphore(%arg16 : memref<!tpu.dma_semaphore, #tpu.memory_space<semaphore_mem>>) src(%dma_wait3A_230 : memref<1000000x64xf32, #tpu.memory_space<hbm>>) dst(%dma_wait3A_224 : memref<128x64xf32, #tpu.memory_space<vmem>>)
    %dma_wait3A_231 = arith.constant 2 : i32
    %dma_wait3A_232 = arith.constant 256 : i32
    %dma_wait3A_233 = arith.constant 0 : i32
    %dma_wait3A_234 = tpu.memref_slice %arg12[%dma_wait3A_232, %dma_wait3A_233] : memref<512x64xf32, #tpu.memory_space<vmem>> -> memref<128x64xf32, #tpu.memory_space<vmem>>
    %dma_wait3A_235 = arith.constant 0 : i32
    %dma_wait3A_236 = tpu.memref_slice %arg10[%dma_wait3A_231, %dma_wait3A_235] : memref<4x128xi32, #tpu.memory_space<vmem>> -> memref<1x128xi32, #tpu.memory_space<vmem>>
    %dma_wait3A_237 = tpu.memref_squeeze %dma_wait3A_236 : memref<1x128xi32, #tpu.memory_space<vmem>> -> memref<128xi32, #tpu.memory_space<vmem>>
    %dma_wait3A_238 = arith.constant 0 : i32
    %dma_wait3A_239 = arith.constant 0 : i32
    %dma_wait3A_240 = tpu.memref_slice %arg5[%dma_wait3A_238, %dma_wait3A_239] : memref<1000000x64xf32, #tpu.memory_space<hbm>> -> memref<1000000x64xf32, #tpu.memory_space<hbm>>
    tpu.wait_indirect_dma semaphore(%arg16 : memref<!tpu.dma_semaphore, #tpu.memory_space<semaphore_mem>>) src(%dma_wait3A_240 : memref<1000000x64xf32, #tpu.memory_space<hbm>>) dst(%dma_wait3A_234 : memref<128x64xf32, #tpu.memory_space<vmem>>)
    %dma_wait3A_241 = arith.constant 2 : i32
    %dma_wait3A_242 = arith.constant 256 : i32
    %dma_wait3A_243 = tpu.memref_slice %arg13[%dma_wait3A_242] : memref<512xf32, #tpu.memory_space<vmem>> -> memref<128xf32, #tpu.memory_space<vmem>>
    %dma_wait3A_244 = arith.constant 0 : i32
    %dma_wait3A_245 = tpu.memref_slice %arg9[%dma_wait3A_241, %dma_wait3A_244] : memref<4x128xi32, #tpu.memory_space<vmem>> -> memref<1x128xi32, #tpu.memory_space<vmem>>
    %dma_wait3A_246 = tpu.memref_squeeze %dma_wait3A_245 : memref<1x128xi32, #tpu.memory_space<vmem>> -> memref<128xi32, #tpu.memory_space<vmem>>
    %dma_wait3A_247 = arith.constant 0 : i32
    %dma_wait3A_248 = tpu.memref_slice %arg6[%dma_wait3A_247] : memref<1000000xf32, #tpu.memory_space<hbm>> -> memref<1000000xf32, #tpu.memory_space<hbm>>
    tpu.wait_indirect_dma semaphore(%arg16 : memref<!tpu.dma_semaphore, #tpu.memory_space<semaphore_mem>>) src(%dma_wait3A_248 : memref<1000000xf32, #tpu.memory_space<hbm>>) dst(%dma_wait3A_243 : memref<128xf32, #tpu.memory_space<vmem>>)
    %dma_wait3A_249 = arith.constant 2 : i32
    %dma_wait3A_250 = arith.constant 256 : i32
    %dma_wait3A_251 = tpu.memref_slice %arg14[%dma_wait3A_250] : memref<512xf32, #tpu.memory_space<vmem>> -> memref<128xf32, #tpu.memory_space<vmem>>
    %dma_wait3A_252 = arith.constant 0 : i32
    %dma_wait3A_253 = tpu.memref_slice %arg10[%dma_wait3A_249, %dma_wait3A_252] : memref<4x128xi32, #tpu.memory_space<vmem>> -> memref<1x128xi32, #tpu.memory_space<vmem>>
    %dma_wait3A_254 = tpu.memref_squeeze %dma_wait3A_253 : memref<1x128xi32, #tpu.memory_space<vmem>> -> memref<128xi32, #tpu.memory_space<vmem>>
    %dma_wait3A_255 = arith.constant 0 : i32
    %dma_wait3A_256 = tpu.memref_slice %arg7[%dma_wait3A_255] : memref<1000000xf32, #tpu.memory_space<hbm>> -> memref<1000000xf32, #tpu.memory_space<hbm>>
    tpu.wait_indirect_dma semaphore(%arg16 : memref<!tpu.dma_semaphore, #tpu.memory_space<semaphore_mem>>) src(%dma_wait3A_256 : memref<1000000xf32, #tpu.memory_space<hbm>>) dst(%dma_wait3A_251 : memref<128xf32, #tpu.memory_space<vmem>>)
    %dma_wait3A_257 = arith.constant 3 : i32
    %dma_wait3A_258 = arith.constant 384 : i32
    %dma_wait3A_259 = arith.constant 0 : i32
    %dma_wait3A_260 = tpu.memref_slice %arg11[%dma_wait3A_258, %dma_wait3A_259] : memref<512x64xf32, #tpu.memory_space<vmem>> -> memref<128x64xf32, #tpu.memory_space<vmem>>
    %dma_wait3A_261 = arith.constant 0 : i32
    %dma_wait3A_262 = tpu.memref_slice %arg9[%dma_wait3A_257, %dma_wait3A_261] : memref<4x128xi32, #tpu.memory_space<vmem>> -> memref<1x128xi32, #tpu.memory_space<vmem>>
    %dma_wait3A_263 = tpu.memref_squeeze %dma_wait3A_262 : memref<1x128xi32, #tpu.memory_space<vmem>> -> memref<128xi32, #tpu.memory_space<vmem>>
    %dma_wait3A_264 = arith.constant 0 : i32
    %dma_wait3A_265 = arith.constant 0 : i32
    %dma_wait3A_266 = tpu.memref_slice %arg4[%dma_wait3A_264, %dma_wait3A_265] : memref<1000000x64xf32, #tpu.memory_space<hbm>> -> memref<1000000x64xf32, #tpu.memory_space<hbm>>
    tpu.wait_indirect_dma semaphore(%arg16 : memref<!tpu.dma_semaphore, #tpu.memory_space<semaphore_mem>>) src(%dma_wait3A_266 : memref<1000000x64xf32, #tpu.memory_space<hbm>>) dst(%dma_wait3A_260 : memref<128x64xf32, #tpu.memory_space<vmem>>)
    %dma_wait3A_267 = arith.constant 3 : i32
    %dma_wait3A_268 = arith.constant 384 : i32
    %dma_wait3A_269 = arith.constant 0 : i32
    %dma_wait3A_270 = tpu.memref_slice %arg12[%dma_wait3A_268, %dma_wait3A_269] : memref<512x64xf32, #tpu.memory_space<vmem>> -> memref<128x64xf32, #tpu.memory_space<vmem>>
    %dma_wait3A_271 = arith.constant 0 : i32
    %dma_wait3A_272 = tpu.memref_slice %arg10[%dma_wait3A_267, %dma_wait3A_271] : memref<4x128xi32, #tpu.memory_space<vmem>> -> memref<1x128xi32, #tpu.memory_space<vmem>>
    %dma_wait3A_273 = tpu.memref_squeeze %dma_wait3A_272 : memref<1x128xi32, #tpu.memory_space<vmem>> -> memref<128xi32, #tpu.memory_space<vmem>>
    %dma_wait3A_274 = arith.constant 0 : i32
    %dma_wait3A_275 = arith.constant 0 : i32
    %dma_wait3A_276 = tpu.memref_slice %arg5[%dma_wait3A_274, %dma_wait3A_275] : memref<1000000x64xf32, #tpu.memory_space<hbm>> -> memref<1000000x64xf32, #tpu.memory_space<hbm>>
    tpu.wait_indirect_dma semaphore(%arg16 : memref<!tpu.dma_semaphore, #tpu.memory_space<semaphore_mem>>) src(%dma_wait3A_276 : memref<1000000x64xf32, #tpu.memory_space<hbm>>) dst(%dma_wait3A_270 : memref<128x64xf32, #tpu.memory_space<vmem>>)
    %dma_wait3A_277 = arith.constant 3 : i32
    %dma_wait3A_278 = arith.constant 384 : i32
    %dma_wait3A_279 = tpu.memref_slice %arg13[%dma_wait3A_278] : memref<512xf32, #tpu.memory_space<vmem>> -> memref<128xf32, #tpu.memory_space<vmem>>
    %dma_wait3A_280 = arith.constant 0 : i32
    %dma_wait3A_281 = tpu.memref_slice %arg9[%dma_wait3A_277, %dma_wait3A_280] : memref<4x128xi32, #tpu.memory_space<vmem>> -> memref<1x128xi32, #tpu.memory_space<vmem>>
    %dma_wait3A_282 = tpu.memref_squeeze %dma_wait3A_281 : memref<1x128xi32, #tpu.memory_space<vmem>> -> memref<128xi32, #tpu.memory_space<vmem>>
    %dma_wait3A_283 = arith.constant 0 : i32
    %dma_wait3A_284 = tpu.memref_slice %arg6[%dma_wait3A_283] : memref<1000000xf32, #tpu.memory_space<hbm>> -> memref<1000000xf32, #tpu.memory_space<hbm>>
    tpu.wait_indirect_dma semaphore(%arg16 : memref<!tpu.dma_semaphore, #tpu.memory_space<semaphore_mem>>) src(%dma_wait3A_284 : memref<1000000xf32, #tpu.memory_space<hbm>>) dst(%dma_wait3A_279 : memref<128xf32, #tpu.memory_space<vmem>>)
    %dma_wait3A_285 = arith.constant 3 : i32
    %dma_wait3A_286 = arith.constant 384 : i32
    %dma_wait3A_287 = tpu.memref_slice %arg14[%dma_wait3A_286] : memref<512xf32, #tpu.memory_space<vmem>> -> memref<128xf32, #tpu.memory_space<vmem>>
    %dma_wait3A_288 = arith.constant 0 : i32
    %dma_wait3A_289 = tpu.memref_slice %arg10[%dma_wait3A_285, %dma_wait3A_288] : memref<4x128xi32, #tpu.memory_space<vmem>> -> memref<1x128xi32, #tpu.memory_space<vmem>>
    %dma_wait3A_290 = tpu.memref_squeeze %dma_wait3A_289 : memref<1x128xi32, #tpu.memory_space<vmem>> -> memref<128xi32, #tpu.memory_space<vmem>>
    %dma_wait3A_291 = arith.constant 0 : i32
    %dma_wait3A_292 = tpu.memref_slice %arg7[%dma_wait3A_291] : memref<1000000xf32, #tpu.memory_space<hbm>> -> memref<1000000xf32, #tpu.memory_space<hbm>>
    tpu.wait_indirect_dma semaphore(%arg16 : memref<!tpu.dma_semaphore, #tpu.memory_space<semaphore_mem>>) src(%dma_wait3A_292 : memref<1000000xf32, #tpu.memory_space<hbm>>) dst(%dma_wait3A_287 : memref<128xf32, #tpu.memory_space<vmem>>)
    %iota3A = tpu.iota {dimensions = array<i32: 0>} : vector<16xi32>
    %add3A_293 = arith.constant 8 : i32
    %add3A_294 = vector.broadcast %add3A_293 : i32 to vector<16xi32>
    %add3A_295 = arith.addi %iota3A, %add3A_294 : vector<16xi32>
    %and3A = arith.constant 15 : i32
    %and3A_296 = vector.broadcast %and3A : i32 to vector<16xi32>
    %and3A_297 = arith.andi %add3A_295, %and3A_296 : vector<16xi32>
    %add3A_298 = arith.constant 4 : i32
    %add3A_299 = vector.broadcast %add3A_298 : i32 to vector<16xi32>
    %add3A_300 = arith.addi %iota3A, %add3A_299 : vector<16xi32>
    %and3A_301 = arith.constant 15 : i32
    %and3A_302 = vector.broadcast %and3A_301 : i32 to vector<16xi32>
    %and3A_303 = arith.andi %add3A_300, %and3A_302 : vector<16xi32>
    %add3A_304 = arith.constant 2 : i32
    %add3A_305 = vector.broadcast %add3A_304 : i32 to vector<16xi32>
    %add3A_306 = arith.addi %iota3A, %add3A_305 : vector<16xi32>
    %and3A_307 = arith.constant 15 : i32
    %and3A_308 = vector.broadcast %and3A_307 : i32 to vector<16xi32>
    %and3A_309 = arith.andi %add3A_306, %and3A_308 : vector<16xi32>
    %add3A_310 = arith.constant 1 : i32
    %add3A_311 = vector.broadcast %add3A_310 : i32 to vector<16xi32>
    %add3A_312 = arith.addi %iota3A, %add3A_311 : vector<16xi32>
    %and3A_313 = arith.constant 15 : i32
    %and3A_314 = vector.broadcast %and3A_313 : i32 to vector<16xi32>
    %and3A_315 = arith.andi %add3A_312, %and3A_314 : vector<16xi32>
    %eq3A = arith.constant 0 : i32
    %eq3A_316 = vector.broadcast %eq3A : i32 to vector<16xi32>
    %eq3A_317 = arith.cmpi eq, %iota3A, %eq3A_316 : vector<16xi32>
    %jit3A = arith.constant 1.000000e+00 : f32
    %jit3A_318 = arith.constant 0.000000e+00 : f32
    %broadcast_in_dim3A = vector.broadcast %jit3A : f32 to vector<16xf32>
    %broadcast_in_dim3A_319 = vector.broadcast %jit3A_318 : f32 to vector<16xf32>
    %select_n3A = arith.select %eq3A_317, %broadcast_in_dim3A, %broadcast_in_dim3A_319 : vector<16xi1>, vector<16xf32>
    %eq3A_320 = arith.constant 1 : i32
    %eq3A_321 = vector.broadcast %eq3A_320 : i32 to vector<16xi32>
    %eq3A_322 = arith.cmpi eq, %iota3A, %eq3A_321 : vector<16xi32>
    %jit3A_323 = arith.constant 1.000000e+00 : f32
    %jit3A_324 = arith.constant 0.000000e+00 : f32
    %broadcast_in_dim3A_325 = vector.broadcast %jit3A_323 : f32 to vector<16xf32>
    %broadcast_in_dim3A_326 = vector.broadcast %jit3A_324 : f32 to vector<16xf32>
    %select_n3A_327 = arith.select %eq3A_322, %broadcast_in_dim3A_325, %broadcast_in_dim3A_326 : vector<16xi1>, vector<16xf32>
    %eq3A_328 = arith.constant 2 : i32
    %eq3A_329 = vector.broadcast %eq3A_328 : i32 to vector<16xi32>
    %eq3A_330 = arith.cmpi eq, %iota3A, %eq3A_329 : vector<16xi32>
    %jit3A_331 = arith.constant 1.000000e+00 : f32
    %jit3A_332 = arith.constant 0.000000e+00 : f32
    %broadcast_in_dim3A_333 = vector.broadcast %jit3A_331 : f32 to vector<16xf32>
    %broadcast_in_dim3A_334 = vector.broadcast %jit3A_332 : f32 to vector<16xf32>
    %select_n3A_335 = arith.select %eq3A_330, %broadcast_in_dim3A_333, %broadcast_in_dim3A_334 : vector<16xi1>, vector<16xf32>
    %eq3A_336 = arith.constant 3 : i32
    %eq3A_337 = vector.broadcast %eq3A_336 : i32 to vector<16xi32>
    %eq3A_338 = arith.cmpi eq, %iota3A, %eq3A_337 : vector<16xi32>
    %jit3A_339 = arith.constant 1.000000e+00 : f32
    %jit3A_340 = arith.constant 0.000000e+00 : f32
    %broadcast_in_dim3A_341 = vector.broadcast %jit3A_339 : f32 to vector<16xf32>
    %broadcast_in_dim3A_342 = vector.broadcast %jit3A_340 : f32 to vector<16xf32>
    %select_n3A_343 = arith.select %eq3A_338, %broadcast_in_dim3A_341, %broadcast_in_dim3A_342 : vector<16xi1>, vector<16xf32>
    %eq3A_344 = arith.constant 4 : i32
    %eq3A_345 = vector.broadcast %eq3A_344 : i32 to vector<16xi32>
    %eq3A_346 = arith.cmpi eq, %iota3A, %eq3A_345 : vector<16xi32>
    %jit3A_347 = arith.constant 1.000000e+00 : f32
    %jit3A_348 = arith.constant 0.000000e+00 : f32
    %broadcast_in_dim3A_349 = vector.broadcast %jit3A_347 : f32 to vector<16xf32>
    %broadcast_in_dim3A_350 = vector.broadcast %jit3A_348 : f32 to vector<16xf32>
    %select_n3A_351 = arith.select %eq3A_346, %broadcast_in_dim3A_349, %broadcast_in_dim3A_350 : vector<16xi1>, vector<16xf32>
    %eq3A_352 = arith.constant 5 : i32
    %eq3A_353 = vector.broadcast %eq3A_352 : i32 to vector<16xi32>
    %eq3A_354 = arith.cmpi eq, %iota3A, %eq3A_353 : vector<16xi32>
    %jit3A_355 = arith.constant 1.000000e+00 : f32
    %jit3A_356 = arith.constant 0.000000e+00 : f32
    %broadcast_in_dim3A_357 = vector.broadcast %jit3A_355 : f32 to vector<16xf32>
    %broadcast_in_dim3A_358 = vector.broadcast %jit3A_356 : f32 to vector<16xf32>
    %select_n3A_359 = arith.select %eq3A_354, %broadcast_in_dim3A_357, %broadcast_in_dim3A_358 : vector<16xi1>, vector<16xf32>
    %eq3A_360 = arith.constant 6 : i32
    %eq3A_361 = vector.broadcast %eq3A_360 : i32 to vector<16xi32>
    %eq3A_362 = arith.cmpi eq, %iota3A, %eq3A_361 : vector<16xi32>
    %jit3A_363 = arith.constant 1.000000e+00 : f32
    %jit3A_364 = arith.constant 0.000000e+00 : f32
    %broadcast_in_dim3A_365 = vector.broadcast %jit3A_363 : f32 to vector<16xf32>
    %broadcast_in_dim3A_366 = vector.broadcast %jit3A_364 : f32 to vector<16xf32>
    %select_n3A_367 = arith.select %eq3A_362, %broadcast_in_dim3A_365, %broadcast_in_dim3A_366 : vector<16xi1>, vector<16xf32>
    %eq3A_368 = arith.constant 7 : i32
    %eq3A_369 = vector.broadcast %eq3A_368 : i32 to vector<16xi32>
    %eq3A_370 = arith.cmpi eq, %iota3A, %eq3A_369 : vector<16xi32>
    %jit3A_371 = arith.constant 1.000000e+00 : f32
    %jit3A_372 = arith.constant 0.000000e+00 : f32
    %broadcast_in_dim3A_373 = vector.broadcast %jit3A_371 : f32 to vector<16xf32>
    %broadcast_in_dim3A_374 = vector.broadcast %jit3A_372 : f32 to vector<16xf32>
    %select_n3A_375 = arith.select %eq3A_370, %broadcast_in_dim3A_373, %broadcast_in_dim3A_374 : vector<16xi1>, vector<16xf32>
    %eq3A_376 = arith.constant 8 : i32
    %eq3A_377 = vector.broadcast %eq3A_376 : i32 to vector<16xi32>
    %eq3A_378 = arith.cmpi eq, %iota3A, %eq3A_377 : vector<16xi32>
    %jit3A_379 = arith.constant 1.000000e+00 : f32
    %jit3A_380 = arith.constant 0.000000e+00 : f32
    %broadcast_in_dim3A_381 = vector.broadcast %jit3A_379 : f32 to vector<16xf32>
    %broadcast_in_dim3A_382 = vector.broadcast %jit3A_380 : f32 to vector<16xf32>
    %select_n3A_383 = arith.select %eq3A_378, %broadcast_in_dim3A_381, %broadcast_in_dim3A_382 : vector<16xi1>, vector<16xf32>
    %eq3A_384 = arith.constant 9 : i32
    %eq3A_385 = vector.broadcast %eq3A_384 : i32 to vector<16xi32>
    %eq3A_386 = arith.cmpi eq, %iota3A, %eq3A_385 : vector<16xi32>
    %jit3A_387 = arith.constant 1.000000e+00 : f32
    %jit3A_388 = arith.constant 0.000000e+00 : f32
    %broadcast_in_dim3A_389 = vector.broadcast %jit3A_387 : f32 to vector<16xf32>
    %broadcast_in_dim3A_390 = vector.broadcast %jit3A_388 : f32 to vector<16xf32>
    %select_n3A_391 = arith.select %eq3A_386, %broadcast_in_dim3A_389, %broadcast_in_dim3A_390 : vector<16xi1>, vector<16xf32>
    %eq3A_392 = arith.constant 10 : i32
    %eq3A_393 = vector.broadcast %eq3A_392 : i32 to vector<16xi32>
    %eq3A_394 = arith.cmpi eq, %iota3A, %eq3A_393 : vector<16xi32>
    %jit3A_395 = arith.constant 1.000000e+00 : f32
    %jit3A_396 = arith.constant 0.000000e+00 : f32
    %broadcast_in_dim3A_397 = vector.broadcast %jit3A_395 : f32 to vector<16xf32>
    %broadcast_in_dim3A_398 = vector.broadcast %jit3A_396 : f32 to vector<16xf32>
    %select_n3A_399 = arith.select %eq3A_394, %broadcast_in_dim3A_397, %broadcast_in_dim3A_398 : vector<16xi1>, vector<16xf32>
    %eq3A_400 = arith.constant 11 : i32
    %eq3A_401 = vector.broadcast %eq3A_400 : i32 to vector<16xi32>
    %eq3A_402 = arith.cmpi eq, %iota3A, %eq3A_401 : vector<16xi32>
    %jit3A_403 = arith.constant 1.000000e+00 : f32
    %jit3A_404 = arith.constant 0.000000e+00 : f32
    %broadcast_in_dim3A_405 = vector.broadcast %jit3A_403 : f32 to vector<16xf32>
    %broadcast_in_dim3A_406 = vector.broadcast %jit3A_404 : f32 to vector<16xf32>
    %select_n3A_407 = arith.select %eq3A_402, %broadcast_in_dim3A_405, %broadcast_in_dim3A_406 : vector<16xi1>, vector<16xf32>
    %eq3A_408 = arith.constant 12 : i32
    %eq3A_409 = vector.broadcast %eq3A_408 : i32 to vector<16xi32>
    %eq3A_410 = arith.cmpi eq, %iota3A, %eq3A_409 : vector<16xi32>
    %jit3A_411 = arith.constant 1.000000e+00 : f32
    %jit3A_412 = arith.constant 0.000000e+00 : f32
    %broadcast_in_dim3A_413 = vector.broadcast %jit3A_411 : f32 to vector<16xf32>
    %broadcast_in_dim3A_414 = vector.broadcast %jit3A_412 : f32 to vector<16xf32>
    %select_n3A_415 = arith.select %eq3A_410, %broadcast_in_dim3A_413, %broadcast_in_dim3A_414 : vector<16xi1>, vector<16xf32>
    %eq3A_416 = arith.constant 13 : i32
    %eq3A_417 = vector.broadcast %eq3A_416 : i32 to vector<16xi32>
    %eq3A_418 = arith.cmpi eq, %iota3A, %eq3A_417 : vector<16xi32>
    %jit3A_419 = arith.constant 1.000000e+00 : f32
    %jit3A_420 = arith.constant 0.000000e+00 : f32
    %broadcast_in_dim3A_421 = vector.broadcast %jit3A_419 : f32 to vector<16xf32>
    %broadcast_in_dim3A_422 = vector.broadcast %jit3A_420 : f32 to vector<16xf32>
    %select_n3A_423 = arith.select %eq3A_418, %broadcast_in_dim3A_421, %broadcast_in_dim3A_422 : vector<16xi1>, vector<16xf32>
    %eq3A_424 = arith.constant 14 : i32
    %eq3A_425 = vector.broadcast %eq3A_424 : i32 to vector<16xi32>
    %eq3A_426 = arith.cmpi eq, %iota3A, %eq3A_425 : vector<16xi32>
    %jit3A_427 = arith.constant 1.000000e+00 : f32
    %jit3A_428 = arith.constant 0.000000e+00 : f32
    %broadcast_in_dim3A_429 = vector.broadcast %jit3A_427 : f32 to vector<16xf32>
    %broadcast_in_dim3A_430 = vector.broadcast %jit3A_428 : f32 to vector<16xf32>
    %select_n3A_431 = arith.select %eq3A_426, %broadcast_in_dim3A_429, %broadcast_in_dim3A_430 : vector<16xi1>, vector<16xf32>
    %eq3A_432 = arith.constant 15 : i32
    %eq3A_433 = vector.broadcast %eq3A_432 : i32 to vector<16xi32>
    %eq3A_434 = arith.cmpi eq, %iota3A, %eq3A_433 : vector<16xi32>
    %jit3A_435 = arith.constant 1.000000e+00 : f32
    %jit3A_436 = arith.constant 0.000000e+00 : f32
    %broadcast_in_dim3A_437 = vector.broadcast %jit3A_435 : f32 to vector<16xf32>
    %broadcast_in_dim3A_438 = vector.broadcast %jit3A_436 : f32 to vector<16xf32>
    %select_n3A_439 = arith.select %eq3A_434, %broadcast_in_dim3A_437, %broadcast_in_dim3A_438 : vector<16xi1>, vector<16xf32>
    %scan3A = arith.constant 0 : i32
    %scan3A_440 = arith.constant 0 : i32
    %scan3A_441 = arith.constant 32 : i32
    %scan3A_442 = arith.addi %scan3A_440, %scan3A_441 : i32
    %scan3A_443 = arith.constant 1 : i32
    scf.for %scan3A_445 = %scan3A_440 to %scan3A_442 step %scan3A_443  : i32 {
      %mul3A_446 = arith.constant 16 : i32
      %mul3A_447 = arith.muli %scan3A_445, %mul3A_446 : i32
      %get3A = arith.index_cast %mul3A_447 : i32 to index
      %get3A_448 = tpu.vector_load %arg13[%get3A] {strides = array<i32>} : memref<512xf32, #tpu.memory_space<vmem>>, vector<16xf32>,
      %get3A_449 = vector.shape_cast %get3A_448 : vector<16xf32> to vector<16xf32>
      %get3A_450 = arith.index_cast %mul3A_447 : i32 to index
      %get3A_451 = tpu.vector_load %arg14[%get3A_450] {strides = array<i32>} : memref<512xf32, #tpu.memory_space<vmem>>, vector<16xf32>,
      %get3A_452 = vector.shape_cast %get3A_451 : vector<16xf32> to vector<16xf32>
      %add3A_453 = arith.addf %get3A_449, %get3A_452 : vector<16xf32>
      %add3A_454 = arith.constant 0 : i32
      %add3A_455 = arith.addi %mul3A_447, %add3A_454 : i32
      %get3A_456 = arith.index_cast %add3A_455 : i32 to index
      %get3A_457 = arith.constant 0 : index
      %get3A_458 = tpu.vector_load %arg11[%get3A_456, %get3A_457] {strides = array<i32>} : memref<512x64xf32, #tpu.memory_space<vmem>>, vector<1x16xf32>,
      %get3A_459 = vector.shape_cast %get3A_458 : vector<1x16xf32> to vector<16xf32>
      %get3A_460 = arith.index_cast %add3A_455 : i32 to index
      %get3A_461 = arith.constant 0 : index
      %get3A_462 = tpu.vector_load %arg12[%get3A_460, %get3A_461] {strides = array<i32>} : memref<512x64xf32, #tpu.memory_space<vmem>>, vector<1x16xf32>,
      %get3A_463 = vector.shape_cast %get3A_462 : vector<1x16xf32> to vector<16xf32>
      %mul3A_464 = arith.mulf %get3A_459, %get3A_463 : vector<16xf32>
      %get3A_465 = arith.index_cast %add3A_455 : i32 to index
      %get3A_466 = arith.constant 16 : index
      %get3A_467 = tpu.vector_load %arg11[%get3A_465, %get3A_466] {strides = array<i32>} : memref<512x64xf32, #tpu.memory_space<vmem>>, vector<1x16xf32>,
      %get3A_468 = vector.shape_cast %get3A_467 : vector<1x16xf32> to vector<16xf32>
      %get3A_469 = arith.index_cast %add3A_455 : i32 to index
      %get3A_470 = arith.constant 16 : index
      %get3A_471 = tpu.vector_load %arg12[%get3A_469, %get3A_470] {strides = array<i32>} : memref<512x64xf32, #tpu.memory_space<vmem>>, vector<1x16xf32>,
      %get3A_472 = vector.shape_cast %get3A_471 : vector<1x16xf32> to vector<16xf32>
      %mul3A_473 = arith.mulf %get3A_468, %get3A_472 : vector<16xf32>
      %add3A_474 = arith.addf %mul3A_464, %mul3A_473 : vector<16xf32>
      %get3A_475 = arith.index_cast %add3A_455 : i32 to index
      %get3A_476 = arith.constant 32 : index
      %get3A_477 = tpu.vector_load %arg11[%get3A_475, %get3A_476] {strides = array<i32>} : memref<512x64xf32, #tpu.memory_space<vmem>>, vector<1x16xf32>,
      %get3A_478 = vector.shape_cast %get3A_477 : vector<1x16xf32> to vector<16xf32>
      %get3A_479 = arith.index_cast %add3A_455 : i32 to index
      %get3A_480 = arith.constant 32 : index
      %get3A_481 = tpu.vector_load %arg12[%get3A_479, %get3A_480] {strides = array<i32>} : memref<512x64xf32, #tpu.memory_space<vmem>>, vector<1x16xf32>,
      %get3A_482 = vector.shape_cast %get3A_481 : vector<1x16xf32> to vector<16xf32>
      %mul3A_483 = arith.mulf %get3A_478, %get3A_482 : vector<16xf32>
      %add3A_484 = arith.addf %add3A_474, %mul3A_483 : vector<16xf32>
      %get3A_485 = arith.index_cast %add3A_455 : i32 to index
      %get3A_486 = arith.constant 48 : index
      %get3A_487 = tpu.vector_load %arg11[%get3A_485, %get3A_486] {strides = array<i32>} : memref<512x64xf32, #tpu.memory_space<vmem>>, vector<1x16xf32>,
      %get3A_488 = vector.shape_cast %get3A_487 : vector<1x16xf32> to vector<16xf32>
      %get3A_489 = arith.index_cast %add3A_455 : i32 to index
      %get3A_490 = arith.constant 48 : index
      %get3A_491 = tpu.vector_load %arg12[%get3A_489, %get3A_490] {strides = array<i32>} : memref<512x64xf32, #tpu.memory_space<vmem>>, vector<1x16xf32>,
      %get3A_492 = vector.shape_cast %get3A_491 : vector<1x16xf32> to vector<16xf32>
      %mul3A_493 = arith.mulf %get3A_488, %get3A_492 : vector<16xf32>
      %add3A_494 = arith.addf %add3A_484, %mul3A_493 : vector<16xf32>
      %lt3A = arith.constant 0 : i32
      %lt3A_495 = vector.broadcast %lt3A : i32 to vector<16xi32>
      %lt3A_496 = arith.cmpi slt, %and3A_297, %lt3A_495 : vector<16xi32>
      %add3A_497 = arith.constant 16 : i32
      %add3A_498 = vector.broadcast %add3A_497 : i32 to vector<16xi32>
      %add3A_499 = arith.addi %and3A_297, %add3A_498 : vector<16xi32>
      %select_n3A_500 = arith.select %lt3A_496, %add3A_499, %and3A_297 : vector<16xi1>, vector<16xi32>
      %broadcast_in_dim3A_501 = vector.shape_cast %select_n3A_500 : vector<16xi32> to vector<16x1xi32>
      %gather3A = vector.shape_cast %broadcast_in_dim3A_501 : vector<16x1xi32> to vector<16xi32>
      %gather3A_502 = tpu.dynamic_gather %add3A_494[%gather3A] in [0] : vector<16xf32>, vector<16xi32> -> vector<16xf32>
      %add3A_503 = arith.addf %add3A_494, %gather3A_502 : vector<16xf32>
      %lt3A_504 = arith.constant 0 : i32
      %lt3A_505 = vector.broadcast %lt3A_504 : i32 to vector<16xi32>
      %lt3A_506 = arith.cmpi slt, %and3A_303, %lt3A_505 : vector<16xi32>
      %add3A_507 = arith.constant 16 : i32
      %add3A_508 = vector.broadcast %add3A_507 : i32 to vector<16xi32>
      %add3A_509 = arith.addi %and3A_303, %add3A_508 : vector<16xi32>
      %select_n3A_510 = arith.select %lt3A_506, %add3A_509, %and3A_303 : vector<16xi1>, vector<16xi32>
      %broadcast_in_dim3A_511 = vector.shape_cast %select_n3A_510 : vector<16xi32> to vector<16x1xi32>
      %gather3A_512 = vector.shape_cast %broadcast_in_dim3A_511 : vector<16x1xi32> to vector<16xi32>
      %gather3A_513 = tpu.dynamic_gather %add3A_503[%gather3A_512] in [0] : vector<16xf32>, vector<16xi32> -> vector<16xf32>
      %add3A_514 = arith.addf %add3A_503, %gather3A_513 : vector<16xf32>
      %lt3A_515 = arith.constant 0 : i32
      %lt3A_516 = vector.broadcast %lt3A_515 : i32 to vector<16xi32>
      %lt3A_517 = arith.cmpi slt, %and3A_309, %lt3A_516 : vector<16xi32>
      %add3A_518 = arith.constant 16 : i32
      %add3A_519 = vector.broadcast %add3A_518 : i32 to vector<16xi32>
      %add3A_520 = arith.addi %and3A_309, %add3A_519 : vector<16xi32>
      %select_n3A_521 = arith.select %lt3A_517, %add3A_520, %and3A_309 : vector<16xi1>, vector<16xi32>
      %broadcast_in_dim3A_522 = vector.shape_cast %select_n3A_521 : vector<16xi32> to vector<16x1xi32>
      %gather3A_523 = vector.shape_cast %broadcast_in_dim3A_522 : vector<16x1xi32> to vector<16xi32>
      %gather3A_524 = tpu.dynamic_gather %add3A_514[%gather3A_523] in [0] : vector<16xf32>, vector<16xi32> -> vector<16xf32>
      %add3A_525 = arith.addf %add3A_514, %gather3A_524 : vector<16xf32>
      %lt3A_526 = arith.constant 0 : i32
      %lt3A_527 = vector.broadcast %lt3A_526 : i32 to vector<16xi32>
      %lt3A_528 = arith.cmpi slt, %and3A_315, %lt3A_527 : vector<16xi32>
      %add3A_529 = arith.constant 16 : i32
      %add3A_530 = vector.broadcast %add3A_529 : i32 to vector<16xi32>
      %add3A_531 = arith.addi %and3A_315, %add3A_530 : vector<16xi32>
      %select_n3A_532 = arith.select %lt3A_528, %add3A_531, %and3A_315 : vector<16xi1>, vector<16xi32>
      %broadcast_in_dim3A_533 = vector.shape_cast %select_n3A_532 : vector<16xi32> to vector<16x1xi32>
      %gather3A_534 = vector.shape_cast %broadcast_in_dim3A_533 : vector<16x1xi32> to vector<16xi32>
      %gather3A_535 = tpu.dynamic_gather %add3A_525[%gather3A_534] in [0] : vector<16xf32>, vector<16xi32> -> vector<16xf32>
      %add3A_536 = arith.addf %add3A_525, %gather3A_535 : vector<16xf32>
      %mul3A_537 = arith.mulf %add3A_536, %select_n3A : vector<16xf32>
      %add3A_538 = arith.addf %add3A_453, %mul3A_537 : vector<16xf32>
      %add3A_539 = arith.constant 1 : i32
      %add3A_540 = arith.addi %mul3A_447, %add3A_539 : i32
      %get3A_541 = arith.index_cast %add3A_540 : i32 to index
      %get3A_542 = arith.constant 0 : index
      %get3A_543 = tpu.vector_load %arg11[%get3A_541, %get3A_542] {strides = array<i32>} : memref<512x64xf32, #tpu.memory_space<vmem>>, vector<1x16xf32>,
      %get3A_544 = vector.shape_cast %get3A_543 : vector<1x16xf32> to vector<16xf32>
      %get3A_545 = arith.index_cast %add3A_540 : i32 to index
      %get3A_546 = arith.constant 0 : index
      %get3A_547 = tpu.vector_load %arg12[%get3A_545, %get3A_546] {strides = array<i32>} : memref<512x64xf32, #tpu.memory_space<vmem>>, vector<1x16xf32>,
      %get3A_548 = vector.shape_cast %get3A_547 : vector<1x16xf32> to vector<16xf32>
      %mul3A_549 = arith.mulf %get3A_544, %get3A_548 : vector<16xf32>
      %get3A_550 = arith.index_cast %add3A_540 : i32 to index
      %get3A_551 = arith.constant 16 : index
      %get3A_552 = tpu.vector_load %arg11[%get3A_550, %get3A_551] {strides = array<i32>} : memref<512x64xf32, #tpu.memory_space<vmem>>, vector<1x16xf32>,
      %get3A_553 = vector.shape_cast %get3A_552 : vector<1x16xf32> to vector<16xf32>
      %get3A_554 = arith.index_cast %add3A_540 : i32 to index
      %get3A_555 = arith.constant 16 : index
      %get3A_556 = tpu.vector_load %arg12[%get3A_554, %get3A_555] {strides = array<i32>} : memref<512x64xf32, #tpu.memory_space<vmem>>, vector<1x16xf32>,
      %get3A_557 = vector.shape_cast %get3A_556 : vector<1x16xf32> to vector<16xf32>
      %mul3A_558 = arith.mulf %get3A_553, %get3A_557 : vector<16xf32>
      %add3A_559 = arith.addf %mul3A_549, %mul3A_558 : vector<16xf32>
      %get3A_560 = arith.index_cast %add3A_540 : i32 to index
      %get3A_561 = arith.constant 32 : index
      %get3A_562 = tpu.vector_load %arg11[%get3A_560, %get3A_561] {strides = array<i32>} : memref<512x64xf32, #tpu.memory_space<vmem>>, vector<1x16xf32>,
      %get3A_563 = vector.shape_cast %get3A_562 : vector<1x16xf32> to vector<16xf32>
      %get3A_564 = arith.index_cast %add3A_540 : i32 to index
      %get3A_565 = arith.constant 32 : index
      %get3A_566 = tpu.vector_load %arg12[%get3A_564, %get3A_565] {strides = array<i32>} : memref<512x64xf32, #tpu.memory_space<vmem>>, vector<1x16xf32>,
      %get3A_567 = vector.shape_cast %get3A_566 : vector<1x16xf32> to vector<16xf32>
      %mul3A_568 = arith.mulf %get3A_563, %get3A_567 : vector<16xf32>
      %add3A_569 = arith.addf %add3A_559, %mul3A_568 : vector<16xf32>
      %get3A_570 = arith.index_cast %add3A_540 : i32 to index
      %get3A_571 = arith.constant 48 : index
      %get3A_572 = tpu.vector_load %arg11[%get3A_570, %get3A_571] {strides = array<i32>} : memref<512x64xf32, #tpu.memory_space<vmem>>, vector<1x16xf32>,
      %get3A_573 = vector.shape_cast %get3A_572 : vector<1x16xf32> to vector<16xf32>
      %get3A_574 = arith.index_cast %add3A_540 : i32 to index
      %get3A_575 = arith.constant 48 : index
      %get3A_576 = tpu.vector_load %arg12[%get3A_574, %get3A_575] {strides = array<i32>} : memref<512x64xf32, #tpu.memory_space<vmem>>, vector<1x16xf32>,
      %get3A_577 = vector.shape_cast %get3A_576 : vector<1x16xf32> to vector<16xf32>
      %mul3A_578 = arith.mulf %get3A_573, %get3A_577 : vector<16xf32>
      %add3A_579 = arith.addf %add3A_569, %mul3A_578 : vector<16xf32>
      %lt3A_580 = arith.constant 0 : i32
      %lt3A_581 = vector.broadcast %lt3A_580 : i32 to vector<16xi32>
      %lt3A_582 = arith.cmpi slt, %and3A_297, %lt3A_581 : vector<16xi32>
      %add3A_583 = arith.constant 16 : i32
      %add3A_584 = vector.broadcast %add3A_583 : i32 to vector<16xi32>
      %add3A_585 = arith.addi %and3A_297, %add3A_584 : vector<16xi32>
      %select_n3A_586 = arith.select %lt3A_582, %add3A_585, %and3A_297 : vector<16xi1>, vector<16xi32>
      %broadcast_in_dim3A_587 = vector.shape_cast %select_n3A_586 : vector<16xi32> to vector<16x1xi32>
      %gather3A_588 = vector.shape_cast %broadcast_in_dim3A_587 : vector<16x1xi32> to vector<16xi32>
      %gather3A_589 = tpu.dynamic_gather %add3A_579[%gather3A_588] in [0] : vector<16xf32>, vector<16xi32> -> vector<16xf32>
      %add3A_590 = arith.addf %add3A_579, %gather3A_589 : vector<16xf32>
      %lt3A_591 = arith.constant 0 : i32
      %lt3A_592 = vector.broadcast %lt3A_591 : i32 to vector<16xi32>
      %lt3A_593 = arith.cmpi slt, %and3A_303, %lt3A_592 : vector<16xi32>
      %add3A_594 = arith.constant 16 : i32
      %add3A_595 = vector.broadcast %add3A_594 : i32 to vector<16xi32>
      %add3A_596 = arith.addi %and3A_303, %add3A_595 : vector<16xi32>
      %select_n3A_597 = arith.select %lt3A_593, %add3A_596, %and3A_303 : vector<16xi1>, vector<16xi32>
      %broadcast_in_dim3A_598 = vector.shape_cast %select_n3A_597 : vector<16xi32> to vector<16x1xi32>
      %gather3A_599 = vector.shape_cast %broadcast_in_dim3A_598 : vector<16x1xi32> to vector<16xi32>
      %gather3A_600 = tpu.dynamic_gather %add3A_590[%gather3A_599] in [0] : vector<16xf32>, vector<16xi32> -> vector<16xf32>
      %add3A_601 = arith.addf %add3A_590, %gather3A_600 : vector<16xf32>
      %lt3A_602 = arith.constant 0 : i32
      %lt3A_603 = vector.broadcast %lt3A_602 : i32 to vector<16xi32>
      %lt3A_604 = arith.cmpi slt, %and3A_309, %lt3A_603 : vector<16xi32>
      %add3A_605 = arith.constant 16 : i32
      %add3A_606 = vector.broadcast %add3A_605 : i32 to vector<16xi32>
      %add3A_607 = arith.addi %and3A_309, %add3A_606 : vector<16xi32>
      %select_n3A_608 = arith.select %lt3A_604, %add3A_607, %and3A_309 : vector<16xi1>, vector<16xi32>
      %broadcast_in_dim3A_609 = vector.shape_cast %select_n3A_608 : vector<16xi32> to vector<16x1xi32>
      %gather3A_610 = vector.shape_cast %broadcast_in_dim3A_609 : vector<16x1xi32> to vector<16xi32>
      %gather3A_611 = tpu.dynamic_gather %add3A_601[%gather3A_610] in [0] : vector<16xf32>, vector<16xi32> -> vector<16xf32>
      %add3A_612 = arith.addf %add3A_601, %gather3A_611 : vector<16xf32>
      %lt3A_613 = arith.constant 0 : i32
      %lt3A_614 = vector.broadcast %lt3A_613 : i32 to vector<16xi32>
      %lt3A_615 = arith.cmpi slt, %and3A_315, %lt3A_614 : vector<16xi32>
      %add3A_616 = arith.constant 16 : i32
      %add3A_617 = vector.broadcast %add3A_616 : i32 to vector<16xi32>
      %add3A_618 = arith.addi %and3A_315, %add3A_617 : vector<16xi32>
      %select_n3A_619 = arith.select %lt3A_615, %add3A_618, %and3A_315 : vector<16xi1>, vector<16xi32>
      %broadcast_in_dim3A_620 = vector.shape_cast %select_n3A_619 : vector<16xi32> to vector<16x1xi32>
      %gather3A_621 = vector.shape_cast %broadcast_in_dim3A_620 : vector<16x1xi32> to vector<16xi32>
      %gather3A_622 = tpu.dynamic_gather %add3A_612[%gather3A_621] in [0] : vector<16xf32>, vector<16xi32> -> vector<16xf32>
      %add3A_623 = arith.addf %add3A_612, %gather3A_622 : vector<16xf32>
      %mul3A_624 = arith.mulf %add3A_623, %select_n3A_327 : vector<16xf32>
      %add3A_625 = arith.addf %add3A_538, %mul3A_624 : vector<16xf32>
      %add3A_626 = arith.constant 2 : i32
      %add3A_627 = arith.addi %mul3A_447, %add3A_626 : i32
      %get3A_628 = arith.index_cast %add3A_627 : i32 to index
      %get3A_629 = arith.constant 0 : index
      %get3A_630 = tpu.vector_load %arg11[%get3A_628, %get3A_629] {strides = array<i32>} : memref<512x64xf32, #tpu.memory_space<vmem>>, vector<1x16xf32>,
      %get3A_631 = vector.shape_cast %get3A_630 : vector<1x16xf32> to vector<16xf32>
      %get3A_632 = arith.index_cast %add3A_627 : i32 to index
      %get3A_633 = arith.constant 0 : index
      %get3A_634 = tpu.vector_load %arg12[%get3A_632, %get3A_633] {strides = array<i32>} : memref<512x64xf32, #tpu.memory_space<vmem>>, vector<1x16xf32>,
      %get3A_635 = vector.shape_cast %get3A_634 : vector<1x16xf32> to vector<16xf32>
      %mul3A_636 = arith.mulf %get3A_631, %get3A_635 : vector<16xf32>
      %get3A_637 = arith.index_cast %add3A_627 : i32 to index
      %get3A_638 = arith.constant 16 : index
      %get3A_639 = tpu.vector_load %arg11[%get3A_637, %get3A_638] {strides = array<i32>} : memref<512x64xf32, #tpu.memory_space<vmem>>, vector<1x16xf32>,
      %get3A_640 = vector.shape_cast %get3A_639 : vector<1x16xf32> to vector<16xf32>
      %get3A_641 = arith.index_cast %add3A_627 : i32 to index
      %get3A_642 = arith.constant 16 : index
      %get3A_643 = tpu.vector_load %arg12[%get3A_641, %get3A_642] {strides = array<i32>} : memref<512x64xf32, #tpu.memory_space<vmem>>, vector<1x16xf32>,
      %get3A_644 = vector.shape_cast %get3A_643 : vector<1x16xf32> to vector<16xf32>
      %mul3A_645 = arith.mulf %get3A_640, %get3A_644 : vector<16xf32>
      %add3A_646 = arith.addf %mul3A_636, %mul3A_645 : vector<16xf32>
      %get3A_647 = arith.index_cast %add3A_627 : i32 to index
      %get3A_648 = arith.constant 32 : index
      %get3A_649 = tpu.vector_load %arg11[%get3A_647, %get3A_648] {strides = array<i32>} : memref<512x64xf32, #tpu.memory_space<vmem>>, vector<1x16xf32>,
      %get3A_650 = vector.shape_cast %get3A_649 : vector<1x16xf32> to vector<16xf32>
      %get3A_651 = arith.index_cast %add3A_627 : i32 to index
      %get3A_652 = arith.constant 32 : index
      %get3A_653 = tpu.vector_load %arg12[%get3A_651, %get3A_652] {strides = array<i32>} : memref<512x64xf32, #tpu.memory_space<vmem>>, vector<1x16xf32>,
      %get3A_654 = vector.shape_cast %get3A_653 : vector<1x16xf32> to vector<16xf32>
      %mul3A_655 = arith.mulf %get3A_650, %get3A_654 : vector<16xf32>
      %add3A_656 = arith.addf %add3A_646, %mul3A_655 : vector<16xf32>
      %get3A_657 = arith.index_cast %add3A_627 : i32 to index
      %get3A_658 = arith.constant 48 : index
      %get3A_659 = tpu.vector_load %arg11[%get3A_657, %get3A_658] {strides = array<i32>} : memref<512x64xf32, #tpu.memory_space<vmem>>, vector<1x16xf32>,
      %get3A_660 = vector.shape_cast %get3A_659 : vector<1x16xf32> to vector<16xf32>
      %get3A_661 = arith.index_cast %add3A_627 : i32 to index
      %get3A_662 = arith.constant 48 : index
      %get3A_663 = tpu.vector_load %arg12[%get3A_661, %get3A_662] {strides = array<i32>} : memref<512x64xf32, #tpu.memory_space<vmem>>, vector<1x16xf32>,
      %get3A_664 = vector.shape_cast %get3A_663 : vector<1x16xf32> to vector<16xf32>
      %mul3A_665 = arith.mulf %get3A_660, %get3A_664 : vector<16xf32>
      %add3A_666 = arith.addf %add3A_656, %mul3A_665 : vector<16xf32>
      %lt3A_667 = arith.constant 0 : i32
      %lt3A_668 = vector.broadcast %lt3A_667 : i32 to vector<16xi32>
      %lt3A_669 = arith.cmpi slt, %and3A_297, %lt3A_668 : vector<16xi32>
      %add3A_670 = arith.constant 16 : i32
      %add3A_671 = vector.broadcast %add3A_670 : i32 to vector<16xi32>
      %add3A_672 = arith.addi %and3A_297, %add3A_671 : vector<16xi32>
      %select_n3A_673 = arith.select %lt3A_669, %add3A_672, %and3A_297 : vector<16xi1>, vector<16xi32>
      %broadcast_in_dim3A_674 = vector.shape_cast %select_n3A_673 : vector<16xi32> to vector<16x1xi32>
      %gather3A_675 = vector.shape_cast %broadcast_in_dim3A_674 : vector<16x1xi32> to vector<16xi32>
      %gather3A_676 = tpu.dynamic_gather %add3A_666[%gather3A_675] in [0] : vector<16xf32>, vector<16xi32> -> vector<16xf32>
      %add3A_677 = arith.addf %add3A_666, %gather3A_676 : vector<16xf32>
      %lt3A_678 = arith.constant 0 : i32
      %lt3A_679 = vector.broadcast %lt3A_678 : i32 to vector<16xi32>
      %lt3A_680 = arith.cmpi slt, %and3A_303, %lt3A_679 : vector<16xi32>
      %add3A_681 = arith.constant 16 : i32
      %add3A_682 = vector.broadcast %add3A_681 : i32 to vector<16xi32>
      %add3A_683 = arith.addi %and3A_303, %add3A_682 : vector<16xi32>
      %select_n3A_684 = arith.select %lt3A_680, %add3A_683, %and3A_303 : vector<16xi1>, vector<16xi32>
      %broadcast_in_dim3A_685 = vector.shape_cast %select_n3A_684 : vector<16xi32> to vector<16x1xi32>
      %gather3A_686 = vector.shape_cast %broadcast_in_dim3A_685 : vector<16x1xi32> to vector<16xi32>
      %gather3A_687 = tpu.dynamic_gather %add3A_677[%gather3A_686] in [0] : vector<16xf32>, vector<16xi32> -> vector<16xf32>
      %add3A_688 = arith.addf %add3A_677, %gather3A_687 : vector<16xf32>
      %lt3A_689 = arith.constant 0 : i32
      %lt3A_690 = vector.broadcast %lt3A_689 : i32 to vector<16xi32>
      %lt3A_691 = arith.cmpi slt, %and3A_309, %lt3A_690 : vector<16xi32>
      %add3A_692 = arith.constant 16 : i32
      %add3A_693 = vector.broadcast %add3A_692 : i32 to vector<16xi32>
      %add3A_694 = arith.addi %and3A_309, %add3A_693 : vector<16xi32>
      %select_n3A_695 = arith.select %lt3A_691, %add3A_694, %and3A_309 : vector<16xi1>, vector<16xi32>
      %broadcast_in_dim3A_696 = vector.shape_cast %select_n3A_695 : vector<16xi32> to vector<16x1xi32>
      %gather3A_697 = vector.shape_cast %broadcast_in_dim3A_696 : vector<16x1xi32> to vector<16xi32>
      %gather3A_698 = tpu.dynamic_gather %add3A_688[%gather3A_697] in [0] : vector<16xf32>, vector<16xi32> -> vector<16xf32>
      %add3A_699 = arith.addf %add3A_688, %gather3A_698 : vector<16xf32>
      %lt3A_700 = arith.constant 0 : i32
      %lt3A_701 = vector.broadcast %lt3A_700 : i32 to vector<16xi32>
      %lt3A_702 = arith.cmpi slt, %and3A_315, %lt3A_701 : vector<16xi32>
      %add3A_703 = arith.constant 16 : i32
      %add3A_704 = vector.broadcast %add3A_703 : i32 to vector<16xi32>
      %add3A_705 = arith.addi %and3A_315, %add3A_704 : vector<16xi32>
      %select_n3A_706 = arith.select %lt3A_702, %add3A_705, %and3A_315 : vector<16xi1>, vector<16xi32>
      %broadcast_in_dim3A_707 = vector.shape_cast %select_n3A_706 : vector<16xi32> to vector<16x1xi32>
      %gather3A_708 = vector.shape_cast %broadcast_in_dim3A_707 : vector<16x1xi32> to vector<16xi32>
      %gather3A_709 = tpu.dynamic_gather %add3A_699[%gather3A_708] in [0] : vector<16xf32>, vector<16xi32> -> vector<16xf32>
      %add3A_710 = arith.addf %add3A_699, %gather3A_709 : vector<16xf32>
      %mul3A_711 = arith.mulf %add3A_710, %select_n3A_335 : vector<16xf32>
      %add3A_712 = arith.addf %add3A_625, %mul3A_711 : vector<16xf32>
      %add3A_713 = arith.constant 3 : i32
      %add3A_714 = arith.addi %mul3A_447, %add3A_713 : i32
      %get3A_715 = arith.index_cast %add3A_714 : i32 to index
      %get3A_716 = arith.constant 0 : index
      %get3A_717 = tpu.vector_load %arg11[%get3A_715, %get3A_716] {strides = array<i32>} : memref<512x64xf32, #tpu.memory_space<vmem>>, vector<1x16xf32>,
      %get3A_718 = vector.shape_cast %get3A_717 : vector<1x16xf32> to vector<16xf32>
      %get3A_719 = arith.index_cast %add3A_714 : i32 to index
      %get3A_720 = arith.constant 0 : index
      %get3A_721 = tpu.vector_load %arg12[%get3A_719, %get3A_720] {strides = array<i32>} : memref<512x64xf32, #tpu.memory_space<vmem>>, vector<1x16xf32>,
      %get3A_722 = vector.shape_cast %get3A_721 : vector<1x16xf32> to vector<16xf32>
      %mul3A_723 = arith.mulf %get3A_718, %get3A_722 : vector<16xf32>
      %get3A_724 = arith.index_cast %add3A_714 : i32 to index
      %get3A_725 = arith.constant 16 : index
      %get3A_726 = tpu.vector_load %arg11[%get3A_724, %get3A_725] {strides = array<i32>} : memref<512x64xf32, #tpu.memory_space<vmem>>, vector<1x16xf32>,
      %get3A_727 = vector.shape_cast %get3A_726 : vector<1x16xf32> to vector<16xf32>
      %get3A_728 = arith.index_cast %add3A_714 : i32 to index
      %get3A_729 = arith.constant 16 : index
      %get3A_730 = tpu.vector_load %arg12[%get3A_728, %get3A_729] {strides = array<i32>} : memref<512x64xf32, #tpu.memory_space<vmem>>, vector<1x16xf32>,
      %get3A_731 = vector.shape_cast %get3A_730 : vector<1x16xf32> to vector<16xf32>
      %mul3A_732 = arith.mulf %get3A_727, %get3A_731 : vector<16xf32>
      %add3A_733 = arith.addf %mul3A_723, %mul3A_732 : vector<16xf32>
      %get3A_734 = arith.index_cast %add3A_714 : i32 to index
      %get3A_735 = arith.constant 32 : index
      %get3A_736 = tpu.vector_load %arg11[%get3A_734, %get3A_735] {strides = array<i32>} : memref<512x64xf32, #tpu.memory_space<vmem>>, vector<1x16xf32>,
      %get3A_737 = vector.shape_cast %get3A_736 : vector<1x16xf32> to vector<16xf32>
      %get3A_738 = arith.index_cast %add3A_714 : i32 to index
      %get3A_739 = arith.constant 32 : index
      %get3A_740 = tpu.vector_load %arg12[%get3A_738, %get3A_739] {strides = array<i32>} : memref<512x64xf32, #tpu.memory_space<vmem>>, vector<1x16xf32>,
      %get3A_741 = vector.shape_cast %get3A_740 : vector<1x16xf32> to vector<16xf32>
      %mul3A_742 = arith.mulf %get3A_737, %get3A_741 : vector<16xf32>
      %add3A_743 = arith.addf %add3A_733, %mul3A_742 : vector<16xf32>
      %get3A_744 = arith.index_cast %add3A_714 : i32 to index
      %get3A_745 = arith.constant 48 : index
      %get3A_746 = tpu.vector_load %arg11[%get3A_744, %get3A_745] {strides = array<i32>} : memref<512x64xf32, #tpu.memory_space<vmem>>, vector<1x16xf32>,
      %get3A_747 = vector.shape_cast %get3A_746 : vector<1x16xf32> to vector<16xf32>
      %get3A_748 = arith.index_cast %add3A_714 : i32 to index
      %get3A_749 = arith.constant 48 : index
      %get3A_750 = tpu.vector_load %arg12[%get3A_748, %get3A_749] {strides = array<i32>} : memref<512x64xf32, #tpu.memory_space<vmem>>, vector<1x16xf32>,
      %get3A_751 = vector.shape_cast %get3A_750 : vector<1x16xf32> to vector<16xf32>
      %mul3A_752 = arith.mulf %get3A_747, %get3A_751 : vector<16xf32>
      %add3A_753 = arith.addf %add3A_743, %mul3A_752 : vector<16xf32>
      %lt3A_754 = arith.constant 0 : i32
      %lt3A_755 = vector.broadcast %lt3A_754 : i32 to vector<16xi32>
      %lt3A_756 = arith.cmpi slt, %and3A_297, %lt3A_755 : vector<16xi32>
      %add3A_757 = arith.constant 16 : i32
      %add3A_758 = vector.broadcast %add3A_757 : i32 to vector<16xi32>
      %add3A_759 = arith.addi %and3A_297, %add3A_758 : vector<16xi32>
      %select_n3A_760 = arith.select %lt3A_756, %add3A_759, %and3A_297 : vector<16xi1>, vector<16xi32>
      %broadcast_in_dim3A_761 = vector.shape_cast %select_n3A_760 : vector<16xi32> to vector<16x1xi32>
      %gather3A_762 = vector.shape_cast %broadcast_in_dim3A_761 : vector<16x1xi32> to vector<16xi32>
      %gather3A_763 = tpu.dynamic_gather %add3A_753[%gather3A_762] in [0] : vector<16xf32>, vector<16xi32> -> vector<16xf32>
      %add3A_764 = arith.addf %add3A_753, %gather3A_763 : vector<16xf32>
      %lt3A_765 = arith.constant 0 : i32
      %lt3A_766 = vector.broadcast %lt3A_765 : i32 to vector<16xi32>
      %lt3A_767 = arith.cmpi slt, %and3A_303, %lt3A_766 : vector<16xi32>
      %add3A_768 = arith.constant 16 : i32
      %add3A_769 = vector.broadcast %add3A_768 : i32 to vector<16xi32>
      %add3A_770 = arith.addi %and3A_303, %add3A_769 : vector<16xi32>
      %select_n3A_771 = arith.select %lt3A_767, %add3A_770, %and3A_303 : vector<16xi1>, vector<16xi32>
      %broadcast_in_dim3A_772 = vector.shape_cast %select_n3A_771 : vector<16xi32> to vector<16x1xi32>
      %gather3A_773 = vector.shape_cast %broadcast_in_dim3A_772 : vector<16x1xi32> to vector<16xi32>
      %gather3A_774 = tpu.dynamic_gather %add3A_764[%gather3A_773] in [0] : vector<16xf32>, vector<16xi32> -> vector<16xf32>
      %add3A_775 = arith.addf %add3A_764, %gather3A_774 : vector<16xf32>
      %lt3A_776 = arith.constant 0 : i32
      %lt3A_777 = vector.broadcast %lt3A_776 : i32 to vector<16xi32>
      %lt3A_778 = arith.cmpi slt, %and3A_309, %lt3A_777 : vector<16xi32>
      %add3A_779 = arith.constant 16 : i32
      %add3A_780 = vector.broadcast %add3A_779 : i32 to vector<16xi32>
      %add3A_781 = arith.addi %and3A_309, %add3A_780 : vector<16xi32>
      %select_n3A_782 = arith.select %lt3A_778, %add3A_781, %and3A_309 : vector<16xi1>, vector<16xi32>
      %broadcast_in_dim3A_783 = vector.shape_cast %select_n3A_782 : vector<16xi32> to vector<16x1xi32>
      %gather3A_784 = vector.shape_cast %broadcast_in_dim3A_783 : vector<16x1xi32> to vector<16xi32>
      %gather3A_785 = tpu.dynamic_gather %add3A_775[%gather3A_784] in [0] : vector<16xf32>, vector<16xi32> -> vector<16xf32>
      %add3A_786 = arith.addf %add3A_775, %gather3A_785 : vector<16xf32>
      %lt3A_787 = arith.constant 0 : i32
      %lt3A_788 = vector.broadcast %lt3A_787 : i32 to vector<16xi32>
      %lt3A_789 = arith.cmpi slt, %and3A_315, %lt3A_788 : vector<16xi32>
      %add3A_790 = arith.constant 16 : i32
      %add3A_791 = vector.broadcast %add3A_790 : i32 to vector<16xi32>
      %add3A_792 = arith.addi %and3A_315, %add3A_791 : vector<16xi32>
      %select_n3A_793 = arith.select %lt3A_789, %add3A_792, %and3A_315 : vector<16xi1>, vector<16xi32>
      %broadcast_in_dim3A_794 = vector.shape_cast %select_n3A_793 : vector<16xi32> to vector<16x1xi32>
      %gather3A_795 = vector.shape_cast %broadcast_in_dim3A_794 : vector<16x1xi32> to vector<16xi32>
      %gather3A_796 = tpu.dynamic_gather %add3A_786[%gather3A_795] in [0] : vector<16xf32>, vector<16xi32> -> vector<16xf32>
      %add3A_797 = arith.addf %add3A_786, %gather3A_796 : vector<16xf32>
      %mul3A_798 = arith.mulf %add3A_797, %select_n3A_343 : vector<16xf32>
      %add3A_799 = arith.addf %add3A_712, %mul3A_798 : vector<16xf32>
      %add3A_800 = arith.constant 4 : i32
      %add3A_801 = arith.addi %mul3A_447, %add3A_800 : i32
      %get3A_802 = arith.index_cast %add3A_801 : i32 to index
      %get3A_803 = arith.constant 0 : index
      %get3A_804 = tpu.vector_load %arg11[%get3A_802, %get3A_803] {strides = array<i32>} : memref<512x64xf32, #tpu.memory_space<vmem>>, vector<1x16xf32>,
      %get3A_805 = vector.shape_cast %get3A_804 : vector<1x16xf32> to vector<16xf32>
      %get3A_806 = arith.index_cast %add3A_801 : i32 to index
      %get3A_807 = arith.constant 0 : index
      %get3A_808 = tpu.vector_load %arg12[%get3A_806, %get3A_807] {strides = array<i32>} : memref<512x64xf32, #tpu.memory_space<vmem>>, vector<1x16xf32>,
      %get3A_809 = vector.shape_cast %get3A_808 : vector<1x16xf32> to vector<16xf32>
      %mul3A_810 = arith.mulf %get3A_805, %get3A_809 : vector<16xf32>
      %get3A_811 = arith.index_cast %add3A_801 : i32 to index
      %get3A_812 = arith.constant 16 : index
      %get3A_813 = tpu.vector_load %arg11[%get3A_811, %get3A_812] {strides = array<i32>} : memref<512x64xf32, #tpu.memory_space<vmem>>, vector<1x16xf32>,
      %get3A_814 = vector.shape_cast %get3A_813 : vector<1x16xf32> to vector<16xf32>
      %get3A_815 = arith.index_cast %add3A_801 : i32 to index
      %get3A_816 = arith.constant 16 : index
      %get3A_817 = tpu.vector_load %arg12[%get3A_815, %get3A_816] {strides = array<i32>} : memref<512x64xf32, #tpu.memory_space<vmem>>, vector<1x16xf32>,
      %get3A_818 = vector.shape_cast %get3A_817 : vector<1x16xf32> to vector<16xf32>
      %mul3A_819 = arith.mulf %get3A_814, %get3A_818 : vector<16xf32>
      %add3A_820 = arith.addf %mul3A_810, %mul3A_819 : vector<16xf32>
      %get3A_821 = arith.index_cast %add3A_801 : i32 to index
      %get3A_822 = arith.constant 32 : index
      %get3A_823 = tpu.vector_load %arg11[%get3A_821, %get3A_822] {strides = array<i32>} : memref<512x64xf32, #tpu.memory_space<vmem>>, vector<1x16xf32>,
      %get3A_824 = vector.shape_cast %get3A_823 : vector<1x16xf32> to vector<16xf32>
      %get3A_825 = arith.index_cast %add3A_801 : i32 to index
      %get3A_826 = arith.constant 32 : index
      %get3A_827 = tpu.vector_load %arg12[%get3A_825, %get3A_826] {strides = array<i32>} : memref<512x64xf32, #tpu.memory_space<vmem>>, vector<1x16xf32>,
      %get3A_828 = vector.shape_cast %get3A_827 : vector<1x16xf32> to vector<16xf32>
      %mul3A_829 = arith.mulf %get3A_824, %get3A_828 : vector<16xf32>
      %add3A_830 = arith.addf %add3A_820, %mul3A_829 : vector<16xf32>
      %get3A_831 = arith.index_cast %add3A_801 : i32 to index
      %get3A_832 = arith.constant 48 : index
      %get3A_833 = tpu.vector_load %arg11[%get3A_831, %get3A_832] {strides = array<i32>} : memref<512x64xf32, #tpu.memory_space<vmem>>, vector<1x16xf32>,
      %get3A_834 = vector.shape_cast %get3A_833 : vector<1x16xf32> to vector<16xf32>
      %get3A_835 = arith.index_cast %add3A_801 : i32 to index
      %get3A_836 = arith.constant 48 : index
      %get3A_837 = tpu.vector_load %arg12[%get3A_835, %get3A_836] {strides = array<i32>} : memref<512x64xf32, #tpu.memory_space<vmem>>, vector<1x16xf32>,
      %get3A_838 = vector.shape_cast %get3A_837 : vector<1x16xf32> to vector<16xf32>
      %mul3A_839 = arith.mulf %get3A_834, %get3A_838 : vector<16xf32>
      %add3A_840 = arith.addf %add3A_830, %mul3A_839 : vector<16xf32>
      %lt3A_841 = arith.constant 0 : i32
      %lt3A_842 = vector.broadcast %lt3A_841 : i32 to vector<16xi32>
      %lt3A_843 = arith.cmpi slt, %and3A_297, %lt3A_842 : vector<16xi32>
      %add3A_844 = arith.constant 16 : i32
      %add3A_845 = vector.broadcast %add3A_844 : i32 to vector<16xi32>
      %add3A_846 = arith.addi %and3A_297, %add3A_845 : vector<16xi32>
      %select_n3A_847 = arith.select %lt3A_843, %add3A_846, %and3A_297 : vector<16xi1>, vector<16xi32>
      %broadcast_in_dim3A_848 = vector.shape_cast %select_n3A_847 : vector<16xi32> to vector<16x1xi32>
      %gather3A_849 = vector.shape_cast %broadcast_in_dim3A_848 : vector<16x1xi32> to vector<16xi32>
      %gather3A_850 = tpu.dynamic_gather %add3A_840[%gather3A_849] in [0] : vector<16xf32>, vector<16xi32> -> vector<16xf32>
      %add3A_851 = arith.addf %add3A_840, %gather3A_850 : vector<16xf32>
      %lt3A_852 = arith.constant 0 : i32
      %lt3A_853 = vector.broadcast %lt3A_852 : i32 to vector<16xi32>
      %lt3A_854 = arith.cmpi slt, %and3A_303, %lt3A_853 : vector<16xi32>
      %add3A_855 = arith.constant 16 : i32
      %add3A_856 = vector.broadcast %add3A_855 : i32 to vector<16xi32>
      %add3A_857 = arith.addi %and3A_303, %add3A_856 : vector<16xi32>
      %select_n3A_858 = arith.select %lt3A_854, %add3A_857, %and3A_303 : vector<16xi1>, vector<16xi32>
      %broadcast_in_dim3A_859 = vector.shape_cast %select_n3A_858 : vector<16xi32> to vector<16x1xi32>
      %gather3A_860 = vector.shape_cast %broadcast_in_dim3A_859 : vector<16x1xi32> to vector<16xi32>
      %gather3A_861 = tpu.dynamic_gather %add3A_851[%gather3A_860] in [0] : vector<16xf32>, vector<16xi32> -> vector<16xf32>
      %add3A_862 = arith.addf %add3A_851, %gather3A_861 : vector<16xf32>
      %lt3A_863 = arith.constant 0 : i32
      %lt3A_864 = vector.broadcast %lt3A_863 : i32 to vector<16xi32>
      %lt3A_865 = arith.cmpi slt, %and3A_309, %lt3A_864 : vector<16xi32>
      %add3A_866 = arith.constant 16 : i32
      %add3A_867 = vector.broadcast %add3A_866 : i32 to vector<16xi32>
      %add3A_868 = arith.addi %and3A_309, %add3A_867 : vector<16xi32>
      %select_n3A_869 = arith.select %lt3A_865, %add3A_868, %and3A_309 : vector<16xi1>, vector<16xi32>
      %broadcast_in_dim3A_870 = vector.shape_cast %select_n3A_869 : vector<16xi32> to vector<16x1xi32>
      %gather3A_871 = vector.shape_cast %broadcast_in_dim3A_870 : vector<16x1xi32> to vector<16xi32>
      %gather3A_872 = tpu.dynamic_gather %add3A_862[%gather3A_871] in [0] : vector<16xf32>, vector<16xi32> -> vector<16xf32>
      %add3A_873 = arith.addf %add3A_862, %gather3A_872 : vector<16xf32>
      %lt3A_874 = arith.constant 0 : i32
      %lt3A_875 = vector.broadcast %lt3A_874 : i32 to vector<16xi32>
      %lt3A_876 = arith.cmpi slt, %and3A_315, %lt3A_875 : vector<16xi32>
      %add3A_877 = arith.constant 16 : i32
      %add3A_878 = vector.broadcast %add3A_877 : i32 to vector<16xi32>
      %add3A_879 = arith.addi %and3A_315, %add3A_878 : vector<16xi32>
      %select_n3A_880 = arith.select %lt3A_876, %add3A_879, %and3A_315 : vector<16xi1>, vector<16xi32>
      %broadcast_in_dim3A_881 = vector.shape_cast %select_n3A_880 : vector<16xi32> to vector<16x1xi32>
      %gather3A_882 = vector.shape_cast %broadcast_in_dim3A_881 : vector<16x1xi32> to vector<16xi32>
      %gather3A_883 = tpu.dynamic_gather %add3A_873[%gather3A_882] in [0] : vector<16xf32>, vector<16xi32> -> vector<16xf32>
      %add3A_884 = arith.addf %add3A_873, %gather3A_883 : vector<16xf32>
      %mul3A_885 = arith.mulf %add3A_884, %select_n3A_351 : vector<16xf32>
      %add3A_886 = arith.addf %add3A_799, %mul3A_885 : vector<16xf32>
      %add3A_887 = arith.constant 5 : i32
      %add3A_888 = arith.addi %mul3A_447, %add3A_887 : i32
      %get3A_889 = arith.index_cast %add3A_888 : i32 to index
      %get3A_890 = arith.constant 0 : index
      %get3A_891 = tpu.vector_load %arg11[%get3A_889, %get3A_890] {strides = array<i32>} : memref<512x64xf32, #tpu.memory_space<vmem>>, vector<1x16xf32>,
      %get3A_892 = vector.shape_cast %get3A_891 : vector<1x16xf32> to vector<16xf32>
      %get3A_893 = arith.index_cast %add3A_888 : i32 to index
      %get3A_894 = arith.constant 0 : index
      %get3A_895 = tpu.vector_load %arg12[%get3A_893, %get3A_894] {strides = array<i32>} : memref<512x64xf32, #tpu.memory_space<vmem>>, vector<1x16xf32>,
      %get3A_896 = vector.shape_cast %get3A_895 : vector<1x16xf32> to vector<16xf32>
      %mul3A_897 = arith.mulf %get3A_892, %get3A_896 : vector<16xf32>
      %get3A_898 = arith.index_cast %add3A_888 : i32 to index
      %get3A_899 = arith.constant 16 : index
      %get3A_900 = tpu.vector_load %arg11[%get3A_898, %get3A_899] {strides = array<i32>} : memref<512x64xf32, #tpu.memory_space<vmem>>, vector<1x16xf32>,
      %get3A_901 = vector.shape_cast %get3A_900 : vector<1x16xf32> to vector<16xf32>
      %get3A_902 = arith.index_cast %add3A_888 : i32 to index
      %get3A_903 = arith.constant 16 : index
      %get3A_904 = tpu.vector_load %arg12[%get3A_902, %get3A_903] {strides = array<i32>} : memref<512x64xf32, #tpu.memory_space<vmem>>, vector<1x16xf32>,
      %get3A_905 = vector.shape_cast %get3A_904 : vector<1x16xf32> to vector<16xf32>
      %mul3A_906 = arith.mulf %get3A_901, %get3A_905 : vector<16xf32>
      %add3A_907 = arith.addf %mul3A_897, %mul3A_906 : vector<16xf32>
      %get3A_908 = arith.index_cast %add3A_888 : i32 to index
      %get3A_909 = arith.constant 32 : index
      %get3A_910 = tpu.vector_load %arg11[%get3A_908, %get3A_909] {strides = array<i32>} : memref<512x64xf32, #tpu.memory_space<vmem>>, vector<1x16xf32>,
      %get3A_911 = vector.shape_cast %get3A_910 : vector<1x16xf32> to vector<16xf32>
      %get3A_912 = arith.index_cast %add3A_888 : i32 to index
      %get3A_913 = arith.constant 32 : index
      %get3A_914 = tpu.vector_load %arg12[%get3A_912, %get3A_913] {strides = array<i32>} : memref<512x64xf32, #tpu.memory_space<vmem>>, vector<1x16xf32>,
      %get3A_915 = vector.shape_cast %get3A_914 : vector<1x16xf32> to vector<16xf32>
      %mul3A_916 = arith.mulf %get3A_911, %get3A_915 : vector<16xf32>
      %add3A_917 = arith.addf %add3A_907, %mul3A_916 : vector<16xf32>
      %get3A_918 = arith.index_cast %add3A_888 : i32 to index
      %get3A_919 = arith.constant 48 : index
      %get3A_920 = tpu.vector_load %arg11[%get3A_918, %get3A_919] {strides = array<i32>} : memref<512x64xf32, #tpu.memory_space<vmem>>, vector<1x16xf32>,
      %get3A_921 = vector.shape_cast %get3A_920 : vector<1x16xf32> to vector<16xf32>
      %get3A_922 = arith.index_cast %add3A_888 : i32 to index
      %get3A_923 = arith.constant 48 : index
      %get3A_924 = tpu.vector_load %arg12[%get3A_922, %get3A_923] {strides = array<i32>} : memref<512x64xf32, #tpu.memory_space<vmem>>, vector<1x16xf32>,
      %get3A_925 = vector.shape_cast %get3A_924 : vector<1x16xf32> to vector<16xf32>
      %mul3A_926 = arith.mulf %get3A_921, %get3A_925 : vector<16xf32>
      %add3A_927 = arith.addf %add3A_917, %mul3A_926 : vector<16xf32>
      %lt3A_928 = arith.constant 0 : i32
      %lt3A_929 = vector.broadcast %lt3A_928 : i32 to vector<16xi32>
      %lt3A_930 = arith.cmpi slt, %and3A_297, %lt3A_929 : vector<16xi32>
      %add3A_931 = arith.constant 16 : i32
      %add3A_932 = vector.broadcast %add3A_931 : i32 to vector<16xi32>
      %add3A_933 = arith.addi %and3A_297, %add3A_932 : vector<16xi32>
      %select_n3A_934 = arith.select %lt3A_930, %add3A_933, %and3A_297 : vector<16xi1>, vector<16xi32>
      %broadcast_in_dim3A_935 = vector.shape_cast %select_n3A_934 : vector<16xi32> to vector<16x1xi32>
      %gather3A_936 = vector.shape_cast %broadcast_in_dim3A_935 : vector<16x1xi32> to vector<16xi32>
      %gather3A_937 = tpu.dynamic_gather %add3A_927[%gather3A_936] in [0] : vector<16xf32>, vector<16xi32> -> vector<16xf32>
      %add3A_938 = arith.addf %add3A_927, %gather3A_937 : vector<16xf32>
      %lt3A_939 = arith.constant 0 : i32
      %lt3A_940 = vector.broadcast %lt3A_939 : i32 to vector<16xi32>
      %lt3A_941 = arith.cmpi slt, %and3A_303, %lt3A_940 : vector<16xi32>
      %add3A_942 = arith.constant 16 : i32
      %add3A_943 = vector.broadcast %add3A_942 : i32 to vector<16xi32>
      %add3A_944 = arith.addi %and3A_303, %add3A_943 : vector<16xi32>
      %select_n3A_945 = arith.select %lt3A_941, %add3A_944, %and3A_303 : vector<16xi1>, vector<16xi32>
      %broadcast_in_dim3A_946 = vector.shape_cast %select_n3A_945 : vector<16xi32> to vector<16x1xi32>
      %gather3A_947 = vector.shape_cast %broadcast_in_dim3A_946 : vector<16x1xi32> to vector<16xi32>
      %gather3A_948 = tpu.dynamic_gather %add3A_938[%gather3A_947] in [0] : vector<16xf32>, vector<16xi32> -> vector<16xf32>
      %add3A_949 = arith.addf %add3A_938, %gather3A_948 : vector<16xf32>
      %lt3A_950 = arith.constant 0 : i32
      %lt3A_951 = vector.broadcast %lt3A_950 : i32 to vector<16xi32>
      %lt3A_952 = arith.cmpi slt, %and3A_309, %lt3A_951 : vector<16xi32>
      %add3A_953 = arith.constant 16 : i32
      %add3A_954 = vector.broadcast %add3A_953 : i32 to vector<16xi32>
      %add3A_955 = arith.addi %and3A_309, %add3A_954 : vector<16xi32>
      %select_n3A_956 = arith.select %lt3A_952, %add3A_955, %and3A_309 : vector<16xi1>, vector<16xi32>
      %broadcast_in_dim3A_957 = vector.shape_cast %select_n3A_956 : vector<16xi32> to vector<16x1xi32>
      %gather3A_958 = vector.shape_cast %broadcast_in_dim3A_957 : vector<16x1xi32> to vector<16xi32>
      %gather3A_959 = tpu.dynamic_gather %add3A_949[%gather3A_958] in [0] : vector<16xf32>, vector<16xi32> -> vector<16xf32>
      %add3A_960 = arith.addf %add3A_949, %gather3A_959 : vector<16xf32>
      %lt3A_961 = arith.constant 0 : i32
      %lt3A_962 = vector.broadcast %lt3A_961 : i32 to vector<16xi32>
      %lt3A_963 = arith.cmpi slt, %and3A_315, %lt3A_962 : vector<16xi32>
      %add3A_964 = arith.constant 16 : i32
      %add3A_965 = vector.broadcast %add3A_964 : i32 to vector<16xi32>
      %add3A_966 = arith.addi %and3A_315, %add3A_965 : vector<16xi32>
      %select_n3A_967 = arith.select %lt3A_963, %add3A_966, %and3A_315 : vector<16xi1>, vector<16xi32>
      %broadcast_in_dim3A_968 = vector.shape_cast %select_n3A_967 : vector<16xi32> to vector<16x1xi32>
      %gather3A_969 = vector.shape_cast %broadcast_in_dim3A_968 : vector<16x1xi32> to vector<16xi32>
      %gather3A_970 = tpu.dynamic_gather %add3A_960[%gather3A_969] in [0] : vector<16xf32>, vector<16xi32> -> vector<16xf32>
      %add3A_971 = arith.addf %add3A_960, %gather3A_970 : vector<16xf32>
      %mul3A_972 = arith.mulf %add3A_971, %select_n3A_359 : vector<16xf32>
      %add3A_973 = arith.addf %add3A_886, %mul3A_972 : vector<16xf32>
      %add3A_974 = arith.constant 6 : i32
      %add3A_975 = arith.addi %mul3A_447, %add3A_974 : i32
      %get3A_976 = arith.index_cast %add3A_975 : i32 to index
      %get3A_977 = arith.constant 0 : index
      %get3A_978 = tpu.vector_load %arg11[%get3A_976, %get3A_977] {strides = array<i32>} : memref<512x64xf32, #tpu.memory_space<vmem>>, vector<1x16xf32>,
      %get3A_979 = vector.shape_cast %get3A_978 : vector<1x16xf32> to vector<16xf32>
      %get3A_980 = arith.index_cast %add3A_975 : i32 to index
      %get3A_981 = arith.constant 0 : index
      %get3A_982 = tpu.vector_load %arg12[%get3A_980, %get3A_981] {strides = array<i32>} : memref<512x64xf32, #tpu.memory_space<vmem>>, vector<1x16xf32>,
      %get3A_983 = vector.shape_cast %get3A_982 : vector<1x16xf32> to vector<16xf32>
      %mul3A_984 = arith.mulf %get3A_979, %get3A_983 : vector<16xf32>
      %get3A_985 = arith.index_cast %add3A_975 : i32 to index
      %get3A_986 = arith.constant 16 : index
      %get3A_987 = tpu.vector_load %arg11[%get3A_985, %get3A_986] {strides = array<i32>} : memref<512x64xf32, #tpu.memory_space<vmem>>, vector<1x16xf32>,
      %get3A_988 = vector.shape_cast %get3A_987 : vector<1x16xf32> to vector<16xf32>
      %get3A_989 = arith.index_cast %add3A_975 : i32 to index
      %get3A_990 = arith.constant 16 : index
      %get3A_991 = tpu.vector_load %arg12[%get3A_989, %get3A_990] {strides = array<i32>} : memref<512x64xf32, #tpu.memory_space<vmem>>, vector<1x16xf32>,
      %get3A_992 = vector.shape_cast %get3A_991 : vector<1x16xf32> to vector<16xf32>
      %mul3A_993 = arith.mulf %get3A_988, %get3A_992 : vector<16xf32>
      %add3A_994 = arith.addf %mul3A_984, %mul3A_993 : vector<16xf32>
      %get3A_995 = arith.index_cast %add3A_975 : i32 to index
      %get3A_996 = arith.constant 32 : index
      %get3A_997 = tpu.vector_load %arg11[%get3A_995, %get3A_996] {strides = array<i32>} : memref<512x64xf32, #tpu.memory_space<vmem>>, vector<1x16xf32>,
      %get3A_998 = vector.shape_cast %get3A_997 : vector<1x16xf32> to vector<16xf32>
      %get3A_999 = arith.index_cast %add3A_975 : i32 to index
      %get3A_1000 = arith.constant 32 : index
      %get3A_1001 = tpu.vector_load %arg12[%get3A_999, %get3A_1000] {strides = array<i32>} : memref<512x64xf32, #tpu.memory_space<vmem>>, vector<1x16xf32>,
      %get3A_1002 = vector.shape_cast %get3A_1001 : vector<1x16xf32> to vector<16xf32>
      %mul3A_1003 = arith.mulf %get3A_998, %get3A_1002 : vector<16xf32>
      %add3A_1004 = arith.addf %add3A_994, %mul3A_1003 : vector<16xf32>
      %get3A_1005 = arith.index_cast %add3A_975 : i32 to index
      %get3A_1006 = arith.constant 48 : index
      %get3A_1007 = tpu.vector_load %arg11[%get3A_1005, %get3A_1006] {strides = array<i32>} : memref<512x64xf32, #tpu.memory_space<vmem>>, vector<1x16xf32>,
      %get3A_1008 = vector.shape_cast %get3A_1007 : vector<1x16xf32> to vector<16xf32>
      %get3A_1009 = arith.index_cast %add3A_975 : i32 to index
      %get3A_1010 = arith.constant 48 : index
      %get3A_1011 = tpu.vector_load %arg12[%get3A_1009, %get3A_1010] {strides = array<i32>} : memref<512x64xf32, #tpu.memory_space<vmem>>, vector<1x16xf32>,
      %get3A_1012 = vector.shape_cast %get3A_1011 : vector<1x16xf32> to vector<16xf32>
      %mul3A_1013 = arith.mulf %get3A_1008, %get3A_1012 : vector<16xf32>
      %add3A_1014 = arith.addf %add3A_1004, %mul3A_1013 : vector<16xf32>
      %lt3A_1015 = arith.constant 0 : i32
      %lt3A_1016 = vector.broadcast %lt3A_1015 : i32 to vector<16xi32>
      %lt3A_1017 = arith.cmpi slt, %and3A_297, %lt3A_1016 : vector<16xi32>
      %add3A_1018 = arith.constant 16 : i32
      %add3A_1019 = vector.broadcast %add3A_1018 : i32 to vector<16xi32>
      %add3A_1020 = arith.addi %and3A_297, %add3A_1019 : vector<16xi32>
      %select_n3A_1021 = arith.select %lt3A_1017, %add3A_1020, %and3A_297 : vector<16xi1>, vector<16xi32>
      %broadcast_in_dim3A_1022 = vector.shape_cast %select_n3A_1021 : vector<16xi32> to vector<16x1xi32>
      %gather3A_1023 = vector.shape_cast %broadcast_in_dim3A_1022 : vector<16x1xi32> to vector<16xi32>
      %gather3A_1024 = tpu.dynamic_gather %add3A_1014[%gather3A_1023] in [0] : vector<16xf32>, vector<16xi32> -> vector<16xf32>
      %add3A_1025 = arith.addf %add3A_1014, %gather3A_1024 : vector<16xf32>
      %lt3A_1026 = arith.constant 0 : i32
      %lt3A_1027 = vector.broadcast %lt3A_1026 : i32 to vector<16xi32>
      %lt3A_1028 = arith.cmpi slt, %and3A_303, %lt3A_1027 : vector<16xi32>
      %add3A_1029 = arith.constant 16 : i32
      %add3A_1030 = vector.broadcast %add3A_1029 : i32 to vector<16xi32>
      %add3A_1031 = arith.addi %and3A_303, %add3A_1030 : vector<16xi32>
      %select_n3A_1032 = arith.select %lt3A_1028, %add3A_1031, %and3A_303 : vector<16xi1>, vector<16xi32>
      %broadcast_in_dim3A_1033 = vector.shape_cast %select_n3A_1032 : vector<16xi32> to vector<16x1xi32>
      %gather3A_1034 = vector.shape_cast %broadcast_in_dim3A_1033 : vector<16x1xi32> to vector<16xi32>
      %gather3A_1035 = tpu.dynamic_gather %add3A_1025[%gather3A_1034] in [0] : vector<16xf32>, vector<16xi32> -> vector<16xf32>
      %add3A_1036 = arith.addf %add3A_1025, %gather3A_1035 : vector<16xf32>
      %lt3A_1037 = arith.constant 0 : i32
      %lt3A_1038 = vector.broadcast %lt3A_1037 : i32 to vector<16xi32>
      %lt3A_1039 = arith.cmpi slt, %and3A_309, %lt3A_1038 : vector<16xi32>
      %add3A_1040 = arith.constant 16 : i32
      %add3A_1041 = vector.broadcast %add3A_1040 : i32 to vector<16xi32>
      %add3A_1042 = arith.addi %and3A_309, %add3A_1041 : vector<16xi32>
      %select_n3A_1043 = arith.select %lt3A_1039, %add3A_1042, %and3A_309 : vector<16xi1>, vector<16xi32>
      %broadcast_in_dim3A_1044 = vector.shape_cast %select_n3A_1043 : vector<16xi32> to vector<16x1xi32>
      %gather3A_1045 = vector.shape_cast %broadcast_in_dim3A_1044 : vector<16x1xi32> to vector<16xi32>
      %gather3A_1046 = tpu.dynamic_gather %add3A_1036[%gather3A_1045] in [0] : vector<16xf32>, vector<16xi32> -> vector<16xf32>
      %add3A_1047 = arith.addf %add3A_1036, %gather3A_1046 : vector<16xf32>
      %lt3A_1048 = arith.constant 0 : i32
      %lt3A_1049 = vector.broadcast %lt3A_1048 : i32 to vector<16xi32>
      %lt3A_1050 = arith.cmpi slt, %and3A_315, %lt3A_1049 : vector<16xi32>
      %add3A_1051 = arith.constant 16 : i32
      %add3A_1052 = vector.broadcast %add3A_1051 : i32 to vector<16xi32>
      %add3A_1053 = arith.addi %and3A_315, %add3A_1052 : vector<16xi32>
      %select_n3A_1054 = arith.select %lt3A_1050, %add3A_1053, %and3A_315 : vector<16xi1>, vector<16xi32>
      %broadcast_in_dim3A_1055 = vector.shape_cast %select_n3A_1054 : vector<16xi32> to vector<16x1xi32>
      %gather3A_1056 = vector.shape_cast %broadcast_in_dim3A_1055 : vector<16x1xi32> to vector<16xi32>
      %gather3A_1057 = tpu.dynamic_gather %add3A_1047[%gather3A_1056] in [0] : vector<16xf32>, vector<16xi32> -> vector<16xf32>
      %add3A_1058 = arith.addf %add3A_1047, %gather3A_1057 : vector<16xf32>
      %mul3A_1059 = arith.mulf %add3A_1058, %select_n3A_367 : vector<16xf32>
      %add3A_1060 = arith.addf %add3A_973, %mul3A_1059 : vector<16xf32>
      %add3A_1061 = arith.constant 7 : i32
      %add3A_1062 = arith.addi %mul3A_447, %add3A_1061 : i32
      %get3A_1063 = arith.index_cast %add3A_1062 : i32 to index
      %get3A_1064 = arith.constant 0 : index
      %get3A_1065 = tpu.vector_load %arg11[%get3A_1063, %get3A_1064] {strides = array<i32>} : memref<512x64xf32, #tpu.memory_space<vmem>>, vector<1x16xf32>,
      %get3A_1066 = vector.shape_cast %get3A_1065 : vector<1x16xf32> to vector<16xf32>
      %get3A_1067 = arith.index_cast %add3A_1062 : i32 to index
      %get3A_1068 = arith.constant 0 : index
      %get3A_1069 = tpu.vector_load %arg12[%get3A_1067, %get3A_1068] {strides = array<i32>} : memref<512x64xf32, #tpu.memory_space<vmem>>, vector<1x16xf32>,
      %get3A_1070 = vector.shape_cast %get3A_1069 : vector<1x16xf32> to vector<16xf32>
      %mul3A_1071 = arith.mulf %get3A_1066, %get3A_1070 : vector<16xf32>
      %get3A_1072 = arith.index_cast %add3A_1062 : i32 to index
      %get3A_1073 = arith.constant 16 : index
      %get3A_1074 = tpu.vector_load %arg11[%get3A_1072, %get3A_1073] {strides = array<i32>} : memref<512x64xf32, #tpu.memory_space<vmem>>, vector<1x16xf32>,
      %get3A_1075 = vector.shape_cast %get3A_1074 : vector<1x16xf32> to vector<16xf32>
      %get3A_1076 = arith.index_cast %add3A_1062 : i32 to index
      %get3A_1077 = arith.constant 16 : index
      %get3A_1078 = tpu.vector_load %arg12[%get3A_1076, %get3A_1077] {strides = array<i32>} : memref<512x64xf32, #tpu.memory_space<vmem>>, vector<1x16xf32>,
      %get3A_1079 = vector.shape_cast %get3A_1078 : vector<1x16xf32> to vector<16xf32>
      %mul3A_1080 = arith.mulf %get3A_1075, %get3A_1079 : vector<16xf32>
      %add3A_1081 = arith.addf %mul3A_1071, %mul3A_1080 : vector<16xf32>
      %get3A_1082 = arith.index_cast %add3A_1062 : i32 to index
      %get3A_1083 = arith.constant 32 : index
      %get3A_1084 = tpu.vector_load %arg11[%get3A_1082, %get3A_1083] {strides = array<i32>} : memref<512x64xf32, #tpu.memory_space<vmem>>, vector<1x16xf32>,
      %get3A_1085 = vector.shape_cast %get3A_1084 : vector<1x16xf32> to vector<16xf32>
      %get3A_1086 = arith.index_cast %add3A_1062 : i32 to index
      %get3A_1087 = arith.constant 32 : index
      %get3A_1088 = tpu.vector_load %arg12[%get3A_1086, %get3A_1087] {strides = array<i32>} : memref<512x64xf32, #tpu.memory_space<vmem>>, vector<1x16xf32>,
      %get3A_1089 = vector.shape_cast %get3A_1088 : vector<1x16xf32> to vector<16xf32>
      %mul3A_1090 = arith.mulf %get3A_1085, %get3A_1089 : vector<16xf32>
      %add3A_1091 = arith.addf %add3A_1081, %mul3A_1090 : vector<16xf32>
      %get3A_1092 = arith.index_cast %add3A_1062 : i32 to index
      %get3A_1093 = arith.constant 48 : index
      %get3A_1094 = tpu.vector_load %arg11[%get3A_1092, %get3A_1093] {strides = array<i32>} : memref<512x64xf32, #tpu.memory_space<vmem>>, vector<1x16xf32>,
      %get3A_1095 = vector.shape_cast %get3A_1094 : vector<1x16xf32> to vector<16xf32>
      %get3A_1096 = arith.index_cast %add3A_1062 : i32 to index
      %get3A_1097 = arith.constant 48 : index
      %get3A_1098 = tpu.vector_load %arg12[%get3A_1096, %get3A_1097] {strides = array<i32>} : memref<512x64xf32, #tpu.memory_space<vmem>>, vector<1x16xf32>,
      %get3A_1099 = vector.shape_cast %get3A_1098 : vector<1x16xf32> to vector<16xf32>
      %mul3A_1100 = arith.mulf %get3A_1095, %get3A_1099 : vector<16xf32>
      %add3A_1101 = arith.addf %add3A_1091, %mul3A_1100 : vector<16xf32>
      %lt3A_1102 = arith.constant 0 : i32
      %lt3A_1103 = vector.broadcast %lt3A_1102 : i32 to vector<16xi32>
      %lt3A_1104 = arith.cmpi slt, %and3A_297, %lt3A_1103 : vector<16xi32>
      %add3A_1105 = arith.constant 16 : i32
      %add3A_1106 = vector.broadcast %add3A_1105 : i32 to vector<16xi32>
      %add3A_1107 = arith.addi %and3A_297, %add3A_1106 : vector<16xi32>
      %select_n3A_1108 = arith.select %lt3A_1104, %add3A_1107, %and3A_297 : vector<16xi1>, vector<16xi32>
      %broadcast_in_dim3A_1109 = vector.shape_cast %select_n3A_1108 : vector<16xi32> to vector<16x1xi32>
      %gather3A_1110 = vector.shape_cast %broadcast_in_dim3A_1109 : vector<16x1xi32> to vector<16xi32>
      %gather3A_1111 = tpu.dynamic_gather %add3A_1101[%gather3A_1110] in [0] : vector<16xf32>, vector<16xi32> -> vector<16xf32>
      %add3A_1112 = arith.addf %add3A_1101, %gather3A_1111 : vector<16xf32>
      %lt3A_1113 = arith.constant 0 : i32
      %lt3A_1114 = vector.broadcast %lt3A_1113 : i32 to vector<16xi32>
      %lt3A_1115 = arith.cmpi slt, %and3A_303, %lt3A_1114 : vector<16xi32>
      %add3A_1116 = arith.constant 16 : i32
      %add3A_1117 = vector.broadcast %add3A_1116 : i32 to vector<16xi32>
      %add3A_1118 = arith.addi %and3A_303, %add3A_1117 : vector<16xi32>
      %select_n3A_1119 = arith.select %lt3A_1115, %add3A_1118, %and3A_303 : vector<16xi1>, vector<16xi32>
      %broadcast_in_dim3A_1120 = vector.shape_cast %select_n3A_1119 : vector<16xi32> to vector<16x1xi32>
      %gather3A_1121 = vector.shape_cast %broadcast_in_dim3A_1120 : vector<16x1xi32> to vector<16xi32>
      %gather3A_1122 = tpu.dynamic_gather %add3A_1112[%gather3A_1121] in [0] : vector<16xf32>, vector<16xi32> -> vector<16xf32>
      %add3A_1123 = arith.addf %add3A_1112, %gather3A_1122 : vector<16xf32>
      %lt3A_1124 = arith.constant 0 : i32
      %lt3A_1125 = vector.broadcast %lt3A_1124 : i32 to vector<16xi32>
      %lt3A_1126 = arith.cmpi slt, %and3A_309, %lt3A_1125 : vector<16xi32>
      %add3A_1127 = arith.constant 16 : i32
      %add3A_1128 = vector.broadcast %add3A_1127 : i32 to vector<16xi32>
      %add3A_1129 = arith.addi %and3A_309, %add3A_1128 : vector<16xi32>
      %select_n3A_1130 = arith.select %lt3A_1126, %add3A_1129, %and3A_309 : vector<16xi1>, vector<16xi32>
      %broadcast_in_dim3A_1131 = vector.shape_cast %select_n3A_1130 : vector<16xi32> to vector<16x1xi32>
      %gather3A_1132 = vector.shape_cast %broadcast_in_dim3A_1131 : vector<16x1xi32> to vector<16xi32>
      %gather3A_1133 = tpu.dynamic_gather %add3A_1123[%gather3A_1132] in [0] : vector<16xf32>, vector<16xi32> -> vector<16xf32>
      %add3A_1134 = arith.addf %add3A_1123, %gather3A_1133 : vector<16xf32>
      %lt3A_1135 = arith.constant 0 : i32
      %lt3A_1136 = vector.broadcast %lt3A_1135 : i32 to vector<16xi32>
      %lt3A_1137 = arith.cmpi slt, %and3A_315, %lt3A_1136 : vector<16xi32>
      %add3A_1138 = arith.constant 16 : i32
      %add3A_1139 = vector.broadcast %add3A_1138 : i32 to vector<16xi32>
      %add3A_1140 = arith.addi %and3A_315, %add3A_1139 : vector<16xi32>
      %select_n3A_1141 = arith.select %lt3A_1137, %add3A_1140, %and3A_315 : vector<16xi1>, vector<16xi32>
      %broadcast_in_dim3A_1142 = vector.shape_cast %select_n3A_1141 : vector<16xi32> to vector<16x1xi32>
      %gather3A_1143 = vector.shape_cast %broadcast_in_dim3A_1142 : vector<16x1xi32> to vector<16xi32>
      %gather3A_1144 = tpu.dynamic_gather %add3A_1134[%gather3A_1143] in [0] : vector<16xf32>, vector<16xi32> -> vector<16xf32>
      %add3A_1145 = arith.addf %add3A_1134, %gather3A_1144 : vector<16xf32>
      %mul3A_1146 = arith.mulf %add3A_1145, %select_n3A_375 : vector<16xf32>
      %add3A_1147 = arith.addf %add3A_1060, %mul3A_1146 : vector<16xf32>
      %add3A_1148 = arith.constant 8 : i32
      %add3A_1149 = arith.addi %mul3A_447, %add3A_1148 : i32
      %get3A_1150 = arith.index_cast %add3A_1149 : i32 to index
      %get3A_1151 = arith.constant 0 : index
      %get3A_1152 = tpu.vector_load %arg11[%get3A_1150, %get3A_1151] {strides = array<i32>} : memref<512x64xf32, #tpu.memory_space<vmem>>, vector<1x16xf32>,
      %get3A_1153 = vector.shape_cast %get3A_1152 : vector<1x16xf32> to vector<16xf32>
      %get3A_1154 = arith.index_cast %add3A_1149 : i32 to index
      %get3A_1155 = arith.constant 0 : index
      %get3A_1156 = tpu.vector_load %arg12[%get3A_1154, %get3A_1155] {strides = array<i32>} : memref<512x64xf32, #tpu.memory_space<vmem>>, vector<1x16xf32>,
      %get3A_1157 = vector.shape_cast %get3A_1156 : vector<1x16xf32> to vector<16xf32>
      %mul3A_1158 = arith.mulf %get3A_1153, %get3A_1157 : vector<16xf32>
      %get3A_1159 = arith.index_cast %add3A_1149 : i32 to index
      %get3A_1160 = arith.constant 16 : index
      %get3A_1161 = tpu.vector_load %arg11[%get3A_1159, %get3A_1160] {strides = array<i32>} : memref<512x64xf32, #tpu.memory_space<vmem>>, vector<1x16xf32>,
      %get3A_1162 = vector.shape_cast %get3A_1161 : vector<1x16xf32> to vector<16xf32>
      %get3A_1163 = arith.index_cast %add3A_1149 : i32 to index
      %get3A_1164 = arith.constant 16 : index
      %get3A_1165 = tpu.vector_load %arg12[%get3A_1163, %get3A_1164] {strides = array<i32>} : memref<512x64xf32, #tpu.memory_space<vmem>>, vector<1x16xf32>,
      %get3A_1166 = vector.shape_cast %get3A_1165 : vector<1x16xf32> to vector<16xf32>
      %mul3A_1167 = arith.mulf %get3A_1162, %get3A_1166 : vector<16xf32>
      %add3A_1168 = arith.addf %mul3A_1158, %mul3A_1167 : vector<16xf32>
      %get3A_1169 = arith.index_cast %add3A_1149 : i32 to index
      %get3A_1170 = arith.constant 32 : index
      %get3A_1171 = tpu.vector_load %arg11[%get3A_1169, %get3A_1170] {strides = array<i32>} : memref<512x64xf32, #tpu.memory_space<vmem>>, vector<1x16xf32>,
      %get3A_1172 = vector.shape_cast %get3A_1171 : vector<1x16xf32> to vector<16xf32>
      %get3A_1173 = arith.index_cast %add3A_1149 : i32 to index
      %get3A_1174 = arith.constant 32 : index
      %get3A_1175 = tpu.vector_load %arg12[%get3A_1173, %get3A_1174] {strides = array<i32>} : memref<512x64xf32, #tpu.memory_space<vmem>>, vector<1x16xf32>,
      %get3A_1176 = vector.shape_cast %get3A_1175 : vector<1x16xf32> to vector<16xf32>
      %mul3A_1177 = arith.mulf %get3A_1172, %get3A_1176 : vector<16xf32>
      %add3A_1178 = arith.addf %add3A_1168, %mul3A_1177 : vector<16xf32>
      %get3A_1179 = arith.index_cast %add3A_1149 : i32 to index
      %get3A_1180 = arith.constant 48 : index
      %get3A_1181 = tpu.vector_load %arg11[%get3A_1179, %get3A_1180] {strides = array<i32>} : memref<512x64xf32, #tpu.memory_space<vmem>>, vector<1x16xf32>,
      %get3A_1182 = vector.shape_cast %get3A_1181 : vector<1x16xf32> to vector<16xf32>
      %get3A_1183 = arith.index_cast %add3A_1149 : i32 to index
      %get3A_1184 = arith.constant 48 : index
      %get3A_1185 = tpu.vector_load %arg12[%get3A_1183, %get3A_1184] {strides = array<i32>} : memref<512x64xf32, #tpu.memory_space<vmem>>, vector<1x16xf32>,
      %get3A_1186 = vector.shape_cast %get3A_1185 : vector<1x16xf32> to vector<16xf32>
      %mul3A_1187 = arith.mulf %get3A_1182, %get3A_1186 : vector<16xf32>
      %add3A_1188 = arith.addf %add3A_1178, %mul3A_1187 : vector<16xf32>
      %lt3A_1189 = arith.constant 0 : i32
      %lt3A_1190 = vector.broadcast %lt3A_1189 : i32 to vector<16xi32>
      %lt3A_1191 = arith.cmpi slt, %and3A_297, %lt3A_1190 : vector<16xi32>
      %add3A_1192 = arith.constant 16 : i32
      %add3A_1193 = vector.broadcast %add3A_1192 : i32 to vector<16xi32>
      %add3A_1194 = arith.addi %and3A_297, %add3A_1193 : vector<16xi32>
      %select_n3A_1195 = arith.select %lt3A_1191, %add3A_1194, %and3A_297 : vector<16xi1>, vector<16xi32>
      %broadcast_in_dim3A_1196 = vector.shape_cast %select_n3A_1195 : vector<16xi32> to vector<16x1xi32>
      %gather3A_1197 = vector.shape_cast %broadcast_in_dim3A_1196 : vector<16x1xi32> to vector<16xi32>
      %gather3A_1198 = tpu.dynamic_gather %add3A_1188[%gather3A_1197] in [0] : vector<16xf32>, vector<16xi32> -> vector<16xf32>
      %add3A_1199 = arith.addf %add3A_1188, %gather3A_1198 : vector<16xf32>
      %lt3A_1200 = arith.constant 0 : i32
      %lt3A_1201 = vector.broadcast %lt3A_1200 : i32 to vector<16xi32>
      %lt3A_1202 = arith.cmpi slt, %and3A_303, %lt3A_1201 : vector<16xi32>
      %add3A_1203 = arith.constant 16 : i32
      %add3A_1204 = vector.broadcast %add3A_1203 : i32 to vector<16xi32>
      %add3A_1205 = arith.addi %and3A_303, %add3A_1204 : vector<16xi32>
      %select_n3A_1206 = arith.select %lt3A_1202, %add3A_1205, %and3A_303 : vector<16xi1>, vector<16xi32>
      %broadcast_in_dim3A_1207 = vector.shape_cast %select_n3A_1206 : vector<16xi32> to vector<16x1xi32>
      %gather3A_1208 = vector.shape_cast %broadcast_in_dim3A_1207 : vector<16x1xi32> to vector<16xi32>
      %gather3A_1209 = tpu.dynamic_gather %add3A_1199[%gather3A_1208] in [0] : vector<16xf32>, vector<16xi32> -> vector<16xf32>
      %add3A_1210 = arith.addf %add3A_1199, %gather3A_1209 : vector<16xf32>
      %lt3A_1211 = arith.constant 0 : i32
      %lt3A_1212 = vector.broadcast %lt3A_1211 : i32 to vector<16xi32>
      %lt3A_1213 = arith.cmpi slt, %and3A_309, %lt3A_1212 : vector<16xi32>
      %add3A_1214 = arith.constant 16 : i32
      %add3A_1215 = vector.broadcast %add3A_1214 : i32 to vector<16xi32>
      %add3A_1216 = arith.addi %and3A_309, %add3A_1215 : vector<16xi32>
      %select_n3A_1217 = arith.select %lt3A_1213, %add3A_1216, %and3A_309 : vector<16xi1>, vector<16xi32>
      %broadcast_in_dim3A_1218 = vector.shape_cast %select_n3A_1217 : vector<16xi32> to vector<16x1xi32>
      %gather3A_1219 = vector.shape_cast %broadcast_in_dim3A_1218 : vector<16x1xi32> to vector<16xi32>
      %gather3A_1220 = tpu.dynamic_gather %add3A_1210[%gather3A_1219] in [0] : vector<16xf32>, vector<16xi32> -> vector<16xf32>
      %add3A_1221 = arith.addf %add3A_1210, %gather3A_1220 : vector<16xf32>
      %lt3A_1222 = arith.constant 0 : i32
      %lt3A_1223 = vector.broadcast %lt3A_1222 : i32 to vector<16xi32>
      %lt3A_1224 = arith.cmpi slt, %and3A_315, %lt3A_1223 : vector<16xi32>
      %add3A_1225 = arith.constant 16 : i32
      %add3A_1226 = vector.broadcast %add3A_1225 : i32 to vector<16xi32>
      %add3A_1227 = arith.addi %and3A_315, %add3A_1226 : vector<16xi32>
      %select_n3A_1228 = arith.select %lt3A_1224, %add3A_1227, %and3A_315 : vector<16xi1>, vector<16xi32>
      %broadcast_in_dim3A_1229 = vector.shape_cast %select_n3A_1228 : vector<16xi32> to vector<16x1xi32>
      %gather3A_1230 = vector.shape_cast %broadcast_in_dim3A_1229 : vector<16x1xi32> to vector<16xi32>
      %gather3A_1231 = tpu.dynamic_gather %add3A_1221[%gather3A_1230] in [0] : vector<16xf32>, vector<16xi32> -> vector<16xf32>
      %add3A_1232 = arith.addf %add3A_1221, %gather3A_1231 : vector<16xf32>
      %mul3A_1233 = arith.mulf %add3A_1232, %select_n3A_383 : vector<16xf32>
      %add3A_1234 = arith.addf %add3A_1147, %mul3A_1233 : vector<16xf32>
      %add3A_1235 = arith.constant 9 : i32
      %add3A_1236 = arith.addi %mul3A_447, %add3A_1235 : i32
      %get3A_1237 = arith.index_cast %add3A_1236 : i32 to index
      %get3A_1238 = arith.constant 0 : index
      %get3A_1239 = tpu.vector_load %arg11[%get3A_1237, %get3A_1238] {strides = array<i32>} : memref<512x64xf32, #tpu.memory_space<vmem>>, vector<1x16xf32>,
      %get3A_1240 = vector.shape_cast %get3A_1239 : vector<1x16xf32> to vector<16xf32>
      %get3A_1241 = arith.index_cast %add3A_1236 : i32 to index
      %get3A_1242 = arith.constant 0 : index
      %get3A_1243 = tpu.vector_load %arg12[%get3A_1241, %get3A_1242] {strides = array<i32>} : memref<512x64xf32, #tpu.memory_space<vmem>>, vector<1x16xf32>,
      %get3A_1244 = vector.shape_cast %get3A_1243 : vector<1x16xf32> to vector<16xf32>
      %mul3A_1245 = arith.mulf %get3A_1240, %get3A_1244 : vector<16xf32>
      %get3A_1246 = arith.index_cast %add3A_1236 : i32 to index
      %get3A_1247 = arith.constant 16 : index
      %get3A_1248 = tpu.vector_load %arg11[%get3A_1246, %get3A_1247] {strides = array<i32>} : memref<512x64xf32, #tpu.memory_space<vmem>>, vector<1x16xf32>,
      %get3A_1249 = vector.shape_cast %get3A_1248 : vector<1x16xf32> to vector<16xf32>
      %get3A_1250 = arith.index_cast %add3A_1236 : i32 to index
      %get3A_1251 = arith.constant 16 : index
      %get3A_1252 = tpu.vector_load %arg12[%get3A_1250, %get3A_1251] {strides = array<i32>} : memref<512x64xf32, #tpu.memory_space<vmem>>, vector<1x16xf32>,
      %get3A_1253 = vector.shape_cast %get3A_1252 : vector<1x16xf32> to vector<16xf32>
      %mul3A_1254 = arith.mulf %get3A_1249, %get3A_1253 : vector<16xf32>
      %add3A_1255 = arith.addf %mul3A_1245, %mul3A_1254 : vector<16xf32>
      %get3A_1256 = arith.index_cast %add3A_1236 : i32 to index
      %get3A_1257 = arith.constant 32 : index
      %get3A_1258 = tpu.vector_load %arg11[%get3A_1256, %get3A_1257] {strides = array<i32>} : memref<512x64xf32, #tpu.memory_space<vmem>>, vector<1x16xf32>,
      %get3A_1259 = vector.shape_cast %get3A_1258 : vector<1x16xf32> to vector<16xf32>
      %get3A_1260 = arith.index_cast %add3A_1236 : i32 to index
      %get3A_1261 = arith.constant 32 : index
      %get3A_1262 = tpu.vector_load %arg12[%get3A_1260, %get3A_1261] {strides = array<i32>} : memref<512x64xf32, #tpu.memory_space<vmem>>, vector<1x16xf32>,
      %get3A_1263 = vector.shape_cast %get3A_1262 : vector<1x16xf32> to vector<16xf32>
      %mul3A_1264 = arith.mulf %get3A_1259, %get3A_1263 : vector<16xf32>
      %add3A_1265 = arith.addf %add3A_1255, %mul3A_1264 : vector<16xf32>
      %get3A_1266 = arith.index_cast %add3A_1236 : i32 to index
      %get3A_1267 = arith.constant 48 : index
      %get3A_1268 = tpu.vector_load %arg11[%get3A_1266, %get3A_1267] {strides = array<i32>} : memref<512x64xf32, #tpu.memory_space<vmem>>, vector<1x16xf32>,
      %get3A_1269 = vector.shape_cast %get3A_1268 : vector<1x16xf32> to vector<16xf32>
      %get3A_1270 = arith.index_cast %add3A_1236 : i32 to index
      %get3A_1271 = arith.constant 48 : index
      %get3A_1272 = tpu.vector_load %arg12[%get3A_1270, %get3A_1271] {strides = array<i32>} : memref<512x64xf32, #tpu.memory_space<vmem>>, vector<1x16xf32>,
      %get3A_1273 = vector.shape_cast %get3A_1272 : vector<1x16xf32> to vector<16xf32>
      %mul3A_1274 = arith.mulf %get3A_1269, %get3A_1273 : vector<16xf32>
      %add3A_1275 = arith.addf %add3A_1265, %mul3A_1274 : vector<16xf32>
      %lt3A_1276 = arith.constant 0 : i32
      %lt3A_1277 = vector.broadcast %lt3A_1276 : i32 to vector<16xi32>
      %lt3A_1278 = arith.cmpi slt, %and3A_297, %lt3A_1277 : vector<16xi32>
      %add3A_1279 = arith.constant 16 : i32
      %add3A_1280 = vector.broadcast %add3A_1279 : i32 to vector<16xi32>
      %add3A_1281 = arith.addi %and3A_297, %add3A_1280 : vector<16xi32>
      %select_n3A_1282 = arith.select %lt3A_1278, %add3A_1281, %and3A_297 : vector<16xi1>, vector<16xi32>
      %broadcast_in_dim3A_1283 = vector.shape_cast %select_n3A_1282 : vector<16xi32> to vector<16x1xi32>
      %gather3A_1284 = vector.shape_cast %broadcast_in_dim3A_1283 : vector<16x1xi32> to vector<16xi32>
      %gather3A_1285 = tpu.dynamic_gather %add3A_1275[%gather3A_1284] in [0] : vector<16xf32>, vector<16xi32> -> vector<16xf32>
      %add3A_1286 = arith.addf %add3A_1275, %gather3A_1285 : vector<16xf32>
      %lt3A_1287 = arith.constant 0 : i32
      %lt3A_1288 = vector.broadcast %lt3A_1287 : i32 to vector<16xi32>
      %lt3A_1289 = arith.cmpi slt, %and3A_303, %lt3A_1288 : vector<16xi32>
      %add3A_1290 = arith.constant 16 : i32
      %add3A_1291 = vector.broadcast %add3A_1290 : i32 to vector<16xi32>
      %add3A_1292 = arith.addi %and3A_303, %add3A_1291 : vector<16xi32>
      %select_n3A_1293 = arith.select %lt3A_1289, %add3A_1292, %and3A_303 : vector<16xi1>, vector<16xi32>
      %broadcast_in_dim3A_1294 = vector.shape_cast %select_n3A_1293 : vector<16xi32> to vector<16x1xi32>
      %gather3A_1295 = vector.shape_cast %broadcast_in_dim3A_1294 : vector<16x1xi32> to vector<16xi32>
      %gather3A_1296 = tpu.dynamic_gather %add3A_1286[%gather3A_1295] in [0] : vector<16xf32>, vector<16xi32> -> vector<16xf32>
      %add3A_1297 = arith.addf %add3A_1286, %gather3A_1296 : vector<16xf32>
      %lt3A_1298 = arith.constant 0 : i32
      %lt3A_1299 = vector.broadcast %lt3A_1298 : i32 to vector<16xi32>
      %lt3A_1300 = arith.cmpi slt, %and3A_309, %lt3A_1299 : vector<16xi32>
      %add3A_1301 = arith.constant 16 : i32
      %add3A_1302 = vector.broadcast %add3A_1301 : i32 to vector<16xi32>
      %add3A_1303 = arith.addi %and3A_309, %add3A_1302 : vector<16xi32>
      %select_n3A_1304 = arith.select %lt3A_1300, %add3A_1303, %and3A_309 : vector<16xi1>, vector<16xi32>
      %broadcast_in_dim3A_1305 = vector.shape_cast %select_n3A_1304 : vector<16xi32> to vector<16x1xi32>
      %gather3A_1306 = vector.shape_cast %broadcast_in_dim3A_1305 : vector<16x1xi32> to vector<16xi32>
      %gather3A_1307 = tpu.dynamic_gather %add3A_1297[%gather3A_1306] in [0] : vector<16xf32>, vector<16xi32> -> vector<16xf32>
      %add3A_1308 = arith.addf %add3A_1297, %gather3A_1307 : vector<16xf32>
      %lt3A_1309 = arith.constant 0 : i32
      %lt3A_1310 = vector.broadcast %lt3A_1309 : i32 to vector<16xi32>
      %lt3A_1311 = arith.cmpi slt, %and3A_315, %lt3A_1310 : vector<16xi32>
      %add3A_1312 = arith.constant 16 : i32
      %add3A_1313 = vector.broadcast %add3A_1312 : i32 to vector<16xi32>
      %add3A_1314 = arith.addi %and3A_315, %add3A_1313 : vector<16xi32>
      %select_n3A_1315 = arith.select %lt3A_1311, %add3A_1314, %and3A_315 : vector<16xi1>, vector<16xi32>
      %broadcast_in_dim3A_1316 = vector.shape_cast %select_n3A_1315 : vector<16xi32> to vector<16x1xi32>
      %gather3A_1317 = vector.shape_cast %broadcast_in_dim3A_1316 : vector<16x1xi32> to vector<16xi32>
      %gather3A_1318 = tpu.dynamic_gather %add3A_1308[%gather3A_1317] in [0] : vector<16xf32>, vector<16xi32> -> vector<16xf32>
      %add3A_1319 = arith.addf %add3A_1308, %gather3A_1318 : vector<16xf32>
      %mul3A_1320 = arith.mulf %add3A_1319, %select_n3A_391 : vector<16xf32>
      %add3A_1321 = arith.addf %add3A_1234, %mul3A_1320 : vector<16xf32>
      %add3A_1322 = arith.constant 10 : i32
      %add3A_1323 = arith.addi %mul3A_447, %add3A_1322 : i32
      %get3A_1324 = arith.index_cast %add3A_1323 : i32 to index
      %get3A_1325 = arith.constant 0 : index
      %get3A_1326 = tpu.vector_load %arg11[%get3A_1324, %get3A_1325] {strides = array<i32>} : memref<512x64xf32, #tpu.memory_space<vmem>>, vector<1x16xf32>,
      %get3A_1327 = vector.shape_cast %get3A_1326 : vector<1x16xf32> to vector<16xf32>
      %get3A_1328 = arith.index_cast %add3A_1323 : i32 to index
      %get3A_1329 = arith.constant 0 : index
      %get3A_1330 = tpu.vector_load %arg12[%get3A_1328, %get3A_1329] {strides = array<i32>} : memref<512x64xf32, #tpu.memory_space<vmem>>, vector<1x16xf32>,
      %get3A_1331 = vector.shape_cast %get3A_1330 : vector<1x16xf32> to vector<16xf32>
      %mul3A_1332 = arith.mulf %get3A_1327, %get3A_1331 : vector<16xf32>
      %get3A_1333 = arith.index_cast %add3A_1323 : i32 to index
      %get3A_1334 = arith.constant 16 : index
      %get3A_1335 = tpu.vector_load %arg11[%get3A_1333, %get3A_1334] {strides = array<i32>} : memref<512x64xf32, #tpu.memory_space<vmem>>, vector<1x16xf32>,
      %get3A_1336 = vector.shape_cast %get3A_1335 : vector<1x16xf32> to vector<16xf32>
      %get3A_1337 = arith.index_cast %add3A_1323 : i32 to index
      %get3A_1338 = arith.constant 16 : index
      %get3A_1339 = tpu.vector_load %arg12[%get3A_1337, %get3A_1338] {strides = array<i32>} : memref<512x64xf32, #tpu.memory_space<vmem>>, vector<1x16xf32>,
      %get3A_1340 = vector.shape_cast %get3A_1339 : vector<1x16xf32> to vector<16xf32>
      %mul3A_1341 = arith.mulf %get3A_1336, %get3A_1340 : vector<16xf32>
      %add3A_1342 = arith.addf %mul3A_1332, %mul3A_1341 : vector<16xf32>
      %get3A_1343 = arith.index_cast %add3A_1323 : i32 to index
      %get3A_1344 = arith.constant 32 : index
      %get3A_1345 = tpu.vector_load %arg11[%get3A_1343, %get3A_1344] {strides = array<i32>} : memref<512x64xf32, #tpu.memory_space<vmem>>, vector<1x16xf32>,
      %get3A_1346 = vector.shape_cast %get3A_1345 : vector<1x16xf32> to vector<16xf32>
      %get3A_1347 = arith.index_cast %add3A_1323 : i32 to index
      %get3A_1348 = arith.constant 32 : index
      %get3A_1349 = tpu.vector_load %arg12[%get3A_1347, %get3A_1348] {strides = array<i32>} : memref<512x64xf32, #tpu.memory_space<vmem>>, vector<1x16xf32>,
      %get3A_1350 = vector.shape_cast %get3A_1349 : vector<1x16xf32> to vector<16xf32>
      %mul3A_1351 = arith.mulf %get3A_1346, %get3A_1350 : vector<16xf32>
      %add3A_1352 = arith.addf %add3A_1342, %mul3A_1351 : vector<16xf32>
      %get3A_1353 = arith.index_cast %add3A_1323 : i32 to index
      %get3A_1354 = arith.constant 48 : index
      %get3A_1355 = tpu.vector_load %arg11[%get3A_1353, %get3A_1354] {strides = array<i32>} : memref<512x64xf32, #tpu.memory_space<vmem>>, vector<1x16xf32>,
      %get3A_1356 = vector.shape_cast %get3A_1355 : vector<1x16xf32> to vector<16xf32>
      %get3A_1357 = arith.index_cast %add3A_1323 : i32 to index
      %get3A_1358 = arith.constant 48 : index
      %get3A_1359 = tpu.vector_load %arg12[%get3A_1357, %get3A_1358] {strides = array<i32>} : memref<512x64xf32, #tpu.memory_space<vmem>>, vector<1x16xf32>,
      %get3A_1360 = vector.shape_cast %get3A_1359 : vector<1x16xf32> to vector<16xf32>
      %mul3A_1361 = arith.mulf %get3A_1356, %get3A_1360 : vector<16xf32>
      %add3A_1362 = arith.addf %add3A_1352, %mul3A_1361 : vector<16xf32>
      %lt3A_1363 = arith.constant 0 : i32
      %lt3A_1364 = vector.broadcast %lt3A_1363 : i32 to vector<16xi32>
      %lt3A_1365 = arith.cmpi slt, %and3A_297, %lt3A_1364 : vector<16xi32>
      %add3A_1366 = arith.constant 16 : i32
      %add3A_1367 = vector.broadcast %add3A_1366 : i32 to vector<16xi32>
      %add3A_1368 = arith.addi %and3A_297, %add3A_1367 : vector<16xi32>
      %select_n3A_1369 = arith.select %lt3A_1365, %add3A_1368, %and3A_297 : vector<16xi1>, vector<16xi32>
      %broadcast_in_dim3A_1370 = vector.shape_cast %select_n3A_1369 : vector<16xi32> to vector<16x1xi32>
      %gather3A_1371 = vector.shape_cast %broadcast_in_dim3A_1370 : vector<16x1xi32> to vector<16xi32>
      %gather3A_1372 = tpu.dynamic_gather %add3A_1362[%gather3A_1371] in [0] : vector<16xf32>, vector<16xi32> -> vector<16xf32>
      %add3A_1373 = arith.addf %add3A_1362, %gather3A_1372 : vector<16xf32>
      %lt3A_1374 = arith.constant 0 : i32
      %lt3A_1375 = vector.broadcast %lt3A_1374 : i32 to vector<16xi32>
      %lt3A_1376 = arith.cmpi slt, %and3A_303, %lt3A_1375 : vector<16xi32>
      %add3A_1377 = arith.constant 16 : i32
      %add3A_1378 = vector.broadcast %add3A_1377 : i32 to vector<16xi32>
      %add3A_1379 = arith.addi %and3A_303, %add3A_1378 : vector<16xi32>
      %select_n3A_1380 = arith.select %lt3A_1376, %add3A_1379, %and3A_303 : vector<16xi1>, vector<16xi32>
      %broadcast_in_dim3A_1381 = vector.shape_cast %select_n3A_1380 : vector<16xi32> to vector<16x1xi32>
      %gather3A_1382 = vector.shape_cast %broadcast_in_dim3A_1381 : vector<16x1xi32> to vector<16xi32>
      %gather3A_1383 = tpu.dynamic_gather %add3A_1373[%gather3A_1382] in [0] : vector<16xf32>, vector<16xi32> -> vector<16xf32>
      %add3A_1384 = arith.addf %add3A_1373, %gather3A_1383 : vector<16xf32>
      %lt3A_1385 = arith.constant 0 : i32
      %lt3A_1386 = vector.broadcast %lt3A_1385 : i32 to vector<16xi32>
      %lt3A_1387 = arith.cmpi slt, %and3A_309, %lt3A_1386 : vector<16xi32>
      %add3A_1388 = arith.constant 16 : i32
      %add3A_1389 = vector.broadcast %add3A_1388 : i32 to vector<16xi32>
      %add3A_1390 = arith.addi %and3A_309, %add3A_1389 : vector<16xi32>
      %select_n3A_1391 = arith.select %lt3A_1387, %add3A_1390, %and3A_309 : vector<16xi1>, vector<16xi32>
      %broadcast_in_dim3A_1392 = vector.shape_cast %select_n3A_1391 : vector<16xi32> to vector<16x1xi32>
      %gather3A_1393 = vector.shape_cast %broadcast_in_dim3A_1392 : vector<16x1xi32> to vector<16xi32>
      %gather3A_1394 = tpu.dynamic_gather %add3A_1384[%gather3A_1393] in [0] : vector<16xf32>, vector<16xi32> -> vector<16xf32>
      %add3A_1395 = arith.addf %add3A_1384, %gather3A_1394 : vector<16xf32>
      %lt3A_1396 = arith.constant 0 : i32
      %lt3A_1397 = vector.broadcast %lt3A_1396 : i32 to vector<16xi32>
      %lt3A_1398 = arith.cmpi slt, %and3A_315, %lt3A_1397 : vector<16xi32>
      %add3A_1399 = arith.constant 16 : i32
      %add3A_1400 = vector.broadcast %add3A_1399 : i32 to vector<16xi32>
      %add3A_1401 = arith.addi %and3A_315, %add3A_1400 : vector<16xi32>
      %select_n3A_1402 = arith.select %lt3A_1398, %add3A_1401, %and3A_315 : vector<16xi1>, vector<16xi32>
      %broadcast_in_dim3A_1403 = vector.shape_cast %select_n3A_1402 : vector<16xi32> to vector<16x1xi32>
      %gather3A_1404 = vector.shape_cast %broadcast_in_dim3A_1403 : vector<16x1xi32> to vector<16xi32>
      %gather3A_1405 = tpu.dynamic_gather %add3A_1395[%gather3A_1404] in [0] : vector<16xf32>, vector<16xi32> -> vector<16xf32>
      %add3A_1406 = arith.addf %add3A_1395, %gather3A_1405 : vector<16xf32>
      %mul3A_1407 = arith.mulf %add3A_1406, %select_n3A_399 : vector<16xf32>
      %add3A_1408 = arith.addf %add3A_1321, %mul3A_1407 : vector<16xf32>
      %add3A_1409 = arith.constant 11 : i32
      %add3A_1410 = arith.addi %mul3A_447, %add3A_1409 : i32
      %get3A_1411 = arith.index_cast %add3A_1410 : i32 to index
      %get3A_1412 = arith.constant 0 : index
      %get3A_1413 = tpu.vector_load %arg11[%get3A_1411, %get3A_1412] {strides = array<i32>} : memref<512x64xf32, #tpu.memory_space<vmem>>, vector<1x16xf32>,
      %get3A_1414 = vector.shape_cast %get3A_1413 : vector<1x16xf32> to vector<16xf32>
      %get3A_1415 = arith.index_cast %add3A_1410 : i32 to index
      %get3A_1416 = arith.constant 0 : index
      %get3A_1417 = tpu.vector_load %arg12[%get3A_1415, %get3A_1416] {strides = array<i32>} : memref<512x64xf32, #tpu.memory_space<vmem>>, vector<1x16xf32>,
      %get3A_1418 = vector.shape_cast %get3A_1417 : vector<1x16xf32> to vector<16xf32>
      %mul3A_1419 = arith.mulf %get3A_1414, %get3A_1418 : vector<16xf32>
      %get3A_1420 = arith.index_cast %add3A_1410 : i32 to index
      %get3A_1421 = arith.constant 16 : index
      %get3A_1422 = tpu.vector_load %arg11[%get3A_1420, %get3A_1421] {strides = array<i32>} : memref<512x64xf32, #tpu.memory_space<vmem>>, vector<1x16xf32>,
      %get3A_1423 = vector.shape_cast %get3A_1422 : vector<1x16xf32> to vector<16xf32>
      %get3A_1424 = arith.index_cast %add3A_1410 : i32 to index
      %get3A_1425 = arith.constant 16 : index
      %get3A_1426 = tpu.vector_load %arg12[%get3A_1424, %get3A_1425] {strides = array<i32>} : memref<512x64xf32, #tpu.memory_space<vmem>>, vector<1x16xf32>,
      %get3A_1427 = vector.shape_cast %get3A_1426 : vector<1x16xf32> to vector<16xf32>
      %mul3A_1428 = arith.mulf %get3A_1423, %get3A_1427 : vector<16xf32>
      %add3A_1429 = arith.addf %mul3A_1419, %mul3A_1428 : vector<16xf32>
      %get3A_1430 = arith.index_cast %add3A_1410 : i32 to index
      %get3A_1431 = arith.constant 32 : index
      %get3A_1432 = tpu.vector_load %arg11[%get3A_1430, %get3A_1431] {strides = array<i32>} : memref<512x64xf32, #tpu.memory_space<vmem>>, vector<1x16xf32>,
      %get3A_1433 = vector.shape_cast %get3A_1432 : vector<1x16xf32> to vector<16xf32>
      %get3A_1434 = arith.index_cast %add3A_1410 : i32 to index
      %get3A_1435 = arith.constant 32 : index
      %get3A_1436 = tpu.vector_load %arg12[%get3A_1434, %get3A_1435] {strides = array<i32>} : memref<512x64xf32, #tpu.memory_space<vmem>>, vector<1x16xf32>,
      %get3A_1437 = vector.shape_cast %get3A_1436 : vector<1x16xf32> to vector<16xf32>
      %mul3A_1438 = arith.mulf %get3A_1433, %get3A_1437 : vector<16xf32>
      %add3A_1439 = arith.addf %add3A_1429, %mul3A_1438 : vector<16xf32>
      %get3A_1440 = arith.index_cast %add3A_1410 : i32 to index
      %get3A_1441 = arith.constant 48 : index
      %get3A_1442 = tpu.vector_load %arg11[%get3A_1440, %get3A_1441] {strides = array<i32>} : memref<512x64xf32, #tpu.memory_space<vmem>>, vector<1x16xf32>,
      %get3A_1443 = vector.shape_cast %get3A_1442 : vector<1x16xf32> to vector<16xf32>
      %get3A_1444 = arith.index_cast %add3A_1410 : i32 to index
      %get3A_1445 = arith.constant 48 : index
      %get3A_1446 = tpu.vector_load %arg12[%get3A_1444, %get3A_1445] {strides = array<i32>} : memref<512x64xf32, #tpu.memory_space<vmem>>, vector<1x16xf32>,
      %get3A_1447 = vector.shape_cast %get3A_1446 : vector<1x16xf32> to vector<16xf32>
      %mul3A_1448 = arith.mulf %get3A_1443, %get3A_1447 : vector<16xf32>
      %add3A_1449 = arith.addf %add3A_1439, %mul3A_1448 : vector<16xf32>
      %lt3A_1450 = arith.constant 0 : i32
      %lt3A_1451 = vector.broadcast %lt3A_1450 : i32 to vector<16xi32>
      %lt3A_1452 = arith.cmpi slt, %and3A_297, %lt3A_1451 : vector<16xi32>
      %add3A_1453 = arith.constant 16 : i32
      %add3A_1454 = vector.broadcast %add3A_1453 : i32 to vector<16xi32>
      %add3A_1455 = arith.addi %and3A_297, %add3A_1454 : vector<16xi32>
      %select_n3A_1456 = arith.select %lt3A_1452, %add3A_1455, %and3A_297 : vector<16xi1>, vector<16xi32>
      %broadcast_in_dim3A_1457 = vector.shape_cast %select_n3A_1456 : vector<16xi32> to vector<16x1xi32>
      %gather3A_1458 = vector.shape_cast %broadcast_in_dim3A_1457 : vector<16x1xi32> to vector<16xi32>
      %gather3A_1459 = tpu.dynamic_gather %add3A_1449[%gather3A_1458] in [0] : vector<16xf32>, vector<16xi32> -> vector<16xf32>
      %add3A_1460 = arith.addf %add3A_1449, %gather3A_1459 : vector<16xf32>
      %lt3A_1461 = arith.constant 0 : i32
      %lt3A_1462 = vector.broadcast %lt3A_1461 : i32 to vector<16xi32>
      %lt3A_1463 = arith.cmpi slt, %and3A_303, %lt3A_1462 : vector<16xi32>
      %add3A_1464 = arith.constant 16 : i32
      %add3A_1465 = vector.broadcast %add3A_1464 : i32 to vector<16xi32>
      %add3A_1466 = arith.addi %and3A_303, %add3A_1465 : vector<16xi32>
      %select_n3A_1467 = arith.select %lt3A_1463, %add3A_1466, %and3A_303 : vector<16xi1>, vector<16xi32>
      %broadcast_in_dim3A_1468 = vector.shape_cast %select_n3A_1467 : vector<16xi32> to vector<16x1xi32>
      %gather3A_1469 = vector.shape_cast %broadcast_in_dim3A_1468 : vector<16x1xi32> to vector<16xi32>
      %gather3A_1470 = tpu.dynamic_gather %add3A_1460[%gather3A_1469] in [0] : vector<16xf32>, vector<16xi32> -> vector<16xf32>
      %add3A_1471 = arith.addf %add3A_1460, %gather3A_1470 : vector<16xf32>
      %lt3A_1472 = arith.constant 0 : i32
      %lt3A_1473 = vector.broadcast %lt3A_1472 : i32 to vector<16xi32>
      %lt3A_1474 = arith.cmpi slt, %and3A_309, %lt3A_1473 : vector<16xi32>
      %add3A_1475 = arith.constant 16 : i32
      %add3A_1476 = vector.broadcast %add3A_1475 : i32 to vector<16xi32>
      %add3A_1477 = arith.addi %and3A_309, %add3A_1476 : vector<16xi32>
      %select_n3A_1478 = arith.select %lt3A_1474, %add3A_1477, %and3A_309 : vector<16xi1>, vector<16xi32>
      %broadcast_in_dim3A_1479 = vector.shape_cast %select_n3A_1478 : vector<16xi32> to vector<16x1xi32>
      %gather3A_1480 = vector.shape_cast %broadcast_in_dim3A_1479 : vector<16x1xi32> to vector<16xi32>
      %gather3A_1481 = tpu.dynamic_gather %add3A_1471[%gather3A_1480] in [0] : vector<16xf32>, vector<16xi32> -> vector<16xf32>
      %add3A_1482 = arith.addf %add3A_1471, %gather3A_1481 : vector<16xf32>
      %lt3A_1483 = arith.constant 0 : i32
      %lt3A_1484 = vector.broadcast %lt3A_1483 : i32 to vector<16xi32>
      %lt3A_1485 = arith.cmpi slt, %and3A_315, %lt3A_1484 : vector<16xi32>
      %add3A_1486 = arith.constant 16 : i32
      %add3A_1487 = vector.broadcast %add3A_1486 : i32 to vector<16xi32>
      %add3A_1488 = arith.addi %and3A_315, %add3A_1487 : vector<16xi32>
      %select_n3A_1489 = arith.select %lt3A_1485, %add3A_1488, %and3A_315 : vector<16xi1>, vector<16xi32>
      %broadcast_in_dim3A_1490 = vector.shape_cast %select_n3A_1489 : vector<16xi32> to vector<16x1xi32>
      %gather3A_1491 = vector.shape_cast %broadcast_in_dim3A_1490 : vector<16x1xi32> to vector<16xi32>
      %gather3A_1492 = tpu.dynamic_gather %add3A_1482[%gather3A_1491] in [0] : vector<16xf32>, vector<16xi32> -> vector<16xf32>
      %add3A_1493 = arith.addf %add3A_1482, %gather3A_1492 : vector<16xf32>
      %mul3A_1494 = arith.mulf %add3A_1493, %select_n3A_407 : vector<16xf32>
      %add3A_1495 = arith.addf %add3A_1408, %mul3A_1494 : vector<16xf32>
      %add3A_1496 = arith.constant 12 : i32
      %add3A_1497 = arith.addi %mul3A_447, %add3A_1496 : i32
      %get3A_1498 = arith.index_cast %add3A_1497 : i32 to index
      %get3A_1499 = arith.constant 0 : index
      %get3A_1500 = tpu.vector_load %arg11[%get3A_1498, %get3A_1499] {strides = array<i32>} : memref<512x64xf32, #tpu.memory_space<vmem>>, vector<1x16xf32>,
      %get3A_1501 = vector.shape_cast %get3A_1500 : vector<1x16xf32> to vector<16xf32>
      %get3A_1502 = arith.index_cast %add3A_1497 : i32 to index
      %get3A_1503 = arith.constant 0 : index
      %get3A_1504 = tpu.vector_load %arg12[%get3A_1502, %get3A_1503] {strides = array<i32>} : memref<512x64xf32, #tpu.memory_space<vmem>>, vector<1x16xf32>,
      %get3A_1505 = vector.shape_cast %get3A_1504 : vector<1x16xf32> to vector<16xf32>
      %mul3A_1506 = arith.mulf %get3A_1501, %get3A_1505 : vector<16xf32>
      %get3A_1507 = arith.index_cast %add3A_1497 : i32 to index
      %get3A_1508 = arith.constant 16 : index
      %get3A_1509 = tpu.vector_load %arg11[%get3A_1507, %get3A_1508] {strides = array<i32>} : memref<512x64xf32, #tpu.memory_space<vmem>>, vector<1x16xf32>,
      %get3A_1510 = vector.shape_cast %get3A_1509 : vector<1x16xf32> to vector<16xf32>
      %get3A_1511 = arith.index_cast %add3A_1497 : i32 to index
      %get3A_1512 = arith.constant 16 : index
      %get3A_1513 = tpu.vector_load %arg12[%get3A_1511, %get3A_1512] {strides = array<i32>} : memref<512x64xf32, #tpu.memory_space<vmem>>, vector<1x16xf32>,
      %get3A_1514 = vector.shape_cast %get3A_1513 : vector<1x16xf32> to vector<16xf32>
      %mul3A_1515 = arith.mulf %get3A_1510, %get3A_1514 : vector<16xf32>
      %add3A_1516 = arith.addf %mul3A_1506, %mul3A_1515 : vector<16xf32>
      %get3A_1517 = arith.index_cast %add3A_1497 : i32 to index
      %get3A_1518 = arith.constant 32 : index
      %get3A_1519 = tpu.vector_load %arg11[%get3A_1517, %get3A_1518] {strides = array<i32>} : memref<512x64xf32, #tpu.memory_space<vmem>>, vector<1x16xf32>,
      %get3A_1520 = vector.shape_cast %get3A_1519 : vector<1x16xf32> to vector<16xf32>
      %get3A_1521 = arith.index_cast %add3A_1497 : i32 to index
      %get3A_1522 = arith.constant 32 : index
      %get3A_1523 = tpu.vector_load %arg12[%get3A_1521, %get3A_1522] {strides = array<i32>} : memref<512x64xf32, #tpu.memory_space<vmem>>, vector<1x16xf32>,
      %get3A_1524 = vector.shape_cast %get3A_1523 : vector<1x16xf32> to vector<16xf32>
      %mul3A_1525 = arith.mulf %get3A_1520, %get3A_1524 : vector<16xf32>
      %add3A_1526 = arith.addf %add3A_1516, %mul3A_1525 : vector<16xf32>
      %get3A_1527 = arith.index_cast %add3A_1497 : i32 to index
      %get3A_1528 = arith.constant 48 : index
      %get3A_1529 = tpu.vector_load %arg11[%get3A_1527, %get3A_1528] {strides = array<i32>} : memref<512x64xf32, #tpu.memory_space<vmem>>, vector<1x16xf32>,
      %get3A_1530 = vector.shape_cast %get3A_1529 : vector<1x16xf32> to vector<16xf32>
      %get3A_1531 = arith.index_cast %add3A_1497 : i32 to index
      %get3A_1532 = arith.constant 48 : index
      %get3A_1533 = tpu.vector_load %arg12[%get3A_1531, %get3A_1532] {strides = array<i32>} : memref<512x64xf32, #tpu.memory_space<vmem>>, vector<1x16xf32>,
      %get3A_1534 = vector.shape_cast %get3A_1533 : vector<1x16xf32> to vector<16xf32>
      %mul3A_1535 = arith.mulf %get3A_1530, %get3A_1534 : vector<16xf32>
      %add3A_1536 = arith.addf %add3A_1526, %mul3A_1535 : vector<16xf32>
      %lt3A_1537 = arith.constant 0 : i32
      %lt3A_1538 = vector.broadcast %lt3A_1537 : i32 to vector<16xi32>
      %lt3A_1539 = arith.cmpi slt, %and3A_297, %lt3A_1538 : vector<16xi32>
      %add3A_1540 = arith.constant 16 : i32
      %add3A_1541 = vector.broadcast %add3A_1540 : i32 to vector<16xi32>
      %add3A_1542 = arith.addi %and3A_297, %add3A_1541 : vector<16xi32>
      %select_n3A_1543 = arith.select %lt3A_1539, %add3A_1542, %and3A_297 : vector<16xi1>, vector<16xi32>
      %broadcast_in_dim3A_1544 = vector.shape_cast %select_n3A_1543 : vector<16xi32> to vector<16x1xi32>
      %gather3A_1545 = vector.shape_cast %broadcast_in_dim3A_1544 : vector<16x1xi32> to vector<16xi32>
      %gather3A_1546 = tpu.dynamic_gather %add3A_1536[%gather3A_1545] in [0] : vector<16xf32>, vector<16xi32> -> vector<16xf32>
      %add3A_1547 = arith.addf %add3A_1536, %gather3A_1546 : vector<16xf32>
      %lt3A_1548 = arith.constant 0 : i32
      %lt3A_1549 = vector.broadcast %lt3A_1548 : i32 to vector<16xi32>
      %lt3A_1550 = arith.cmpi slt, %and3A_303, %lt3A_1549 : vector<16xi32>
      %add3A_1551 = arith.constant 16 : i32
      %add3A_1552 = vector.broadcast %add3A_1551 : i32 to vector<16xi32>
      %add3A_1553 = arith.addi %and3A_303, %add3A_1552 : vector<16xi32>
      %select_n3A_1554 = arith.select %lt3A_1550, %add3A_1553, %and3A_303 : vector<16xi1>, vector<16xi32>
      %broadcast_in_dim3A_1555 = vector.shape_cast %select_n3A_1554 : vector<16xi32> to vector<16x1xi32>
      %gather3A_1556 = vector.shape_cast %broadcast_in_dim3A_1555 : vector<16x1xi32> to vector<16xi32>
      %gather3A_1557 = tpu.dynamic_gather %add3A_1547[%gather3A_1556] in [0] : vector<16xf32>, vector<16xi32> -> vector<16xf32>
      %add3A_1558 = arith.addf %add3A_1547, %gather3A_1557 : vector<16xf32>
      %lt3A_1559 = arith.constant 0 : i32
      %lt3A_1560 = vector.broadcast %lt3A_1559 : i32 to vector<16xi32>
      %lt3A_1561 = arith.cmpi slt, %and3A_309, %lt3A_1560 : vector<16xi32>
      %add3A_1562 = arith.constant 16 : i32
      %add3A_1563 = vector.broadcast %add3A_1562 : i32 to vector<16xi32>
      %add3A_1564 = arith.addi %and3A_309, %add3A_1563 : vector<16xi32>
      %select_n3A_1565 = arith.select %lt3A_1561, %add3A_1564, %and3A_309 : vector<16xi1>, vector<16xi32>
      %broadcast_in_dim3A_1566 = vector.shape_cast %select_n3A_1565 : vector<16xi32> to vector<16x1xi32>
      %gather3A_1567 = vector.shape_cast %broadcast_in_dim3A_1566 : vector<16x1xi32> to vector<16xi32>
      %gather3A_1568 = tpu.dynamic_gather %add3A_1558[%gather3A_1567] in [0] : vector<16xf32>, vector<16xi32> -> vector<16xf32>
      %add3A_1569 = arith.addf %add3A_1558, %gather3A_1568 : vector<16xf32>
      %lt3A_1570 = arith.constant 0 : i32
      %lt3A_1571 = vector.broadcast %lt3A_1570 : i32 to vector<16xi32>
      %lt3A_1572 = arith.cmpi slt, %and3A_315, %lt3A_1571 : vector<16xi32>
      %add3A_1573 = arith.constant 16 : i32
      %add3A_1574 = vector.broadcast %add3A_1573 : i32 to vector<16xi32>
      %add3A_1575 = arith.addi %and3A_315, %add3A_1574 : vector<16xi32>
      %select_n3A_1576 = arith.select %lt3A_1572, %add3A_1575, %and3A_315 : vector<16xi1>, vector<16xi32>
      %broadcast_in_dim3A_1577 = vector.shape_cast %select_n3A_1576 : vector<16xi32> to vector<16x1xi32>
      %gather3A_1578 = vector.shape_cast %broadcast_in_dim3A_1577 : vector<16x1xi32> to vector<16xi32>
      %gather3A_1579 = tpu.dynamic_gather %add3A_1569[%gather3A_1578] in [0] : vector<16xf32>, vector<16xi32> -> vector<16xf32>
      %add3A_1580 = arith.addf %add3A_1569, %gather3A_1579 : vector<16xf32>
      %mul3A_1581 = arith.mulf %add3A_1580, %select_n3A_415 : vector<16xf32>
      %add3A_1582 = arith.addf %add3A_1495, %mul3A_1581 : vector<16xf32>
      %add3A_1583 = arith.constant 13 : i32
      %add3A_1584 = arith.addi %mul3A_447, %add3A_1583 : i32
      %get3A_1585 = arith.index_cast %add3A_1584 : i32 to index
      %get3A_1586 = arith.constant 0 : index
      %get3A_1587 = tpu.vector_load %arg11[%get3A_1585, %get3A_1586] {strides = array<i32>} : memref<512x64xf32, #tpu.memory_space<vmem>>, vector<1x16xf32>,
      %get3A_1588 = vector.shape_cast %get3A_1587 : vector<1x16xf32> to vector<16xf32>
      %get3A_1589 = arith.index_cast %add3A_1584 : i32 to index
      %get3A_1590 = arith.constant 0 : index
      %get3A_1591 = tpu.vector_load %arg12[%get3A_1589, %get3A_1590] {strides = array<i32>} : memref<512x64xf32, #tpu.memory_space<vmem>>, vector<1x16xf32>,
      %get3A_1592 = vector.shape_cast %get3A_1591 : vector<1x16xf32> to vector<16xf32>
      %mul3A_1593 = arith.mulf %get3A_1588, %get3A_1592 : vector<16xf32>
      %get3A_1594 = arith.index_cast %add3A_1584 : i32 to index
      %get3A_1595 = arith.constant 16 : index
      %get3A_1596 = tpu.vector_load %arg11[%get3A_1594, %get3A_1595] {strides = array<i32>} : memref<512x64xf32, #tpu.memory_space<vmem>>, vector<1x16xf32>,
      %get3A_1597 = vector.shape_cast %get3A_1596 : vector<1x16xf32> to vector<16xf32>
      %get3A_1598 = arith.index_cast %add3A_1584 : i32 to index
      %get3A_1599 = arith.constant 16 : index
      %get3A_1600 = tpu.vector_load %arg12[%get3A_1598, %get3A_1599] {strides = array<i32>} : memref<512x64xf32, #tpu.memory_space<vmem>>, vector<1x16xf32>,
      %get3A_1601 = vector.shape_cast %get3A_1600 : vector<1x16xf32> to vector<16xf32>
      %mul3A_1602 = arith.mulf %get3A_1597, %get3A_1601 : vector<16xf32>
      %add3A_1603 = arith.addf %mul3A_1593, %mul3A_1602 : vector<16xf32>
      %get3A_1604 = arith.index_cast %add3A_1584 : i32 to index
      %get3A_1605 = arith.constant 32 : index
      %get3A_1606 = tpu.vector_load %arg11[%get3A_1604, %get3A_1605] {strides = array<i32>} : memref<512x64xf32, #tpu.memory_space<vmem>>, vector<1x16xf32>,
      %get3A_1607 = vector.shape_cast %get3A_1606 : vector<1x16xf32> to vector<16xf32>
      %get3A_1608 = arith.index_cast %add3A_1584 : i32 to index
      %get3A_1609 = arith.constant 32 : index
      %get3A_1610 = tpu.vector_load %arg12[%get3A_1608, %get3A_1609] {strides = array<i32>} : memref<512x64xf32, #tpu.memory_space<vmem>>, vector<1x16xf32>,
      %get3A_1611 = vector.shape_cast %get3A_1610 : vector<1x16xf32> to vector<16xf32>
      %mul3A_1612 = arith.mulf %get3A_1607, %get3A_1611 : vector<16xf32>
      %add3A_1613 = arith.addf %add3A_1603, %mul3A_1612 : vector<16xf32>
      %get3A_1614 = arith.index_cast %add3A_1584 : i32 to index
      %get3A_1615 = arith.constant 48 : index
      %get3A_1616 = tpu.vector_load %arg11[%get3A_1614, %get3A_1615] {strides = array<i32>} : memref<512x64xf32, #tpu.memory_space<vmem>>, vector<1x16xf32>,
      %get3A_1617 = vector.shape_cast %get3A_1616 : vector<1x16xf32> to vector<16xf32>
      %get3A_1618 = arith.index_cast %add3A_1584 : i32 to index
      %get3A_1619 = arith.constant 48 : index
      %get3A_1620 = tpu.vector_load %arg12[%get3A_1618, %get3A_1619] {strides = array<i32>} : memref<512x64xf32, #tpu.memory_space<vmem>>, vector<1x16xf32>,
      %get3A_1621 = vector.shape_cast %get3A_1620 : vector<1x16xf32> to vector<16xf32>
      %mul3A_1622 = arith.mulf %get3A_1617, %get3A_1621 : vector<16xf32>
      %add3A_1623 = arith.addf %add3A_1613, %mul3A_1622 : vector<16xf32>
      %lt3A_1624 = arith.constant 0 : i32
      %lt3A_1625 = vector.broadcast %lt3A_1624 : i32 to vector<16xi32>
      %lt3A_1626 = arith.cmpi slt, %and3A_297, %lt3A_1625 : vector<16xi32>
      %add3A_1627 = arith.constant 16 : i32
      %add3A_1628 = vector.broadcast %add3A_1627 : i32 to vector<16xi32>
      %add3A_1629 = arith.addi %and3A_297, %add3A_1628 : vector<16xi32>
      %select_n3A_1630 = arith.select %lt3A_1626, %add3A_1629, %and3A_297 : vector<16xi1>, vector<16xi32>
      %broadcast_in_dim3A_1631 = vector.shape_cast %select_n3A_1630 : vector<16xi32> to vector<16x1xi32>
      %gather3A_1632 = vector.shape_cast %broadcast_in_dim3A_1631 : vector<16x1xi32> to vector<16xi32>
      %gather3A_1633 = tpu.dynamic_gather %add3A_1623[%gather3A_1632] in [0] : vector<16xf32>, vector<16xi32> -> vector<16xf32>
      %add3A_1634 = arith.addf %add3A_1623, %gather3A_1633 : vector<16xf32>
      %lt3A_1635 = arith.constant 0 : i32
      %lt3A_1636 = vector.broadcast %lt3A_1635 : i32 to vector<16xi32>
      %lt3A_1637 = arith.cmpi slt, %and3A_303, %lt3A_1636 : vector<16xi32>
      %add3A_1638 = arith.constant 16 : i32
      %add3A_1639 = vector.broadcast %add3A_1638 : i32 to vector<16xi32>
      %add3A_1640 = arith.addi %and3A_303, %add3A_1639 : vector<16xi32>
      %select_n3A_1641 = arith.select %lt3A_1637, %add3A_1640, %and3A_303 : vector<16xi1>, vector<16xi32>
      %broadcast_in_dim3A_1642 = vector.shape_cast %select_n3A_1641 : vector<16xi32> to vector<16x1xi32>
      %gather3A_1643 = vector.shape_cast %broadcast_in_dim3A_1642 : vector<16x1xi32> to vector<16xi32>
      %gather3A_1644 = tpu.dynamic_gather %add3A_1634[%gather3A_1643] in [0] : vector<16xf32>, vector<16xi32> -> vector<16xf32>
      %add3A_1645 = arith.addf %add3A_1634, %gather3A_1644 : vector<16xf32>
      %lt3A_1646 = arith.constant 0 : i32
      %lt3A_1647 = vector.broadcast %lt3A_1646 : i32 to vector<16xi32>
      %lt3A_1648 = arith.cmpi slt, %and3A_309, %lt3A_1647 : vector<16xi32>
      %add3A_1649 = arith.constant 16 : i32
      %add3A_1650 = vector.broadcast %add3A_1649 : i32 to vector<16xi32>
      %add3A_1651 = arith.addi %and3A_309, %add3A_1650 : vector<16xi32>
      %select_n3A_1652 = arith.select %lt3A_1648, %add3A_1651, %and3A_309 : vector<16xi1>, vector<16xi32>
      %broadcast_in_dim3A_1653 = vector.shape_cast %select_n3A_1652 : vector<16xi32> to vector<16x1xi32>
      %gather3A_1654 = vector.shape_cast %broadcast_in_dim3A_1653 : vector<16x1xi32> to vector<16xi32>
      %gather3A_1655 = tpu.dynamic_gather %add3A_1645[%gather3A_1654] in [0] : vector<16xf32>, vector<16xi32> -> vector<16xf32>
      %add3A_1656 = arith.addf %add3A_1645, %gather3A_1655 : vector<16xf32>
      %lt3A_1657 = arith.constant 0 : i32
      %lt3A_1658 = vector.broadcast %lt3A_1657 : i32 to vector<16xi32>
      %lt3A_1659 = arith.cmpi slt, %and3A_315, %lt3A_1658 : vector<16xi32>
      %add3A_1660 = arith.constant 16 : i32
      %add3A_1661 = vector.broadcast %add3A_1660 : i32 to vector<16xi32>
      %add3A_1662 = arith.addi %and3A_315, %add3A_1661 : vector<16xi32>
      %select_n3A_1663 = arith.select %lt3A_1659, %add3A_1662, %and3A_315 : vector<16xi1>, vector<16xi32>
      %broadcast_in_dim3A_1664 = vector.shape_cast %select_n3A_1663 : vector<16xi32> to vector<16x1xi32>
      %gather3A_1665 = vector.shape_cast %broadcast_in_dim3A_1664 : vector<16x1xi32> to vector<16xi32>
      %gather3A_1666 = tpu.dynamic_gather %add3A_1656[%gather3A_1665] in [0] : vector<16xf32>, vector<16xi32> -> vector<16xf32>
      %add3A_1667 = arith.addf %add3A_1656, %gather3A_1666 : vector<16xf32>
      %mul3A_1668 = arith.mulf %add3A_1667, %select_n3A_423 : vector<16xf32>
      %add3A_1669 = arith.addf %add3A_1582, %mul3A_1668 : vector<16xf32>
      %add3A_1670 = arith.constant 14 : i32
      %add3A_1671 = arith.addi %mul3A_447, %add3A_1670 : i32
      %get3A_1672 = arith.index_cast %add3A_1671 : i32 to index
      %get3A_1673 = arith.constant 0 : index
      %get3A_1674 = tpu.vector_load %arg11[%get3A_1672, %get3A_1673] {strides = array<i32>} : memref<512x64xf32, #tpu.memory_space<vmem>>, vector<1x16xf32>,
      %get3A_1675 = vector.shape_cast %get3A_1674 : vector<1x16xf32> to vector<16xf32>
      %get3A_1676 = arith.index_cast %add3A_1671 : i32 to index
      %get3A_1677 = arith.constant 0 : index
      %get3A_1678 = tpu.vector_load %arg12[%get3A_1676, %get3A_1677] {strides = array<i32>} : memref<512x64xf32, #tpu.memory_space<vmem>>, vector<1x16xf32>,
      %get3A_1679 = vector.shape_cast %get3A_1678 : vector<1x16xf32> to vector<16xf32>
      %mul3A_1680 = arith.mulf %get3A_1675, %get3A_1679 : vector<16xf32>
      %get3A_1681 = arith.index_cast %add3A_1671 : i32 to index
      %get3A_1682 = arith.constant 16 : index
      %get3A_1683 = tpu.vector_load %arg11[%get3A_1681, %get3A_1682] {strides = array<i32>} : memref<512x64xf32, #tpu.memory_space<vmem>>, vector<1x16xf32>,
      %get3A_1684 = vector.shape_cast %get3A_1683 : vector<1x16xf32> to vector<16xf32>
      %get3A_1685 = arith.index_cast %add3A_1671 : i32 to index
      %get3A_1686 = arith.constant 16 : index
      %get3A_1687 = tpu.vector_load %arg12[%get3A_1685, %get3A_1686] {strides = array<i32>} : memref<512x64xf32, #tpu.memory_space<vmem>>, vector<1x16xf32>,
      %get3A_1688 = vector.shape_cast %get3A_1687 : vector<1x16xf32> to vector<16xf32>
      %mul3A_1689 = arith.mulf %get3A_1684, %get3A_1688 : vector<16xf32>
      %add3A_1690 = arith.addf %mul3A_1680, %mul3A_1689 : vector<16xf32>
      %get3A_1691 = arith.index_cast %add3A_1671 : i32 to index
      %get3A_1692 = arith.constant 32 : index
      %get3A_1693 = tpu.vector_load %arg11[%get3A_1691, %get3A_1692] {strides = array<i32>} : memref<512x64xf32, #tpu.memory_space<vmem>>, vector<1x16xf32>,
      %get3A_1694 = vector.shape_cast %get3A_1693 : vector<1x16xf32> to vector<16xf32>
      %get3A_1695 = arith.index_cast %add3A_1671 : i32 to index
      %get3A_1696 = arith.constant 32 : index
      %get3A_1697 = tpu.vector_load %arg12[%get3A_1695, %get3A_1696] {strides = array<i32>} : memref<512x64xf32, #tpu.memory_space<vmem>>, vector<1x16xf32>,
      %get3A_1698 = vector.shape_cast %get3A_1697 : vector<1x16xf32> to vector<16xf32>
      %mul3A_1699 = arith.mulf %get3A_1694, %get3A_1698 : vector<16xf32>
      %add3A_1700 = arith.addf %add3A_1690, %mul3A_1699 : vector<16xf32>
      %get3A_1701 = arith.index_cast %add3A_1671 : i32 to index
      %get3A_1702 = arith.constant 48 : index
      %get3A_1703 = tpu.vector_load %arg11[%get3A_1701, %get3A_1702] {strides = array<i32>} : memref<512x64xf32, #tpu.memory_space<vmem>>, vector<1x16xf32>,
      %get3A_1704 = vector.shape_cast %get3A_1703 : vector<1x16xf32> to vector<16xf32>
      %get3A_1705 = arith.index_cast %add3A_1671 : i32 to index
      %get3A_1706 = arith.constant 48 : index
      %get3A_1707 = tpu.vector_load %arg12[%get3A_1705, %get3A_1706] {strides = array<i32>} : memref<512x64xf32, #tpu.memory_space<vmem>>, vector<1x16xf32>,
      %get3A_1708 = vector.shape_cast %get3A_1707 : vector<1x16xf32> to vector<16xf32>
      %mul3A_1709 = arith.mulf %get3A_1704, %get3A_1708 : vector<16xf32>
      %add3A_1710 = arith.addf %add3A_1700, %mul3A_1709 : vector<16xf32>
      %lt3A_1711 = arith.constant 0 : i32
      %lt3A_1712 = vector.broadcast %lt3A_1711 : i32 to vector<16xi32>
      %lt3A_1713 = arith.cmpi slt, %and3A_297, %lt3A_1712 : vector<16xi32>
      %add3A_1714 = arith.constant 16 : i32
      %add3A_1715 = vector.broadcast %add3A_1714 : i32 to vector<16xi32>
      %add3A_1716 = arith.addi %and3A_297, %add3A_1715 : vector<16xi32>
      %select_n3A_1717 = arith.select %lt3A_1713, %add3A_1716, %and3A_297 : vector<16xi1>, vector<16xi32>
      %broadcast_in_dim3A_1718 = vector.shape_cast %select_n3A_1717 : vector<16xi32> to vector<16x1xi32>
      %gather3A_1719 = vector.shape_cast %broadcast_in_dim3A_1718 : vector<16x1xi32> to vector<16xi32>
      %gather3A_1720 = tpu.dynamic_gather %add3A_1710[%gather3A_1719] in [0] : vector<16xf32>, vector<16xi32> -> vector<16xf32>
      %add3A_1721 = arith.addf %add3A_1710, %gather3A_1720 : vector<16xf32>
      %lt3A_1722 = arith.constant 0 : i32
      %lt3A_1723 = vector.broadcast %lt3A_1722 : i32 to vector<16xi32>
      %lt3A_1724 = arith.cmpi slt, %and3A_303, %lt3A_1723 : vector<16xi32>
      %add3A_1725 = arith.constant 16 : i32
      %add3A_1726 = vector.broadcast %add3A_1725 : i32 to vector<16xi32>
      %add3A_1727 = arith.addi %and3A_303, %add3A_1726 : vector<16xi32>
      %select_n3A_1728 = arith.select %lt3A_1724, %add3A_1727, %and3A_303 : vector<16xi1>, vector<16xi32>
      %broadcast_in_dim3A_1729 = vector.shape_cast %select_n3A_1728 : vector<16xi32> to vector<16x1xi32>
      %gather3A_1730 = vector.shape_cast %broadcast_in_dim3A_1729 : vector<16x1xi32> to vector<16xi32>
      %gather3A_1731 = tpu.dynamic_gather %add3A_1721[%gather3A_1730] in [0] : vector<16xf32>, vector<16xi32> -> vector<16xf32>
      %add3A_1732 = arith.addf %add3A_1721, %gather3A_1731 : vector<16xf32>
      %lt3A_1733 = arith.constant 0 : i32
      %lt3A_1734 = vector.broadcast %lt3A_1733 : i32 to vector<16xi32>
      %lt3A_1735 = arith.cmpi slt, %and3A_309, %lt3A_1734 : vector<16xi32>
      %add3A_1736 = arith.constant 16 : i32
      %add3A_1737 = vector.broadcast %add3A_1736 : i32 to vector<16xi32>
      %add3A_1738 = arith.addi %and3A_309, %add3A_1737 : vector<16xi32>
      %select_n3A_1739 = arith.select %lt3A_1735, %add3A_1738, %and3A_309 : vector<16xi1>, vector<16xi32>
      %broadcast_in_dim3A_1740 = vector.shape_cast %select_n3A_1739 : vector<16xi32> to vector<16x1xi32>
      %gather3A_1741 = vector.shape_cast %broadcast_in_dim3A_1740 : vector<16x1xi32> to vector<16xi32>
      %gather3A_1742 = tpu.dynamic_gather %add3A_1732[%gather3A_1741] in [0] : vector<16xf32>, vector<16xi32> -> vector<16xf32>
      %add3A_1743 = arith.addf %add3A_1732, %gather3A_1742 : vector<16xf32>
      %lt3A_1744 = arith.constant 0 : i32
      %lt3A_1745 = vector.broadcast %lt3A_1744 : i32 to vector<16xi32>
      %lt3A_1746 = arith.cmpi slt, %and3A_315, %lt3A_1745 : vector<16xi32>
      %add3A_1747 = arith.constant 16 : i32
      %add3A_1748 = vector.broadcast %add3A_1747 : i32 to vector<16xi32>
      %add3A_1749 = arith.addi %and3A_315, %add3A_1748 : vector<16xi32>
      %select_n3A_1750 = arith.select %lt3A_1746, %add3A_1749, %and3A_315 : vector<16xi1>, vector<16xi32>
      %broadcast_in_dim3A_1751 = vector.shape_cast %select_n3A_1750 : vector<16xi32> to vector<16x1xi32>
      %gather3A_1752 = vector.shape_cast %broadcast_in_dim3A_1751 : vector<16x1xi32> to vector<16xi32>
      %gather3A_1753 = tpu.dynamic_gather %add3A_1743[%gather3A_1752] in [0] : vector<16xf32>, vector<16xi32> -> vector<16xf32>
      %add3A_1754 = arith.addf %add3A_1743, %gather3A_1753 : vector<16xf32>
      %mul3A_1755 = arith.mulf %add3A_1754, %select_n3A_431 : vector<16xf32>
      %add3A_1756 = arith.addf %add3A_1669, %mul3A_1755 : vector<16xf32>
      %add3A_1757 = arith.constant 15 : i32
      %add3A_1758 = arith.addi %mul3A_447, %add3A_1757 : i32
      %get3A_1759 = arith.index_cast %add3A_1758 : i32 to index
      %get3A_1760 = arith.constant 0 : index
      %get3A_1761 = tpu.vector_load %arg11[%get3A_1759, %get3A_1760] {strides = array<i32>} : memref<512x64xf32, #tpu.memory_space<vmem>>, vector<1x16xf32>,
      %get3A_1762 = vector.shape_cast %get3A_1761 : vector<1x16xf32> to vector<16xf32>
      %get3A_1763 = arith.index_cast %add3A_1758 : i32 to index
      %get3A_1764 = arith.constant 0 : index
      %get3A_1765 = tpu.vector_load %arg12[%get3A_1763, %get3A_1764] {strides = array<i32>} : memref<512x64xf32, #tpu.memory_space<vmem>>, vector<1x16xf32>,
      %get3A_1766 = vector.shape_cast %get3A_1765 : vector<1x16xf32> to vector<16xf32>
      %mul3A_1767 = arith.mulf %get3A_1762, %get3A_1766 : vector<16xf32>
      %get3A_1768 = arith.index_cast %add3A_1758 : i32 to index
      %get3A_1769 = arith.constant 16 : index
      %get3A_1770 = tpu.vector_load %arg11[%get3A_1768, %get3A_1769] {strides = array<i32>} : memref<512x64xf32, #tpu.memory_space<vmem>>, vector<1x16xf32>,
      %get3A_1771 = vector.shape_cast %get3A_1770 : vector<1x16xf32> to vector<16xf32>
      %get3A_1772 = arith.index_cast %add3A_1758 : i32 to index
      %get3A_1773 = arith.constant 16 : index
      %get3A_1774 = tpu.vector_load %arg12[%get3A_1772, %get3A_1773] {strides = array<i32>} : memref<512x64xf32, #tpu.memory_space<vmem>>, vector<1x16xf32>,
      %get3A_1775 = vector.shape_cast %get3A_1774 : vector<1x16xf32> to vector<16xf32>
      %mul3A_1776 = arith.mulf %get3A_1771, %get3A_1775 : vector<16xf32>
      %add3A_1777 = arith.addf %mul3A_1767, %mul3A_1776 : vector<16xf32>
      %get3A_1778 = arith.index_cast %add3A_1758 : i32 to index
      %get3A_1779 = arith.constant 32 : index
      %get3A_1780 = tpu.vector_load %arg11[%get3A_1778, %get3A_1779] {strides = array<i32>} : memref<512x64xf32, #tpu.memory_space<vmem>>, vector<1x16xf32>,
      %get3A_1781 = vector.shape_cast %get3A_1780 : vector<1x16xf32> to vector<16xf32>
      %get3A_1782 = arith.index_cast %add3A_1758 : i32 to index
      %get3A_1783 = arith.constant 32 : index
      %get3A_1784 = tpu.vector_load %arg12[%get3A_1782, %get3A_1783] {strides = array<i32>} : memref<512x64xf32, #tpu.memory_space<vmem>>, vector<1x16xf32>,
      %get3A_1785 = vector.shape_cast %get3A_1784 : vector<1x16xf32> to vector<16xf32>
      %mul3A_1786 = arith.mulf %get3A_1781, %get3A_1785 : vector<16xf32>
      %add3A_1787 = arith.addf %add3A_1777, %mul3A_1786 : vector<16xf32>
      %get3A_1788 = arith.index_cast %add3A_1758 : i32 to index
      %get3A_1789 = arith.constant 48 : index
      %get3A_1790 = tpu.vector_load %arg11[%get3A_1788, %get3A_1789] {strides = array<i32>} : memref<512x64xf32, #tpu.memory_space<vmem>>, vector<1x16xf32>,
      %get3A_1791 = vector.shape_cast %get3A_1790 : vector<1x16xf32> to vector<16xf32>
      %get3A_1792 = arith.index_cast %add3A_1758 : i32 to index
      %get3A_1793 = arith.constant 48 : index
      %get3A_1794 = tpu.vector_load %arg12[%get3A_1792, %get3A_1793] {strides = array<i32>} : memref<512x64xf32, #tpu.memory_space<vmem>>, vector<1x16xf32>,
      %get3A_1795 = vector.shape_cast %get3A_1794 : vector<1x16xf32> to vector<16xf32>
      %mul3A_1796 = arith.mulf %get3A_1791, %get3A_1795 : vector<16xf32>
      %add3A_1797 = arith.addf %add3A_1787, %mul3A_1796 : vector<16xf32>
      %lt3A_1798 = arith.constant 0 : i32
      %lt3A_1799 = vector.broadcast %lt3A_1798 : i32 to vector<16xi32>
      %lt3A_1800 = arith.cmpi slt, %and3A_297, %lt3A_1799 : vector<16xi32>
      %add3A_1801 = arith.constant 16 : i32
      %add3A_1802 = vector.broadcast %add3A_1801 : i32 to vector<16xi32>
      %add3A_1803 = arith.addi %and3A_297, %add3A_1802 : vector<16xi32>
      %select_n3A_1804 = arith.select %lt3A_1800, %add3A_1803, %and3A_297 : vector<16xi1>, vector<16xi32>
      %broadcast_in_dim3A_1805 = vector.shape_cast %select_n3A_1804 : vector<16xi32> to vector<16x1xi32>
      %gather3A_1806 = vector.shape_cast %broadcast_in_dim3A_1805 : vector<16x1xi32> to vector<16xi32>
      %gather3A_1807 = tpu.dynamic_gather %add3A_1797[%gather3A_1806] in [0] : vector<16xf32>, vector<16xi32> -> vector<16xf32>
      %add3A_1808 = arith.addf %add3A_1797, %gather3A_1807 : vector<16xf32>
      %lt3A_1809 = arith.constant 0 : i32
      %lt3A_1810 = vector.broadcast %lt3A_1809 : i32 to vector<16xi32>
      %lt3A_1811 = arith.cmpi slt, %and3A_303, %lt3A_1810 : vector<16xi32>
      %add3A_1812 = arith.constant 16 : i32
      %add3A_1813 = vector.broadcast %add3A_1812 : i32 to vector<16xi32>
      %add3A_1814 = arith.addi %and3A_303, %add3A_1813 : vector<16xi32>
      %select_n3A_1815 = arith.select %lt3A_1811, %add3A_1814, %and3A_303 : vector<16xi1>, vector<16xi32>
      %broadcast_in_dim3A_1816 = vector.shape_cast %select_n3A_1815 : vector<16xi32> to vector<16x1xi32>
      %gather3A_1817 = vector.shape_cast %broadcast_in_dim3A_1816 : vector<16x1xi32> to vector<16xi32>
      %gather3A_1818 = tpu.dynamic_gather %add3A_1808[%gather3A_1817] in [0] : vector<16xf32>, vector<16xi32> -> vector<16xf32>
      %add3A_1819 = arith.addf %add3A_1808, %gather3A_1818 : vector<16xf32>
      %lt3A_1820 = arith.constant 0 : i32
      %lt3A_1821 = vector.broadcast %lt3A_1820 : i32 to vector<16xi32>
      %lt3A_1822 = arith.cmpi slt, %and3A_309, %lt3A_1821 : vector<16xi32>
      %add3A_1823 = arith.constant 16 : i32
      %add3A_1824 = vector.broadcast %add3A_1823 : i32 to vector<16xi32>
      %add3A_1825 = arith.addi %and3A_309, %add3A_1824 : vector<16xi32>
      %select_n3A_1826 = arith.select %lt3A_1822, %add3A_1825, %and3A_309 : vector<16xi1>, vector<16xi32>
      %broadcast_in_dim3A_1827 = vector.shape_cast %select_n3A_1826 : vector<16xi32> to vector<16x1xi32>
      %gather3A_1828 = vector.shape_cast %broadcast_in_dim3A_1827 : vector<16x1xi32> to vector<16xi32>
      %gather3A_1829 = tpu.dynamic_gather %add3A_1819[%gather3A_1828] in [0] : vector<16xf32>, vector<16xi32> -> vector<16xf32>
      %add3A_1830 = arith.addf %add3A_1819, %gather3A_1829 : vector<16xf32>
      %lt3A_1831 = arith.constant 0 : i32
      %lt3A_1832 = vector.broadcast %lt3A_1831 : i32 to vector<16xi32>
      %lt3A_1833 = arith.cmpi slt, %and3A_315, %lt3A_1832 : vector<16xi32>
      %add3A_1834 = arith.constant 16 : i32
      %add3A_1835 = vector.broadcast %add3A_1834 : i32 to vector<16xi32>
      %add3A_1836 = arith.addi %and3A_315, %add3A_1835 : vector<16xi32>
      %select_n3A_1837 = arith.select %lt3A_1833, %add3A_1836, %and3A_315 : vector<16xi1>, vector<16xi32>
      %broadcast_in_dim3A_1838 = vector.shape_cast %select_n3A_1837 : vector<16xi32> to vector<16x1xi32>
      %gather3A_1839 = vector.shape_cast %broadcast_in_dim3A_1838 : vector<16x1xi32> to vector<16xi32>
      %gather3A_1840 = tpu.dynamic_gather %add3A_1830[%gather3A_1839] in [0] : vector<16xf32>, vector<16xi32> -> vector<16xf32>
      %add3A_1841 = arith.addf %add3A_1830, %gather3A_1840 : vector<16xf32>
      %mul3A_1842 = arith.mulf %add3A_1841, %select_n3A_439 : vector<16xf32>
      %add3A_1843 = arith.addf %add3A_1756, %mul3A_1842 : vector<16xf32>
      %swap3A = arith.index_cast %mul3A_447 : i32 to index
      %swap3A_1844 = tpu.vector_load %arg15[%swap3A] {strides = array<i32>} : memref<512xf32, #tpu.memory_space<vmem>>, vector<16xf32>,
      %swap3A_1845 = vector.shape_cast %swap3A_1844 : vector<16xf32> to vector<16xf32>
      %swap3A_1846 = vector.shape_cast %add3A_1843 : vector<16xf32> to vector<16xf32>
      tpu.vector_store %arg15[%swap3A], %swap3A_1846 {strides = array<i32>} : memref<512xf32, #tpu.memory_space<vmem>>, vector<16xf32>,
    }
    %scan3A_444 = arith.constant 32 : i32
    "tpu.region"() ({
      %run_scoped3A = tpu.sem_alloc : memref<!tpu.dma_semaphore, #tpu.memory_space<semaphore_mem>>
      %dma_start3A_445 = tpu.memref_slice %arg8[%mul3A_2] : memref<16384xf32, #tpu.memory_space<hbm>> -> memref<512xf32, #tpu.memory_space<hbm>>
      %dma_start3A_446 = tpu.memref_slice %arg8[%mul3A_2] : memref<16384xf32, #tpu.memory_space<hbm>> -> memref<512xf32, #tpu.memory_space<hbm>>
      tpu.enqueue_dma source(%arg15 : memref<512xf32, #tpu.memory_space<vmem>>) target(%dma_start3A_446 : memref<512xf32, #tpu.memory_space<hbm>>) target_semaphore(%run_scoped3A : memref<!tpu.dma_semaphore, #tpu.memory_space<semaphore_mem>>)
      %dma_wait3A_447 = tpu.memref_slice %arg8[%mul3A_2] : memref<16384xf32, #tpu.memory_space<hbm>> -> memref<512xf32, #tpu.memory_space<hbm>>
      %dma_wait3A_448 = tpu.memref_slice %arg8[%mul3A_2] : memref<16384xf32, #tpu.memory_space<hbm>> -> memref<512xf32, #tpu.memory_space<hbm>>
      tpu.wait_dma2 semaphore(%run_scoped3A : memref<!tpu.dma_semaphore, #tpu.memory_space<semaphore_mem>>) src(%arg15 : memref<512xf32, #tpu.memory_space<vmem>>) dst(%dma_wait3A_448 : memref<512xf32, #tpu.memory_space<hbm>>)
      tpu.yield
    }) : () -> ()
    return
  }
}

</mosaic_0001>

<sc_bundles>
// kernel: kernel.3.cloned.1.call-start
scs
__scs_entry_jumppad:
0x0: {  	(pc) =	sbr.rel $0x88, $3  }
0x1: {  	(tag) =	ssettag $0x0;
	lr =	simm.s32 $0x1  }
0x2: {  	[smem:$0x3F9B] =	sst lr;
	_ =	strace $0xD0000000  }
0x3: {  	_ = 	snop  }
0x4: {  	_ = 	snop  }
0x5: {  	_ = 	snop  }
0x6: {  	_ = 	snop  }
0x7: {  	_ = 	snop  }
__scs_overlays_trampoline_lowered:
0x8: {  	[smem:$0x3FAA] =	sst s0  }
0x9: {  	[smem:$0x3FAB] =	sst s1  }
0xa: {  	[smem:$0x3FAC] =	sst s2  }
0xb: {  	[smem:$0x3FAD] =	sst s3  }
0xc: {  	[smem:$0x3FAE] =	sst s4  }
0xd: {  	[smem:$0x3FAF] =	sst s5  }
0xe: {  	[smem:$0x3FB0] =	sst s6  }
0xf: {  	[smem:$0x3FB1] =	sst s7  }
0x10: {  	[smem:$0x3FB2] =	sst s8  }
0x11: {  	[smem:$0x3FB3] =	sst s9;
	s0 =	simm.s32 @!p0 $0x0  }
0x12: {  	s1 =	sld [smem:$0x3F99];
	s0 =	simm.s32 @p0 $0x1  }
0x13: {  	[smem:$0x3FB4] =	sst s0;
	s0 =	simm.s32 @!p1 $0x0  }
0x14: {  	s2 =	sld [smem:$0x3F98];
	s0 =	simm.s32 @p1 $0x1  }
0x15: {  	[smem:$0x3FB5] =	sst s0;
	s0 =	simm.s32 @!p2 $0x0  }
0x16: {  	s3 =	sld [smem:$0x3FDB];
	s0 =	simm.s32 @p2 $0x1  }
0x17: {  	s4 =	simm.s32 $0x1BF5;
	[smem:$0x3FB7] =	sst s0  }
0x18: {  	s0 =	sld [smem:$0x3F9A];
	_ =	swait.ge [sflag:s4], $0x0  }
0x19: {  	s7 =	sld [smem:$0x3F9B]  }
0x1a: {  	s8 =	sadd.s32 $0xFFFFE003, lr  }
0x1b: {  	s9 =	sadd.s32 $0xFFFFFEF7, lr;
	s5 =	simm.s32 $0xFFFFFFFF;
	p2 =	slt.u32 s8, $0xFFFFF086  }
0x1c: {  	p1 =	slt.u32 s9, $0xF7A;
	s5 =	simm.s32 @!p2 $0x0  }
0x1d: {  	s5 =	simm.s32 @p1 $0x1;
	p0 =	seq.s32 s7, s2  }
0x1e: {  	s7 =	smul.u32 @!p0 $0xF7A, s2;
	p2 =	seq.s32 @!p0 s5, $0x0  }
0x1f: {  	s9 =	smul.u32 $0xF7A, s1;
	s8 =	simm.s32 @!p0 $0x1BF5;
	p2 =	por !p2, p0  }
0x20: {  	[sflag:s8] =	ssyncset.s32 @!p0 $0xFFFFF086;
	s6 =	sadd.s32 @!p0 s3, s7;
	s7 =	simm.s32 @!p0 $0x108  }
0x21: {  	s3 =	sadd.s32 s3, s9;
	s6 =	sadd.s32 @!p0 $0x88, s6;
	s7 =	simm.s32 @p2 $0x1082  }
0x22: {  	[simem:s7], [sflag:s8] =	dma.local @!p0 [hbm:s6], $0xF7A  }
0x23: {  	s9 =	sor.u32 $0xD0000000, s2;
	s6 =	simm.s32 $0x108;
	_ =	swait.ge @!p0 [sflag:s8], $0x0  }
0x24: {  	s3 =	sadd.s32 $0x88, s3;
	s6 =	simm.s32 @!p1 $0x1082;
	[sflag:s4] =	ssyncset.s32 $0xFFFFF086  }
0x25: {  	[simem:s6], [sflag:s4] =	dma.local [hbm:s3], $0xF7A  }
0x26: {  	[smem:$0x3F9B] =	sst s1;
	(tag) =	ssettag s2;
	_ =	strace s9  }
0x27: {  	s1 =	sld [smem:$0x3FAB]  }
0x28: {  	s2 =	sld [smem:$0x3FAC]  }
0x29: {  	s4 =	sld [smem:$0x3FAE]  }
0x2a: {  	p0 =	seq.s32 s5, $0x0;
	s5 =	sld [smem:$0x3FAF]  }
0x2b: {  	s6 =	sld [smem:$0x3FB0]  }
0x2c: {  	s7 =	sld [smem:$0x3FB1]  }
0x2d: {  	s3 =	simm.s32 $0x108;
	s8 =	sld [smem:$0x3FB2]  }
0x2e: {  	s3 =	simm.s32 @!p0 $0x1082;
	s9 =	sld [smem:$0x3FB3]  }
0x2f: {  	lr =	sadd.s32 s0, s3;
	s0 =	sld [smem:$0x3FAA]  }
0x30: {  	s3 =	sld [smem:$0x3FAD]  }
0x31: {  	[smem:$0x3FB6] =	sst s10  }
0x32: {  	s10 =	sld [smem:$0x3FB4];
	_ =	sdelay $0x3  }
0x33: {  	p0 =	seq.s32 s10, $0x1;
	s10 =	sld [smem:$0x3FB6];
	_ =	sdelay $0x3  }
0x34: {  	[smem:$0x3FB6] =	sst s10  }
0x35: {  	s10 =	sld [smem:$0x3FB5];
	_ =	sdelay $0x3  }
0x36: {  	p1 =	seq.s32 s10, $0x1;
	s10 =	sld [smem:$0x3FB6];
	_ =	sdelay $0x3  }
0x37: {  	[smem:$0x3FB6] =	sst s10  }
0x38: {  	s10 =	sld [smem:$0x3FB7]  }
0x39: {  	_ = 	snop;
	(pc) =	sbr.ind lr, $3  }
0x3a: {  	_ = 	snop  }
0x3b: {  	_ = 	snop  }
0x3c: {  	p2 =	seq.s32 s10, $0x1;
	s10 =	sld [smem:$0x3FB6]  }
0x3d: {  	_ =	shalt  }
0x3e: {  	_ =	shalt  }
0x3f: {  	_ =	shalt  }
0x40: {  	_ =	shalt  }
0x41: {  	_ =	shalt  }
0x42: {  	_ =	shalt  }
0x43: {  	_ =	shalt  }
0x44: {  	_ =	shalt  }
0x45: {  	_ =	shalt  }
0x46: {  	_ =	shalt  }
0x47: {  	_ =	shalt  }
0x48: {  	_ =	shalt  }
0x49: {  	_ =	shalt  }
0x4a: {  	_ =	shalt  }
0x4b: {  	_ =	shalt  }
0x4c: {  	_ =	shalt  }
0x4d: {  	_ =	shalt  }
0x4e: {  	_ =	shalt  }
0x4f: {  	_ =	shalt  }
0x50: {  	_ =	shalt  }
0x51: {  	_ =	shalt  }
0x52: {  	_ =	shalt  }
0x53: {  	_ =	shalt  }
0x54: {  	_ =	shalt  }
0x55: {  	_ =	shalt  }
0x56: {  	_ =	shalt  }
0x57: {  	_ =	shalt  }
0x58: {  	_ =	shalt  }
0x59: {  	_ =	shalt  }
0x5a: {  	_ =	shalt  }
0x5b: {  	_ =	shalt  }
0x5c: {  	_ =	shalt  }
0x5d: {  	_ =	shalt  }
0x5e: {  	_ =	shalt  }
0x5f: {  	_ =	shalt  }
0x60: {  	_ =	shalt  }
0x61: {  	_ =	shalt  }
0x62: {  	_ =	shalt  }
0x63: {  	_ =	shalt  }
0x64: {  	_ =	shalt  }
0x65: {  	_ =	shalt  }
0x66: {  	_ =	shalt  }
0x67: {  	_ =	shalt  }
0x68: {  	_ =	shalt  }
0x69: {  	_ =	shalt  }
0x6a: {  	_ =	shalt  }
0x6b: {  	_ =	shalt  }
0x6c: {  	_ =	shalt  }
0x6d: {  	_ =	shalt  }
0x6e: {  	_ =	shalt  }
0x6f: {  	_ =	shalt  }
0x70: {  	_ =	shalt  }
0x71: {  	_ =	shalt  }
0x72: {  	_ =	shalt  }
0x73: {  	_ =	shalt  }
0x74: {  	_ =	shalt  }
0x75: {  	_ =	shalt  }
0x76: {  	_ =	shalt  }
0x77: {  	_ =	shalt  }
0x78: {  	_ =	shalt  }
0x79: {  	_ =	shalt  }
0x7a: {  	_ =	shalt  }
0x7b: {  	_ =	shalt  }
0x7c: {  	_ =	shalt  }
0x7d: {  	_ =	shalt  }
0x7e: {  	_ =	shalt  }
0x7f: {  	_ =	shalt  }
0x80: {  	_ =	shalt  }
0x81: {  	_ =	shalt  }
0x82: {  	_ =	shalt  }
0x83: {  	_ =	shalt  }
0x84: {  	_ =	shalt  }
0x85: {  	_ =	shalt  }
0x86: {  	_ =	shalt  }
0x87: {  	_ =	shalt  }
.Lfunc_end0:
.L_simem_size_0:
called_computation_lowered:
.L_overlay_start_0:
0x88: {  	s2 =	sld [smem:$0x3FD9]  }
0x89: {  	s3 =	sld [smem:$0x3FFE];
	_ =	sdelay $0x1  }
0x8a: {  	s1 =	srdreg.scid  }
0x8b: {  	s0 =	sand.u32 $0x1, s1  }
0x8c: {  	s17 =	sshll.u32 s0, $0xA;
	s2 =	sadd.s32 s3, s2  }
0x8d: {  	s2 =	sadd.s32 s2, s17  }
0x8e: {  	[smem:$0x3FC2] =	sst s2  }
0x8f: {  	_ = 	snop  }
0x90: {  	s2 =	sld [smem:$0x3FC9]  }
0x91: {  	s18 =	sld [smem:$0x3FC8]  }
0x92: {  	s4 =	sld [smem:$0x3FD0];
	(tm) =	ssettm $0x1  }
0x93: {  	s5 =	sld [smem:$0x3FFB];
	_ =	sdelay $0x3  }
0x94: {  	_ =	strace s5  }
0x95: {  	s5 =	sld [smem:$0x3FFC];
	_ =	sdelay $0x3  }
0x96: {  	_ =	strace s5  }
0x97: {  	s5 =	sld [smem:$0x3FFD];
	_ =	sdelay $0x3  }
0x98: {  	_ =	strace s5  }
0x99: {  	_ =	strace $0x8FFFFFFF  }
0x9a: {  	s19 =	sld [smem:$0x3FDB];
	_ =	sdelay $0x1  }
0x9b: {  	s6 =	simm.s32 $_scs_section_size  }
0x9c: {  	s7 =	simm.s32 $_size__tile_overlayer_lowered;
	s8 =	simm.s32 $_tile_overlayer_lowered  }
0x9d: {  	s22 =	simm.s32 $0x1BFF;
	s21 =	sshll.u32 s8, $0x1;
	s5 =	sadd.s32 s6, s19  }
0x9e: {  	s9 =	simm.s32 $0x0;
	s20 =	sshll.u32 s7, $0x1;
	s7 =	sadd.s32 s21, s5  }
0x9f: {  	[timem:s9], [sflag:s22] =	dma.local [hbm:s7], s20  }
0xa0: {  	_ =	swait.ge [sflag:s22], s20  }
0xa1: {  	s6 =	ssub.s32 $0x0, s20;
	[sflag:s22] =	ssyncset.done $0x0  }
0xa2: {  	[sflag:s22] =	ssyncadd.s32 s6;
	_ =	sdelay $0x1  }
0xa3: {  	s23 =	simm.s32 $0x1B8B  }
0xa4: {  	_ =	swait.ge [sflag:s23], $0x1  }
0xa5: {  	[sflag:s23] =	ssyncset.done $0x0  }
0xa6: {  	s25 =	simm.s32 $0x1B8E;
	s24 =	sld [smem:$0x3FFE];
	[sflag:s23] =	ssyncadd.s32 $0xFFFFFFFF  }
0xa7: {  	s26 =	simm.s32 $execute0_lowered;
	[smem:$0x3FD2] =	sst s25  }
0xa8: {  	s7 =	sshll.u32 s26, $0x1;
	_ =	strace $0x80000046;
	[dreg:$0x1] =	wrdreg $0xFFFFFFFF  }
0xa9: {  	s28 =	simm.s32 $_size_execute0_lowered;
	s5 =	sadd.s32 s5, s7;
	[dreg:$0x0] =	wrdreg $0x0  }
0xaa: {  	s7 =	sshll.u32 s28, $0x1;
	[dreg:$0x2] =	wrdreg s5  }
0xab: {  	[dreg:$0x3] =	wrdreg s7  }
0xac: {  	[dreg:$0x4] =	wrdreg $0xC0  }
0xad: {  	_ =	task [dreg:s9], $0x5FFFF  }
0xae: {  	[dreg:$0x1] =	wrdreg $0xFFFFFFFF  }
0xaf: {  	[dreg:$0x0] =	wrdreg $0x60  }
0xb0: {  	[dreg:$0x2] =	wrdreg s2  }
0xb1: {  	[dreg:$0x3] =	wrdreg s18  }
0xb2: {  	[dreg:$0x4] =	wrdreg s24  }
0xb3: {  	[dreg:$0x5] =	wrdreg s4  }
0xb4: {  	[dreg:$0x6] =	wrdreg $0x9  }
0xb5: {  	_ =	task.clear_ibuf [dreg:s9], $0x7FFFF;
	_ =	strace $0x90000046  }
0xb6: {  	s29 =	simm.s32 $0x9;
	_ =	strace $0x80000048  }
0xb7: {  	_ =	swait.ge [sflag:s29], $0x1  }
0xb8: {  	[sflag:s29] =	ssyncadd.s32 $0xFFFFFFFF  }
0xb9: {  	_ =	strace $0x90000048  }
0xba: {  	_ =	sfence  }
0xbb: {  	s30 =	sld [smem:$0x0];
	_ =	sdelay $0x2  }
0xbc: {  	s31 =	sshll.u32 s1, $0xD;
	s1 =	sshrl.u32 s1, $0x2  }
0xbd: {  	s3 =	sand.u32 $0x4000, s31;
	s1 =	sadd.s32 s1, s30  }
0xbe: {  	s0 =	sor.u32 s3, s0;
	s1 =	sshll.u32 s1, $0x11  }
0xbf: {  	s0 =	sor.u32 s1, s0  }
0xc0: {  	s0 =	sadd.s32 $0x8F2B, s0  }
0xc1: {  	[sflag:s0] =	ssyncadd.remote.s32 $0x1  }
0xc2: {  	_ =	sfence.sel $0xFFFF  }
0xc3: {  	[dreg:$0x0] =	wrdreg $0xFFFFFFFF;
	(pc) =	sbr.abs _section_cstart, $3  }
0xc4: {  	[dreg:$0x1] =	wrdreg $0xFFFFFFFF  }
0xc5: {  	_ =	task.clear_ibuf [dreg:s9], $0x2FFFF;
	_ =	strace $0x9FFFFFFF  }
0xc6: {  	(tm) =	ssettm $0x7FFFFFFF  }
0xc7: {  	_ =	shalt  }
tec
execute0_lowered:
.L_overlay_start_1:
0x0: {  	(tag) =	ssettag $0x1  }
0x1: {  	v0 =	vimm.s32 $0x76543210;
	v1 =	vimm.s32 $0xFEDCBA98;
	v2 =	vimm.s32 $0x3210FEDC  }
0x2: {  	v3 =	vimm.s32 $0xBA987654;
	vm0 =	vcmask $0x300;
	v16 =	vimm.f32 $0.0e+00  }
0x3: {  	vm13 =	vcmask $0x704;
	vm14 =	vcmask $0xB08;
	v5 =	vimm.s32 $0x98765432  }
0x4: {  	vm15 =	vcmask $0xF0C;
	vm4 =	vcmask $0x1310;
	vm5 =	vcmask $0x1714  }
0x5: {  	vm6 =	vcmask $0x1B18;
	v9 =	vimm.s32 $0xFEDCBA9;
	vm7 =	vcmask $0x1F1C  }
0x6: {  	vm8 =	vcmask $0x2320;
	v11 =	vimm.s32 $0x87654321;
	vm9 =	vcmask $0x2724  }
0x7: {  	s0 =	rddreg [dreg:$0x0];
	vm10 =	vcmask $0x2B28;
	vm11 =	vcmask $0x2F2C;
	vm12 =	vcmask $0x3330  }
0x8: {  	s3 =	rddreg [dreg:$0x1];
	v20 =	vimm.f32 $1.000000000e+00;
	v1 =	vunpack.c.l.s4.s8 v1;
	v2 =	vunpack.c.l.s4.s8 v2  }
0x9: {  	s1 =	rddreg [dreg:$0x2];
	v3 =	vunpack.c.l.s4.s8 v3;
	v0 =	vunpack.c.l.s4.s8 v0;
	v4 =	vsel vm14, $0x3F800000, v16  }
0xa: {  	s9 =	rddreg [dreg:$0x3];
	v7 =	vunpack.c.l.s4.s8 v5;
	v5 =	vsel vm15, $0x3F800000, v16;
	v8 =	vsel vm6, $0x3F800000, v16  }
0xb: {  	s2 =	simm.s32 $0x0;
	s5 =	srdreg.scid;
	s6 =	stileid.u32;
	v12 =	vunpack.c.l.s4.s8 v9;
	v9 =	vsel vm7, $0x3F800000, v16;
	v10 =	vsel vm8, $0x3F800000, v16  }
0xc: {  	s12 =	simm.s32 $0x200;
	s14 =	simm.s32 $0x80;
	s19 =	simm.s32 $0x280;
	v13 =	vunpack.c.l.s4.s8 v11;
	v11 =	vsel vm9, $0x3F800000, v16;
	vm14 =	vcmask $0x3B38  }
0xd: {  	s23 =	simm.s32 $0x100;
	s25 =	simm.s32 $0x300;
	s28 =	simm.s32 $0x10500;
	vm15 =	vcmask $0x3B00;
	v2 =	vunpack.c.0.s8.s32 v2;
	v3 =	vunpack.c.0.s8.s32 v3  }
0xe: {  	s29 =	simm.s32 $0x10700;
	s30 =	simm.s32 $0x180;
	s31 =	simm.s32 $0x6400;
	v1 =	vunpack.c.0.s8.s32 v1;
	v0 =	vunpack.c.0.s8.s32 v0;
	v15 =	vunpack.c.0.s8.s32 v7  }
0xf: {  	s13 =	simm.s32 $0x10580;
	s15 =	simm.s32 $0x10780;
	s16 =	simm.s32 $0x1;
	v7 =	vsel vm5, $0x3F800000, v16;
	v2 =	vcombine.low v3, v2;
	v3 =	vimm.s32 $0x10FEDCBA  }
0x10: {  	s17 =	simm.s32 $0x10800;
	s18 =	simm.s32 $0x0;
	[smem:$0x7FF] =	sst s2;
	v17 =	vunpack.c.0.s8.s32 v12;
	v18 =	vunpack.c.0.s8.s32 v13;
	v6 =	vunpack.c.l.s4.s8 v3  }
0x11: {  	s4 =	sadd.s32 $0x16E3600, s1;
	s5 =	sand.u32 $0x1, s5;
	s6 =	sshll.u32 s6, $0x7;
	v12 =	vsel vm10, $0x3F800000, v16;
	v13 =	vsel vm11, $0x3F800000, v16;
	v1 =	vand.u32 $0xF, v1  }
0x12: {  	_ =	strace $0x80000047;
	s7 =	ssub.s32 $0x2, s5;
	s8 =	sshll.u32 s5, $0x6;
	v18 =	vcombine.low v18, v17;
	v0 =	vcombine.low v1, v0;
	v14 =	vunpack.c.0.s8.s32 v6  }
0x13: {  	s5 =	sadd.s32 $0xF42400, s1;
	s10 =	sshrl.u32 s7, $0x1;
	s11 =	sor.u32 s8, s6;
	v3 =	vsel vm13, $0x3F800000, v16;
	vm13 =	vcmask $0x3734;
	v1 =	vand.u32 $0xF, v2  }
0x14: {  	s6 =	sadd.s32 $0x1EA00, s1;
	s10 =	ssub.s32 s7, s10;
	s7 =	sadd.s32 s0, s11;
	v2 =	vsel vm0, $0x3F800000, v16;
	v18 =	vand.u32 $0xF, v18;
	v19 =	vcombine.low v15, v14  }
0x15: {  	s8 =	sadd.s32 s3, s11;
	s9 =	sadd.s32 s9, s11;
	s11 =	simm.s32 $0x2;
	v6 =	vsel vm4, $0x3F800000, v16;
	v14 =	vsel vm12, $0x3F800000, v16;
	v15 =	vsel vm13, $0x3F800000, v16  }
0x16: {  	s0 =	simm.s32 $0x380;
	s3 =	simm.s32 $0xE400;
	s10 =	smax.u32 s10, $0x1;
	v16 =	vsel vm14, $0x3F800000, v16;
	v17 =	vand.u32 $0xF, v19;
	v19 =	vsel vm15, $0x0, v20  }
.LBB2_1:
0x17: {  	[tilespmem:s2], [sflag:$0x2] =	stream.linear.gather [hbm4b:s7+s2], $0x200, $0x38;
	[tilespmem:$0x10A00] =	vst v63  }
0x18: {  	_ =	swait.ge [sflag:s11], $0x200  }
0x19: {  	[sflag:s11] =	ssyncset.done $0x0  }
0x1a: {  	[sflag:s11] =	ssyncadd.s32 $0xFFFFFE00  }
0x1b: {  	[tilespmem:s12], [sflag:$0x2] =	stream.linear.gather [hbm4b:s8+s2], $0x200, $0x38;
	[tilespmem:$0x10A00] =	vst v63  }
0x1c: {  	_ =	swait.ge [sflag:s11], $0x200  }
0x1d: {  	[sflag:s11] =	ssyncset.done $0x0  }
0x1e: {  	s20 =	simm.s32 $0x400;
	[sflag:s11] =	ssyncadd.s32 $0xFFFFFE00  }
0x1f: {  	[tilespmem:s20], [sflag:$0x1] =	stream.indirect.gather [hbm4b:s4+s14], $0x40, s2, s14, $0xb8;
	[tilespmem:$0x10A00] =	vst v63  }
0x20: {  	s26 =	simm.s32 $0x8400  }
0x21: {  	[tilespmem:s26], [sflag:$0x1] =	stream.indirect.gather [hbm4b:s5+s14], $0x40, s12, s14, $0xb8;
	[tilespmem:$0x10A00] =	vst v63  }
0x22: {  	s21 =	simm.s32 $0x10400  }
0x23: {  	[tilespmem:s21], [sflag:$0x1] =	stream.indirect.gather [hbm4b:s6+s14], $0x1, s2, s14, $0xb8;
	[tilespmem:$0x10A00] =	vst v63  }
0x24: {  	s22 =	simm.s32 $0x10600  }
0x25: {  	[tilespmem:s22], [sflag:$0x1] =	stream.indirect.gather [hbm4b:s1+s14], $0x1, s12, s14, $0xb8;
	[tilespmem:$0x10A00] =	vst v63  }
0x26: {  	s24 =	simm.s32 $0x2400  }
0x27: {  	[tilespmem:s24], [sflag:$0x1] =	stream.indirect.gather [hbm4b:s4+s14], $0x40, s14, s14, $0xb8;
	[tilespmem:$0x10A00] =	vst v63  }
0x28: {  	s26 =	simm.s32 $0xA400  }
0x29: {  	[tilespmem:s26], [sflag:$0x1] =	stream.indirect.gather [hbm4b:s5+s14], $0x40, s19, s14, $0xb8;
	[tilespmem:$0x10A00] =	vst v63  }
0x2a: {  	s21 =	simm.s32 $0x10480  }
0x2b: {  	[tilespmem:s21], [sflag:$0x1] =	stream.indirect.gather [hbm4b:s6+s14], $0x1, s14, s14, $0xb8;
	[tilespmem:$0x10A00] =	vst v63  }
0x2c: {  	s22 =	simm.s32 $0x10680  }
0x2d: {  	[tilespmem:s22], [sflag:$0x1] =	stream.indirect.gather [hbm4b:s1+s14], $0x1, s19, s14, $0xb8;
	[tilespmem:$0x10A00] =	vst v63  }
0x2e: {  	s24 =	simm.s32 $0x4400  }
0x2f: {  	[tilespmem:s24], [sflag:$0x1] =	stream.indirect.gather [hbm4b:s4+s14], $0x40, s23, s14, $0xb8;
	[tilespmem:$0x10A00] =	vst v63  }
0x30: {  	s26 =	simm.s32 $0xC400  }
0x31: {  	[tilespmem:s26], [sflag:$0x1] =	stream.indirect.gather [hbm4b:s5+s14], $0x40, s25, s14, $0xb8;
	[tilespmem:$0x10A00] =	vst v63  }
0x32: {  	_ = 	snop  }
0x33: {  	[tilespmem:s28], [sflag:$0x1] =	stream.indirect.gather [hbm4b:s6+s14], $0x1, s23, s14, $0xb8;
	[tilespmem:$0x10A00] =	vst v63  }
0x34: {  	_ = 	snop  }
0x35: {  	[tilespmem:s29], [sflag:$0x1] =	stream.indirect.gather [hbm4b:s1+s14], $0x1, s25, s14, $0xb8;
	[tilespmem:$0x10A00] =	vst v63  }
0x36: {  	_ = 	snop  }
0x37: {  	[tilespmem:s31], [sflag:$0x1] =	stream.indirect.gather [hbm4b:s4+s14], $0x40, s30, s14, $0xb8;
	[tilespmem:$0x10A00] =	vst v63  }
0x38: {  	_ = 	snop  }
0x39: {  	[tilespmem:s3], [sflag:$0x1] =	stream.indirect.gather [hbm4b:s5+s14], $0x40, s0, s14, $0xb8;
	[tilespmem:$0x10A00] =	vst v63  }
0x3a: {  	_ = 	snop  }
0x3b: {  	[tilespmem:s13], [sflag:$0x1] =	stream.indirect.gather [hbm4b:s6+s14], $0x1, s30, s14, $0xb8;
	[tilespmem:$0x10A00] =	vst v63  }
0x3c: {  	_ = 	snop  }
0x3d: {  	[tilespmem:s15], [sflag:$0x1] =	stream.indirect.gather [hbm4b:s1+s14], $0x1, s0, s14, $0xb8;
	[tilespmem:$0x10A00] =	vst v63  }
0x3e: {  	_ =	swait.ge [sflag:s16], $0x2000  }
0x3f: {  	[sflag:s16] =	ssyncset.done $0x0  }
0x40: {  	[sflag:s16] =	ssyncadd.s32 $0xFFFFE000  }
0x41: {  	_ =	swait.ge [sflag:s16], $0x2000  }
0x42: {  	[sflag:s16] =	ssyncset.done $0x0  }
0x43: {  	[sflag:s16] =	ssyncadd.s32 $0xFFFFE000  }
0x44: {  	_ =	swait.ge [sflag:s16], $0x80  }
0x45: {  	[sflag:s16] =	ssyncset.done $0x0  }
0x46: {  	[sflag:s16] =	ssyncadd.s32 $0xFFFFFF80  }
0x47: {  	_ =	swait.ge [sflag:s16], $0x80  }
0x48: {  	[sflag:s16] =	ssyncset.done $0x0  }
0x49: {  	[sflag:s16] =	ssyncadd.s32 $0xFFFFFF80  }
0x4a: {  	_ =	swait.ge [sflag:s16], $0x2000  }
0x4b: {  	[sflag:s16] =	ssyncset.done $0x0  }
0x4c: {  	[sflag:s16] =	ssyncadd.s32 $0xFFFFE000  }
0x4d: {  	_ =	swait.ge [sflag:s16], $0x2000  }
0x4e: {  	[sflag:s16] =	ssyncset.done $0x0  }
0x4f: {  	[sflag:s16] =	ssyncadd.s32 $0xFFFFE000  }
0x50: {  	_ =	swait.ge [sflag:s16], $0x80  }
0x51: {  	[sflag:s16] =	ssyncset.done $0x0  }
0x52: {  	[sflag:s16] =	ssyncadd.s32 $0xFFFFFF80  }
0x53: {  	_ =	swait.ge [sflag:s16], $0x80  }
0x54: {  	[sflag:s16] =	ssyncset.done $0x0  }
0x55: {  	[sflag:s16] =	ssyncadd.s32 $0xFFFFFF80  }
0x56: {  	_ =	swait.ge [sflag:s16], $0x2000  }
0x57: {  	[sflag:s16] =	ssyncset.done $0x0  }
0x58: {  	[sflag:s16] =	ssyncadd.s32 $0xFFFFE000  }
0x59: {  	_ =	swait.ge [sflag:s16], $0x2000  }
0x5a: {  	[sflag:s16] =	ssyncset.done $0x0  }
0x5b: {  	[sflag:s16] =	ssyncadd.s32 $0xFFFFE000  }
0x5c: {  	_ =	swait.ge [sflag:s16], $0x80  }
0x5d: {  	[sflag:s16] =	ssyncset.done $0x0  }
0x5e: {  	[sflag:s16] =	ssyncadd.s32 $0xFFFFFF80  }
0x5f: {  	_ =	swait.ge [sflag:s16], $0x80  }
0x60: {  	[sflag:s16] =	ssyncset.done $0x0  }
0x61: {  	[sflag:s16] =	ssyncadd.s32 $0xFFFFFF80  }
0x62: {  	_ =	swait.ge [sflag:s16], $0x2000  }
0x63: {  	[sflag:s16] =	ssyncset.done $0x0  }
0x64: {  	[sflag:s16] =	ssyncadd.s32 $0xFFFFE000  }
0x65: {  	_ =	swait.ge [sflag:s16], $0x2000  }
0x66: {  	[sflag:s16] =	ssyncset.done $0x0  }
0x67: {  	[sflag:s16] =	ssyncadd.s32 $0xFFFFE000  }
0x68: {  	_ =	swait.ge [sflag:s16], $0x80  }
0x69: {  	[sflag:s16] =	ssyncset.done $0x0  }
0x6a: {  	[sflag:s16] =	ssyncadd.s32 $0xFFFFFF80  }
0x6b: {  	_ =	swait.ge [sflag:s16], $0x80  }
0x6c: {  	[sflag:s16] =	ssyncset.done $0x0  }
0x6d: {  	s20 =	simm.s32 $0x8600;
	[sflag:s16] =	ssyncadd.s32 $0xFFFFFF80  }
0x6e: {  	s21 =	simm.s32 $0x600;
	v33 =	vld [tilespmem:s20+$0x1E0]  }
0x6f: {  	v34 =	vld [tilespmem:s21+$0x1E0]  }
0x70: {  	v32 =	vld [tilespmem:s20+$0x1D0]  }
0x71: {  	v21 =	vld [tilespmem:s21+$0x1D0]  }
0x72: {  	v20 =	vld [tilespmem:s20+$0x190]  }
0x73: {  	v25 =	vld [tilespmem:s20+$0x170]  }
0x74: {  	v28 =	vld [tilespmem:s21+$0x170]  }
0x75: {  	v37 =	vld [tilespmem:s20+$0x160]  }
0x76: {  	v38 =	vld [tilespmem:s21+$0x160]  }
0x77: {  	v39 =	vld [tilespmem:s20+$0x150]  }
0x78: {  	v40 =	vld [tilespmem:s21+$0x150]  }
0x79: {  	v41 =	vld [tilespmem:s20+$0x140]  }
0x7a: {  	v42 =	vld [tilespmem:s21+$0x140]  }
0x7b: {  	v43 =	vld [tilespmem:s20+$0xB0]  }
0x7c: {  	v44 =	vld [tilespmem:s21+$0xB0]  }
0x7d: {  	v45 =	vld [tilespmem:s20+$0xA0]  }
0x7e: {  	v46 =	vld [tilespmem:s21+$0xA0]  }
0x7f: {  	v47 =	vld [tilespmem:s20+$0x90]  }
0x80: {  	v48 =	vld [tilespmem:s21+$0x90]  }
0x81: {  	v49 =	vld [tilespmem:s20+$0x80]  }
0x82: {  	v50 =	vld [tilespmem:s21+$0x80]  }
0x83: {  	v35 =	vld [tilespmem:s20+$0x50]  }
0x84: {  	v36 =	vld [tilespmem:s21+$0x50]  }
0x85: {  	v51 =	vld [tilespmem:s20+$0x10]  }
0x86: {  	v52 =	vld [tilespmem:s21+$0x10]  }
0x87: {  	v53 =	vld [tilespmem:s20+$0xFFFFFFF0]  }
0x88: {  	v54 =	vld [tilespmem:s21+$0xFFFFFFF0]  }
0x89: {  	v55 =	vld [tilespmem:s20+$0xFFFFFFE0]  }
0x8a: {  	v56 =	vld [tilespmem:s21+$0xFFFFFFE0]  }
0x8b: {  	v57 =	vld [tilespmem:s20+$0xFFFFFFD0]  }
0x8c: {  	v58 =	vld [tilespmem:s21+$0xFFFFFFD0]  }
0x8d: {  	v59 =	vld [tilespmem:s20+$0xFFFFFFC0]  }
0x8e: {  	v60 =	vld [tilespmem:s21+$0xFFFFFFC0]  }
0x8f: {  	[tilespmem:$0x1FF60] =	vst v20;
	v20 =	vld [tilespmem:s21+$0x190]  }
0x90: {  	v61 =	vld [tilespmem:s20+$0xFFFFFE00]  }
0x91: {  	v62 =	vld [tilespmem:s20+$0xFFFFFF90]  }
0x92: {  	v63 =	vld [tilespmem:s21+$0xFFFFFF90]  }
0x93: {  	v31 =	vld [tilespmem:s20+$0xFFFFFF70]  }
0x94: {  	[tilespmem:$0x1FF70] =	vst v20;
	v20 =	vld [tilespmem:s20+$0xC0]  }
0x95: {  	v30 =	vld [tilespmem:s21+$0xFFFFFF70]  }
0x96: {  	v27 =	vld [tilespmem:s20+$0xFFFFFF60]  }
0x97: {  	v26 =	vld [tilespmem:s21+$0xFFFFFF60]  }
0x98: {  	v23 =	vld [tilespmem:s20+$0xFFFFFF50]  }
0x99: {  	[tilespmem:$0x1FFC0] =	vst v20;
	v20 =	vld [tilespmem:s21+$0xC0]  }
0x9a: {  	v22 =	vld [tilespmem:s21+$0xFFFFFF50]  }
0x9b: {  	v24 =	vld [tilespmem:s21+$0xFFFFFEA0]  }
0x9c: {  	v29 =	vmul.f32 v41, v42;
	v41 =	vld [tilespmem:s20+$0xFFFFFF40]  }
0x9d: {  	v42 =	vld [tilespmem:s21+$0xFFFFFF40]  }
0x9e: {  	[tilespmem:$0x1FFD0] =	vst v20;
	v20 =	vld [tilespmem:s20+$0xD0]  }
0x9f: {  	v39 =	vmul.f32 v39, v40;
	v40 =	vld [tilespmem:s20+$0xFFFFFF30]  }
0xa0: {  	v25 =	vmul.f32 v25, v28;
	v28 =	vld [tilespmem:s20+$0xFFFFFF20]  }
0xa1: {  	v37 =	vmul.f32 v37, v38;
	v29 =	vadd.f32 v39, v29;
	v39 =	vmul.f32 v47, v48;
	v48 =	vld [tilespmem:s21+$0xFFFFFF30]  }
0xa2: {  	v47 =	vmul.f32 v49, v50;
	v49 =	vmul.f32 v43, v44;
	v43 =	vld [tilespmem:s21+$0xFFFFFF10]  }
0xa3: {  	v21 =	vmul.f32 v32, v21;
	[tilespmem:$0x1FFE0] =	vst v20;
	v20 =	vld [tilespmem:s20+$0x70]  }
0xa4: {  	v44 =	vld [tilespmem:s20+$0xFFFFFF00];
	v37 =	vadd.f32 v37, v29;
	v29 =	vmul.f32 v45, v46;
	v39 =	vadd.f32 v39, v47  }
0xa5: {  	[tilespmem:$0x1FFF0] =	vst v21;
	v21 =	vld [tilespmem:s20+$0xFFFFFE90]  }
0xa6: {  	v45 =	vld [tilespmem:s21+$0xFFFFFF20];
	v38 =	vadd.f32 v29, v39  }
0xa7: {  	v46 =	vld [tilespmem:s20+$0xFFFFFF10];
	v25 =	vadd.f32 v25, v37  }
0xa8: {  	v37 =	vadd.f32 v49, v38;
	[tilespmem:$0x1FFA0] =	vst v20;
	v20 =	vld [tilespmem:s20+$0x30]  }
0xa9: {  	v47 =	vld [tilespmem:s20+$0xFFFFFED0];
	v50 =	vperm.xlane v25, v0  }
0xaa: {  	v29 =	vld [tilespmem:s20+$0xFFFFFEB0];
	v39 =	vperm.xlane v37, v0  }
0xab: {  	v40 =	vmul.f32 v40, v48;
	v48 =	vld [tilespmem:s20+$0xFFFFFE20];
	v25 =	vadd.f32 v25, v50  }
0xac: {  	v37 =	vadd.f32 v37, v39;
	v39 =	vld [tilespmem:s21+$0xFFFFFEB0]  }
0xad: {  	v50 =	vperm.xlane v25, v1;
	[tilespmem:$0x1FFB0] =	vst v20;
	v20 =	vld [tilespmem:s20+$0x40]  }
0xae: {  	v38 =	vld [tilespmem:s21+$0xFFFFFF00]  }
0xaf: {  	v49 =	vld [tilespmem:s21+$0xFFFFFED0];
	v25 =	vadd.f32 v25, v50  }
0xb0: {  	v50 =	vld [tilespmem:s20+$0xFFFFFEA0]  }
0xb1: {  	v32 =	vperm.xlane v25, v17;
	v29 =	vmul.f32 v29, v39;
	v39 =	vld [tilespmem:s20+$0x100]  }
0xb2: {  	[tilespmem:$0x1FF80] =	vst v20;
	v20 =	vld [tilespmem:s20+$0x20]  }
0xb3: {  	v23 =	vmul.f32 v23, v22;
	v22 =	vadd.f32 v25, v32;
	v25 =	vmul.f32 v57, v58;
	v57 =	vld [tilespmem:s21+$0xFFFFFE80]  }
0xb4: {  	v32 =	vmul.f32 v59, v60;
	v60 =	vmul.f32 v55, v56;
	v56 =	vld [tilespmem:s21+$0xFFFFFE50]  }
0xb5: {  	v58 =	vld [tilespmem:s21+$0xFFFFFE40]  }
0xb6: {  	v59 =	vld [tilespmem:s20+$0xFFFFFE10]  }
0xb7: {  	v24 =	vmul.f32 v50, v24;
	v50 =	vld [tilespmem:s21+$0xFFFFFE20];
	[tilespmem:$0x1FF90] =	vst v20;
	v20 =	vperm.xlane v37, v1  }
0xb8: {  	v25 =	vadd.f32 v25, v32;
	v32 =	vld [tilespmem:s20+$0xFFFFFE70]  }
0xb9: {  	v20 =	vadd.f32 v37, v20;
	v37 =	vmul.f32 v41, v42;
	v41 =	vld [tilespmem:s21+$0xFFFFFE90]  }
0xba: {  	v26 =	vmul.f32 v27, v26;
	v42 =	vld [tilespmem:s20+$0xFFFFFE80]  }
0xbb: {  	v28 =	vmul.f32 v28, v45;
	v45 =	vld [tilespmem:$0x1FF80];
	v27 =	vperm.xlane v20, v17;
	v23 =	vadd.f32 v23, v37  }
0xbc: {  	v37 =	vmul.f32 v51, v52;
	v51 =	vld [tilespmem:s20+$0xFFFFFE60]  }
0xbd: {  	v20 =	vadd.f32 v20, v27;
	v27 =	vmul.f32 v31, v30;
	v23 =	vadd.f32 v26, v23;
	v26 =	vld [tilespmem:s21+$0xFFFFFE70]  }
0xbe: {  	v30 =	vmul.f32 v62, v63;
	v63 =	vmul.f32 v53, v54;
	v53 =	vld [tilespmem:s21+$0xFFFFFE60]  }
0xbf: {  	v54 =	vld [tilespmem:s20+$0xFFFFFE50];
	v21 =	vmul.f32 v21, v41;
	v42 =	vmul.f32 v42, v57  }
0xc0: {  	v62 =	vld [tilespmem:s21+$0xFFFFFE10]  }
0xc1: {  	v43 =	vmul.f32 v46, v43;
	v25 =	vadd.f32 v60, v25;
	v57 =	vld [tilespmem:s20+$0xFFFFFE40];
	v21 =	vadd.f32 v21, v42  }
0xc2: {  	v23 =	vadd.f32 v27, v23;
	v27 =	vmul.f32 v44, v38;
	v42 =	vmul.f32 v47, v49;
	v47 =	vld [tilespmem:s20+$0x1C0]  }
0xc3: {  	v31 =	vadd.f32 v63, v25;
	v25 =	vperm.xlane v20, v18;
	v21 =	vadd.f32 v24, v21;
	v24 =	vld [tilespmem:s21+$0xFFFFFE00]  }
0xc4: {  	v55 =	vperm.xlane v23, v0;
	v52 =	vmul.f32 v51, v53;
	v53 =	vld [tilespmem:s20+$0xFFFFFE30]  }
0xc5: {  	v25 =	vadd.f32 v20, v25;
	v20 =	vperm.xlane v31, v0;
	v51 =	vld [tilespmem:s21+$0xFFFFFEF0]  }
0xc6: {  	v27 =	vadd.f32 v43, v27;
	v23 =	vadd.f32 v23, v55;
	v55 =	vld [tilespmem:s21+$0xFFFFFE30]  }
0xc7: {  	v41 =	vmul.f32 v54, v56;
	v20 =	vadd.f32 v31, v20;
	v43 =	vmul.f32 v57, v58;
	v58 =	vld [tilespmem:s20+$0xFFFFFEC0]  }
0xc8: {  	v27 =	vadd.f32 v28, v27;
	v31 =	vmul.f32 v59, v62;
	v62 =	vld [tilespmem:s20+$0xFFFFFEE0];
	v60 =	vperm.xlane v23, v1  }
0xc9: {  	v21 =	vadd.f32 v29, v21;
	v49 =	vperm.xlane v20, v1;
	v41 =	vadd.f32 v41, v43;
	v43 =	vld [tilespmem:s20+$0x0]  }
0xca: {  	v27 =	vadd.f32 v40, v27;
	v23 =	vadd.f32 v23, v60;
	v60 =	vld [tilespmem:s21+$0xFFFFFEC0]  }
0xcb: {  	v33 =	vmul.f32 v33, v34;
	v54 =	vperm.xlane v21, v0;
	v20 =	vadd.f32 v20, v49;
	v49 =	vld [tilespmem:s20+$0xFFFFFEF0]  }
0xcc: {  	v26 =	vmul.f32 v32, v26;
	v63 =	vperm.xlane v27, v0;
	v32 =	vadd.f32 v52, v41;
	v52 =	vld [tilespmem:s20+$0xFFFFFF80]  }
0xcd: {  	v44 =	vmul.f32 v48, v50;
	v24 =	vmul.f32 v61, v24;
	v21 =	vadd.f32 v21, v54;
	v54 =	vld [tilespmem:s21+$0xFFFFFF80]  }
0xce: {  	v40 =	vmul.f32 v53, v55;
	v55 =	vld [tilespmem:s20+$0xFFFFFFA0];
	v27 =	vadd.f32 v27, v63;
	v59 =	vperm.xlane v20, v17  }
0xcf: {  	v56 =	vperm.xlane v23, v17;
	v24 =	vadd.f32 v31, v24;
	v26 =	vadd.f32 v26, v32;
	v63 =	vld [tilespmem:s21+$0xFFFFFEE0]  }
0xd0: {  	v61 =	vperm.xlane v21, v1;
	v57 =	vperm.xlane v27, v1;
	v38 =	vadd.f32 v20, v59;
	v59 =	vld [tilespmem:s21+$0x0]  }
0xd1: {  	v35 =	vmul.f32 v35, v36;
	v23 =	vadd.f32 v23, v56;
	v24 =	vadd.f32 v44, v24;
	v44 =	vld [tilespmem:s20+$0x110]  }
0xd2: {  	v50 =	vperm.xlane v26, v0;
	v21 =	vadd.f32 v21, v61;
	v61 =	vld [tilespmem:s20+$0xFFFFFFB0];
	v27 =	vadd.f32 v27, v57  }
0xd3: {  	v20 =	vperm.xlane v23, v18;
	v24 =	vadd.f32 v40, v24;
	v57 =	vld [tilespmem:s21+$0xFFFFFFA0];
	v29 =	vmul.f32 v52, v54  }
0xd4: {  	v26 =	vadd.f32 v26, v50;
	v50 =	vld [tilespmem:$0x1FF70];
	v53 =	vperm.xlane v21, v17;
	v48 =	vperm.xlane v27, v17  }
0xd5: {  	v52 =	vld [tilespmem:s21+$0x40];
	v32 =	vmul.f32 v62, v63;
	v20 =	vadd.f32 v23, v20;
	v40 =	vperm.xlane v24, v0  }
0xd6: {  	v54 =	vld [tilespmem:s20+$0x60];
	v56 =	vperm.xlane v26, v1;
	v21 =	vadd.f32 v21, v53;
	v23 =	vadd.f32 v27, v48  }
0xd7: {  	v63 =	vld [tilespmem:s21+$0xFFFFFFB0];
	v27 =	vmul.f32 v58, v60;
	v24 =	vadd.f32 v24, v40;
	v40 =	vperm.xlane v38, v18  }
0xd8: {  	v58 =	vmul.f32 v49, v51;
	v49 =	vld [tilespmem:$0x1FF60];
	v60 =	vperm.xlane v21, v18  }
0xd9: {  	v29 =	vadd.f32 v30, v29;
	v53 =	vmul.f32 v55, v57;
	v55 =	vmul.f32 v43, v59;
	v57 =	vld [tilespmem:s21+$0x60]  }
0xda: {  	v26 =	vadd.f32 v26, v56;
	v59 =	vld [tilespmem:s21+$0x30];
	v30 =	vmul.f32 v45, v52;
	v41 =	vperm.xlane v23, v18  }
0xdb: {  	v52 =	vld [tilespmem:$0x1FF90];
	v27 =	vadd.f32 v42, v27;
	v62 =	vperm.xlane v24, v1;
	v21 =	vadd.f32 v21, v60  }
0xdc: {  	v48 =	vperm.xlane v26, v17;
	v29 =	vadd.f32 v53, v29;
	v23 =	vadd.f32 v23, v41;
	v41 =	vld [tilespmem:s21+$0x20]  }
0xdd: {  	s24 =	simm.s32 $0x0;
	v20 =	vmul.f32 v7, v20;
	v27 =	vadd.f32 v32, v27;
	v24 =	vadd.f32 v24, v62;
	v62 =	vld [tilespmem:s21+$0x70]  }
0xde: {  	v37 =	vadd.f32 v37, v55;
	v26 =	vadd.f32 v26, v48;
	v48 =	vld [tilespmem:s24+$0x10400];
	v46 =	vmul.f32 v49, v50  }
0xdf: {  	v27 =	vadd.f32 v58, v27;
	v56 =	vperm.xlane v24, v17;
	v31 =	vmul.f32 v54, v57;
	v54 =	vld [tilespmem:$0x1FFA0]  }
0xe0: {  	v30 =	vadd.f32 v35, v30;
	v58 =	vmul.f32 v61, v63;
	v60 =	vperm.xlane v26, v18;
	v63 =	vld [tilespmem:s24+$0x10600]  }
0xe1: {  	v55 =	vld [tilespmem:s20+$0xE0];
	v21 =	vmul.f32 v4, v21;
	v51 =	vperm.xlane v27, v0;
	v24 =	vadd.f32 v24, v56  }
0xe2: {  	v23 =	vmul.f32 v6, v23;
	v29 =	vadd.f32 v58, v29;
	v26 =	vadd.f32 v26, v60;
	v56 =	vld [tilespmem:$0x1FFB0]  }
0xe3: {  	v58 =	vld [tilespmem:s21+$0xE0];
	v35 =	vmul.f32 v52, v41;
	v27 =	vadd.f32 v27, v51;
	v49 =	vperm.xlane v24, v18  }
0xe4: {  	v30 =	vadd.f32 v31, v30;
	v60 =	vld [tilespmem:$0x1FFD0];
	v50 =	vperm.xlane v29, v0;
	v31 =	vmul.f32 v54, v62  }
0xe5: {  	v51 =	vld [tilespmem:s21+$0xD0];
	v35 =	vadd.f32 v35, v37;
	v36 =	vadd.f32 v63, v48;
	v61 =	vperm.xlane v27, v1  }
0xe6: {  	v26 =	vmul.f32 v3, v26;
	v48 =	vld [tilespmem:$0x1FFE0];
	v24 =	vadd.f32 v24, v49;
	v29 =	vadd.f32 v29, v50  }
0xe7: {  	v32 =	vmul.f32 v56, v59;
	v30 =	vadd.f32 v31, v30;
	v59 =	vld [tilespmem:$0x1FFC0];
	v27 =	vadd.f32 v27, v61  }
0xe8: {  	v24 =	vmul.f32 v2, v24;
	v57 =	vperm.xlane v29, v1;
	v61 =	vld [tilespmem:s21+$0x100]  }
0xe9: {  	v52 =	vld [tilespmem:s21+$0x110];
	v32 =	vadd.f32 v32, v35;
	v50 =	vperm.xlane v30, v0;
	v53 =	vperm.xlane v27, v17  }
0xea: {  	v63 =	vld [tilespmem:s20+$0xF0];
	v31 =	vmul.f32 v55, v58;
	v29 =	vadd.f32 v29, v57;
	v24 =	vadd.f32 v24, v36  }
0xeb: {  	v54 =	vld [tilespmem:s21+$0x120];
	v34 =	vmul.f32 v48, v51;
	v30 =	vadd.f32 v30, v50;
	v27 =	vadd.f32 v27, v53  }
0xec: {  	v49 =	vld [tilespmem:s21+$0xF0];
	v43 =	vmul.f32 v59, v60;
	v24 =	vadd.f32 v26, v24;
	v26 =	vperm.xlane v32, v0  }
0xed: {  	v45 =	vadd.f32 v38, v40;
	v57 =	vld [tilespmem:s21+$0x130];
	v51 =	vperm.xlane v29, v17;
	v56 =	vmul.f32 v39, v61  }
0xee: {  	v50 =	vld [tilespmem:s21+$0x1C0];
	v58 =	vperm.xlane v30, v1;
	v62 =	vperm.xlane v27, v18;
	v26 =	vadd.f32 v32, v26  }
0xef: {  	v53 =	vld [tilespmem:s20+$0x120];
	v61 =	vmul.f32 v44, v52;
	v34 =	vadd.f32 v34, v43;
	v29 =	vadd.f32 v29, v51  }
0xf0: {  	v21 =	vadd.f32 v21, v24;
	v24 =	vld [tilespmem:s20+$0x130];
	v27 =	vadd.f32 v27, v62;
	v59 =	vperm.xlane v26, v1  }
0xf1: {  	v36 =	vmul.f32 v63, v49;
	v63 =	vld [tilespmem:s20+$0x1A0];
	v44 =	vadd.f32 v61, v56;
	v31 =	vadd.f32 v31, v34  }
0xf2: {  	v60 =	vld [tilespmem:s21+$0x180];
	v30 =	vadd.f32 v30, v58;
	v27 =	vmul.f32 v5, v27;
	v26 =	vadd.f32 v26, v59  }
0xf3: {  	v51 =	vld [tilespmem:s21+$0x1A0];
	v55 =	vperm.xlane v29, v18;
	v34 =	vmul.f32 v9, v45;
	v31 =	vadd.f32 v36, v31  }
0xf4: {  	v62 =	vld [tilespmem:s20+$0x180];
	v36 =	vmul.f32 v47, v50;
	v21 =	vadd.f32 v27, v21;
	v48 =	vperm.xlane v26, v17  }
0xf5: {  	v56 =	vld [tilespmem:s20+$0x1F0];
	v29 =	vadd.f32 v29, v55;
	v24 =	vmul.f32 v24, v57;
	v27 =	vmul.f32 v53, v54  }
0xf6: {  	v58 =	vld [tilespmem:s21+$0x1F0];
	v49 =	vperm.xlane v31, v0;
	v21 =	vadd.f32 v23, v21;
	v26 =	vadd.f32 v26, v48  }
0xf7: {  	v52 =	vld [tilespmem:s20+$0x1B0];
	v29 =	vmul.f32 v8, v29;
	v27 =	vadd.f32 v27, v44;
	v23 =	vperm.xlane v30, v17  }
0xf8: {  	v53 =	vld [tilespmem:s21+$0x1B0];
	v31 =	vadd.f32 v31, v49;
	v20 =	vadd.f32 v20, v21;
	v21 =	vperm.xlane v26, v18  }
0xf9: {  	v24 =	vadd.f32 v24, v27;
	v27 =	vmul.f32 v62, v60;
	v23 =	vadd.f32 v30, v23  }
0xfa: {  	v54 =	vperm.xlane v31, v1;
	v60 =	vmul.f32 v63, v51;
	v21 =	vadd.f32 v26, v21;
	v26 =	vld [tilespmem:$0x1FFF0]  }
0xfb: {  	v63 =	vmul.f32 v56, v58;
	v57 =	vperm.xlane v23, v18  }
0xfc: {  	v55 =	vperm.xlane v24, v0;
	v27 =	vadd.f32 v46, v27;
	v59 =	vadd.f32 v31, v54  }
0xfd: {  	v30 =	vmul.f32 v52, v53;
	v20 =	vadd.f32 v29, v20;
	v23 =	vadd.f32 v23, v57  }
0xfe: {  	v61 =	vperm.xlane v59, v17;
	v24 =	vadd.f32 v24, v55;
	v27 =	vadd.f32 v60, v27  }
0xff: {  	v20 =	vadd.f32 v34, v20;
	v21 =	vmul.f32 v10, v21;
	v26 =	vadd.f32 v26, v36  }
0x100: {  	v29 =	vadd.f32 v59, v61;
	v62 =	vperm.xlane v24, v1;
	v27 =	vadd.f32 v30, v27  }
0x101: {  	v23 =	vmul.f32 v11, v23;
	v20 =	vadd.f32 v21, v20;
	v26 =	vadd.f32 v33, v26  }
0x102: {  	v21 =	vperm.xlane v29, v18;
	v31 =	vadd.f32 v24, v62;
	v24 =	vperm.xlane v27, v0  }
0x103: {  	v28 =	vperm.xlane v22, v18;
	v20 =	vadd.f32 v23, v20;
	v30 =	vadd.f32 v63, v26  }
0x104: {  	v23 =	vadd.f32 v29, v21;
	v24 =	vadd.f32 v27, v24;
	v26 =	vperm.xlane v31, v17  }
0x105: {  	v25 =	vmul.f32 v12, v25;
	v21 =	vadd.f32 v22, v28;
	v27 =	vperm.xlane v30, v0  }
0x106: {  	v22 =	vmul.f32 v13, v23;
	v23 =	vadd.f32 v31, v26;
	v26 =	vperm.xlane v24, v1  }
0x107: {  	s22 =	simm.s32 $0x40;
	v20 =	vadd.f32 v25, v20;
	v25 =	vadd.f32 v30, v27  }
.LBB2_2:
0x108: {  	p0 =	sne.s32 s22, $0x7C0;
	v27 =	vperm.xlane v23, v18;
	v24 =	vadd.f32 v24, v26;
	s21 =	sadd.s32 $0x400, s21;
	s20 =	sadd.s32 $0x400, s20  }
0x109: {  	s26 =	smov.u32 s22;
	s22 =	sadd.s32 $0x40, s22;
	v26 =	vperm.xlane v25, v1  }
0x10a: {  	v23 =	vadd.f32 v23, v27;
	v27 =	vperm.xlane v24, v17  }
0x10b: {  	v21 =	vmul.f32 v15, v21;
	v25 =	vadd.f32 v25, v26  }
0x10c: {  	v20 =	vadd.f32 v22, v20;
	v22 =	vmul.f32 v14, v23;
	v23 =	vadd.f32 v24, v27  }
0x10d: {  	v24 =	vperm.xlane v25, v17  }
0x10e: {  	v20 =	vadd.f32 v22, v20;
	v22 =	vperm.xlane v23, v18  }
0x10f: {  	v24 =	vadd.f32 v25, v24  }
0x110: {  	v20 =	vadd.f32 v21, v20;
	v21 =	vadd.f32 v23, v22  }
0x111: {  	v22 =	vperm.xlane v24, v18  }
0x112: {  	v21 =	vmul.f32 v16, v21  }
0x113: {  	v22 =	vadd.f32 v24, v22  }
0x114: {  	v20 =	vadd.f32 v21, v20  }
0x115: {  	v21 =	vmul.f32 v19, v22;
	_ =	sdelay $0x1  }
0x116: {  	v20 =	vadd.f32 v21, v20;
	_ =	sdelay $0x1  }
0x117: {  	[tilespmem:s24+$0x10800] =	vst v20  }
0x118: {  	v29 =	vld [tilespmem:s20+$0x1E0]  }
0x119: {  	v31 =	vld [tilespmem:s21+$0x1E0]  }
0x11a: {  	v20 =	vld [tilespmem:s20+$0x1D0]  }
0x11b: {  	v21 =	vld [tilespmem:s21+$0x1D0]  }
0x11c: {  	v28 =	vld [tilespmem:s20+$0x190]  }
0x11d: {  	v30 =	vld [tilespmem:s21+$0x190]  }
0x11e: {  	v25 =	vld [tilespmem:s20+$0x170]  }
0x11f: {  	v27 =	vld [tilespmem:s21+$0x170]  }
0x120: {  	v22 =	vld [tilespmem:s20+$0x160];
	v20 =	vmul.f32 v20, v21  }
0x121: {  	v21 =	vld [tilespmem:s21+$0x160]  }
0x122: {  	v26 =	vld [tilespmem:s20+$0x150]  }
0x123: {  	v32 =	vld [tilespmem:s21+$0x150]  }
0x124: {  	v33 =	vld [tilespmem:s20+$0x140]  }
0x125: {  	v34 =	vld [tilespmem:s21+$0x140]  }
0x126: {  	v23 =	vld [tilespmem:s20+$0xC0];
	v21 =	vmul.f32 v22, v21  }
0x127: {  	v24 =	vld [tilespmem:s21+$0xC0]  }
0x128: {  	v22 =	vld [tilespmem:s20+$0xD0];
	v32 =	vmul.f32 v26, v32  }
0x129: {  	v35 =	vld [tilespmem:s20+$0xB0]  }
0x12a: {  	v36 =	vld [tilespmem:s21+$0xB0];
	v33 =	vmul.f32 v33, v34  }
0x12b: {  	v26 =	vld [tilespmem:s20+$0x70]  }
0x12c: {  	v34 =	vld [tilespmem:s20+$0xA0];
	v32 =	vadd.f32 v32, v33  }
0x12d: {  	v33 =	vld [tilespmem:s21+$0xA0]  }
0x12e: {  	v25 =	vmul.f32 v25, v27;
	v37 =	vld [tilespmem:s20+$0x90];
	v21 =	vadd.f32 v21, v32  }
0x12f: {  	v32 =	vld [tilespmem:s21+$0x90];
	v36 =	vmul.f32 v35, v36  }
0x130: {  	v38 =	vld [tilespmem:s20+$0x80];
	v21 =	vadd.f32 v25, v21  }
0x131: {  	v25 =	vld [tilespmem:s21+$0x80]  }
0x132: {  	v27 =	vld [tilespmem:s20+$0x30];
	v39 =	vmul.f32 v34, v33;
	v33 =	vperm.xlane v21, v0  }
0x133: {  	v34 =	vld [tilespmem:s20+$0x50]  }
0x134: {  	v35 =	vld [tilespmem:s21+$0x50];
	v37 =	vmul.f32 v37, v32;
	v21 =	vadd.f32 v21, v33  }
0x135: {  	v33 =	vld [tilespmem:s20+$0x40]  }
0x136: {  	v32 =	vld [tilespmem:s20+$0x20];
	v25 =	vmul.f32 v38, v25;
	v38 =	vperm.xlane v21, v1  }
0x137: {  	v40 =	vld [tilespmem:s20+$0x10]  }
0x138: {  	v41 =	vld [tilespmem:s21+$0x10];
	v25 =	vadd.f32 v37, v25;
	v21 =	vadd.f32 v21, v38  }
0x139: {  	v38 =	vld [tilespmem:s20+$0x0]  }
0x13a: {  	v37 =	vld [tilespmem:s20+$0xFFFFFFF0];
	v25 =	vadd.f32 v39, v25;
	v39 =	vperm.xlane v21, v17  }
0x13b: {  	v42 =	vld [tilespmem:s21+$0xFFFFFFF0]  }
0x13c: {  	v43 =	vld [tilespmem:s20+$0xFFFFFFE0];
	v25 =	vadd.f32 v36, v25;
	v21 =	vadd.f32 v21, v39  }
0x13d: {  	v39 =	vld [tilespmem:s21+$0xFFFFFFE0];
	v36 =	vmul.f32 v40, v41  }
0x13e: {  	v40 =	vld [tilespmem:s20+$0xFFFFFFD0];
	v41 =	vperm.xlane v25, v0;
	v44 =	vperm.xlane v21, v18  }
0x13f: {  	v45 =	vld [tilespmem:s21+$0xFFFFFFD0]  }
0x140: {  	v46 =	vld [tilespmem:s20+$0xFFFFFFC0];
	v25 =	vadd.f32 v25, v41;
	v21 =	vadd.f32 v21, v44  }
0x141: {  	v44 =	vld [tilespmem:s21+$0xFFFFFFC0]  }
0x142: {  	v41 =	vld [tilespmem:s20+$0xFFFFFE00];
	v43 =	vmul.f32 v43, v39;
	v39 =	vperm.xlane v25, v1  }
0x143: {  	v47 =	vld [tilespmem:s20+$0xFFFFFF90]  }
0x144: {  	v48 =	vld [tilespmem:s21+$0xFFFFFF90];
	v40 =	vmul.f32 v40, v45;
	v25 =	vadd.f32 v25, v39  }
0x145: {  	v45 =	vld [tilespmem:s20+$0xFFFFFF70]  }
0x146: {  	v49 =	vld [tilespmem:s21+$0xFFFFFF70];
	v39 =	vmul.f32 v46, v44;
	v44 =	vperm.xlane v25, v17  }
0x147: {  	v46 =	vld [tilespmem:s20+$0xFFFFFF60]  }
0x148: {  	v50 =	vld [tilespmem:s21+$0xFFFFFF60];
	v40 =	vadd.f32 v40, v39;
	v25 =	vadd.f32 v25, v44  }
0x149: {  	v44 =	vld [tilespmem:s20+$0xFFFFFF50];
	v39 =	vmul.f32 v47, v48  }
0x14a: {  	v37 =	vmul.f32 v37, v42;
	v47 =	vld [tilespmem:s21+$0xFFFFFF50];
	v40 =	vadd.f32 v43, v40;
	v42 =	vperm.xlane v25, v18  }
0x14b: {  	v43 =	vld [tilespmem:s20+$0xFFFFFF40];
	v45 =	vmul.f32 v45, v49  }
0x14c: {  	v48 =	vld [tilespmem:s21+$0xFFFFFF40];
	v37 =	vadd.f32 v37, v40;
	v25 =	vadd.f32 v25, v42  }
0x14d: {  	v40 =	vld [tilespmem:s20+$0xFFFFFF30];
	v42 =	vmul.f32 v46, v50  }
0x14e: {  	v46 =	vld [tilespmem:s21+$0xFFFFFF30];
	v49 =	vperm.xlane v37, v0  }
0x14f: {  	v50 =	vld [tilespmem:s20+$0xFFFFFF20];
	v44 =	vmul.f32 v44, v47  }
0x150: {  	v47 =	vld [tilespmem:s21+$0xFFFFFF20];
	v37 =	vadd.f32 v37, v49  }
0x151: {  	v49 =	vld [tilespmem:s20+$0xFFFFFF10];
	v43 =	vmul.f32 v43, v48  }
0x152: {  	v48 =	vld [tilespmem:s21+$0xFFFFFF10];
	v51 =	vperm.xlane v37, v1  }
0x153: {  	v52 =	vld [tilespmem:s20+$0xFFFFFF00];
	v40 =	vmul.f32 v40, v46;
	v43 =	vadd.f32 v44, v43  }
0x154: {  	v44 =	vld [tilespmem:s21+$0xFFFFFF00];
	v37 =	vadd.f32 v37, v51  }
0x155: {  	v46 =	vld [tilespmem:s20+$0xFFFFFED0];
	v47 =	vmul.f32 v50, v47;
	v42 =	vadd.f32 v42, v43  }
0x156: {  	v43 =	vld [tilespmem:s21+$0xFFFFFED0];
	v50 =	vperm.xlane v37, v17  }
0x157: {  	v51 =	vld [tilespmem:s20+$0xFFFFFEB0];
	v48 =	vmul.f32 v49, v48;
	v42 =	vadd.f32 v45, v42  }
0x158: {  	v45 =	vld [tilespmem:s21+$0xFFFFFEB0];
	v37 =	vadd.f32 v37, v50  }
0x159: {  	v49 =	vld [tilespmem:s20+$0xFFFFFEA0];
	v44 =	vmul.f32 v52, v44;
	v50 =	vperm.xlane v42, v0  }
0x15a: {  	v52 =	vld [tilespmem:s21+$0xFFFFFEA0];
	v53 =	vperm.xlane v37, v18  }
0x15b: {  	v54 =	vld [tilespmem:s20+$0xFFFFFE90];
	v43 =	vmul.f32 v46, v43;
	v44 =	vadd.f32 v48, v44;
	v42 =	vadd.f32 v42, v50  }
0x15c: {  	v46 =	vld [tilespmem:s21+$0xFFFFFE90];
	v37 =	vadd.f32 v37, v53  }
0x15d: {  	v48 =	vld [tilespmem:s20+$0xFFFFFE80];
	v45 =	vmul.f32 v51, v45;
	v44 =	vadd.f32 v47, v44;
	v47 =	vperm.xlane v42, v1  }
0x15e: {  	v50 =	vld [tilespmem:s21+$0xFFFFFE80]  }
0x15f: {  	v51 =	vld [tilespmem:s20+$0xFFFFFE70];
	v40 =	vadd.f32 v40, v44;
	v42 =	vadd.f32 v42, v47  }
0x160: {  	v44 =	vld [tilespmem:s21+$0xFFFFFE70]  }
0x161: {  	v47 =	vld [tilespmem:s20+$0xFFFFFE60];
	v46 =	vmul.f32 v54, v46;
	v53 =	vperm.xlane v40, v0  }
0x162: {  	v55 =	vperm.xlane v42, v17;
	v54 =	vld [tilespmem:s21+$0xFFFFFE60]  }
0x163: {  	v56 =	vld [tilespmem:s20+$0xFFFFFE50];
	v48 =	vmul.f32 v48, v50;
	v40 =	vadd.f32 v40, v53  }
0x164: {  	v42 =	vadd.f32 v42, v55;
	v50 =	vld [tilespmem:s21+$0xFFFFFE50]  }
0x165: {  	v53 =	vld [tilespmem:s20+$0xFFFFFE40];
	v44 =	vmul.f32 v51, v44;
	v46 =	vadd.f32 v46, v48;
	v48 =	vmul.f32 v49, v52  }
0x166: {  	v51 =	vperm.xlane v40, v1;
	v52 =	vperm.xlane v42, v18;
	v49 =	vld [tilespmem:s21+$0xFFFFFE40]  }
0x167: {  	v55 =	vld [tilespmem:s20+$0xFFFFFE10];
	v47 =	vmul.f32 v47, v54;
	v46 =	vadd.f32 v48, v46  }
0x168: {  	v51 =	vadd.f32 v40, v51;
	v40 =	vadd.f32 v42, v52;
	v48 =	vld [tilespmem:s21+$0xFFFFFE10]  }
0x169: {  	v42 =	vld [tilespmem:s21+$0xFFFFFE00];
	v50 =	vmul.f32 v56, v50;
	v45 =	vadd.f32 v45, v46  }
0x16a: {  	v52 =	vperm.xlane v51, v17;
	v46 =	vld [tilespmem:s20+$0xFFFFFE20]  }
0x16b: {  	v54 =	vld [tilespmem:s21+$0xFFFFFE20];
	v49 =	vmul.f32 v53, v49;
	v53 =	vperm.xlane v45, v0  }
0x16c: {  	v51 =	vadd.f32 v51, v52;
	v56 =	vld [tilespmem:s20+$0xFFFFFE30]  }
0x16d: {  	v48 =	vmul.f32 v55, v48;
	v52 =	vld [tilespmem:s21+$0xFFFFFE30];
	v49 =	vadd.f32 v50, v49;
	v45 =	vadd.f32 v45, v53  }
0x16e: {  	v50 =	vperm.xlane v51, v18;
	v41 =	vmul.f32 v41, v42;
	v42 =	vld [tilespmem:s20+$0xFFFFFEC0]  }
0x16f: {  	v47 =	vadd.f32 v47, v49;
	v49 =	vperm.xlane v45, v1;
	v53 =	vld [tilespmem:s21+$0xFFFFFEC0]  }
0x170: {  	v48 =	vadd.f32 v48, v41;
	v46 =	vmul.f32 v46, v54;
	v54 =	vld [tilespmem:s20+$0xFFFFFEE0];
	v41 =	vadd.f32 v51, v50  }
0x171: {  	v44 =	vadd.f32 v44, v47;
	v45 =	vadd.f32 v45, v49;
	v47 =	vld [tilespmem:s21+$0xFFFFFEE0]  }
0x172: {  	v46 =	vadd.f32 v46, v48;
	v48 =	vmul.f32 v56, v52;
	v49 =	vld [tilespmem:s20+$0xFFFFFEF0]  }
0x173: {  	v50 =	vperm.xlane v44, v0;
	v51 =	vperm.xlane v45, v17;
	v52 =	vld [tilespmem:s21+$0xFFFFFEF0]  }
0x174: {  	v46 =	vadd.f32 v48, v46;
	v42 =	vmul.f32 v42, v53;
	v48 =	vld [tilespmem:s20+$0xFFFFFF80]  }
0x175: {  	v44 =	vadd.f32 v44, v50;
	v45 =	vadd.f32 v45, v51;
	v50 =	vld [tilespmem:s21+$0xFFFFFF80]  }
0x176: {  	v51 =	vperm.xlane v46, v0;
	v42 =	vadd.f32 v43, v42;
	v43 =	vmul.f32 v54, v47;
	v47 =	vld [tilespmem:s20+$0xFFFFFFA0]  }
0x177: {  	v53 =	vperm.xlane v44, v1;
	v54 =	vperm.xlane v45, v18;
	v55 =	vld [tilespmem:s21+$0xFFFFFFA0]  }
0x178: {  	v46 =	vadd.f32 v46, v51;
	v42 =	vadd.f32 v43, v42;
	v43 =	vmul.f32 v49, v52;
	v49 =	vld [tilespmem:s21+$0x0]  }
0x179: {  	v29 =	vmul.f32 v29, v31;
	v44 =	vadd.f32 v44, v53;
	v45 =	vadd.f32 v45, v54;
	v51 =	vld [tilespmem:s20+$0xFFFFFFB0]  }
0x17a: {  	v31 =	vperm.xlane v46, v1;
	v42 =	vadd.f32 v43, v42;
	v43 =	vmul.f32 v48, v50;
	v48 =	vld [tilespmem:s21+$0xFFFFFFB0]  }
0x17b: {  	v28 =	vmul.f32 v28, v30;
	v50 =	vperm.xlane v44, v17;
	v52 =	vld [tilespmem:s21+$0x20]  }
0x17c: {  	v30 =	vadd.f32 v46, v31;
	v31 =	vperm.xlane v42, v0;
	v39 =	vadd.f32 v39, v43;
	v43 =	vld [tilespmem:s21+$0x40]  }
0x17d: {  	v46 =	vmul.f32 v47, v55;
	v44 =	vadd.f32 v44, v50;
	v38 =	vmul.f32 v38, v49;
	v47 =	vld [tilespmem:s20+$0x60]  }
0x17e: {  	v34 =	vmul.f32 v34, v35;
	v49 =	vperm.xlane v30, v17;
	v31 =	vadd.f32 v42, v31;
	v35 =	vld [tilespmem:s21+$0x60]  }
0x17f: {  	v39 =	vadd.f32 v46, v39;
	v42 =	vperm.xlane v44, v18;
	v46 =	vmul.f32 v51, v48;
	v48 =	vld [tilespmem:s21+$0x30]  }
0x180: {  	s24 =	sshra.s32 s26, $0x2;
	v36 =	vadd.f32 v36, v38;
	v30 =	vadd.f32 v30, v49;
	v49 =	vperm.xlane v31, v1;
	v38 =	vld [tilespmem:s21+$0x70]  }
0x181: {  	v50 =	vld [tilespmem:s24+$0x10600];
	v42 =	vadd.f32 v44, v42;
	v39 =	vadd.f32 v46, v39;
	v33 =	vmul.f32 v33, v43  }
0x182: {  	v32 =	vmul.f32 v32, v52;
	v43 =	vld [tilespmem:s24+$0x10400];
	v44 =	vperm.xlane v30, v18;
	v31 =	vadd.f32 v31, v49  }
0x183: {  	v46 =	vperm.xlane v39, v0;
	v33 =	vadd.f32 v34, v33;
	v34 =	vmul.f32 v47, v35;
	v35 =	vld [tilespmem:s21+$0xD0]  }
0x184: {  	v32 =	vadd.f32 v32, v36;
	v30 =	vadd.f32 v30, v44;
	v44 =	vperm.xlane v31, v17;
	v36 =	vld [tilespmem:s20+$0x110]  }
0x185: {  	v39 =	vadd.f32 v39, v46;
	v33 =	vadd.f32 v34, v33;
	v26 =	vmul.f32 v26, v38;
	v34 =	vld [tilespmem:s20+$0x100]  }
0x186: {  	v27 =	vmul.f32 v27, v48;
	v30 =	vmul.f32 v2, v30;
	v31 =	vadd.f32 v31, v44;
	v38 =	vld [tilespmem:s20+$0xE0]  }
0x187: {  	v23 =	vmul.f32 v23, v24;
	v44 =	vperm.xlane v39, v1;
	v26 =	vadd.f32 v26, v33;
	v24 =	vld [tilespmem:s21+$0xE0]  }
0x188: {  	v42 =	vmul.f32 v3, v42;
	v27 =	vadd.f32 v27, v32;
	v33 =	vadd.f32 v50, v43;
	v32 =	vld [tilespmem:s21+$0x100]  }
0x189: {  	v43 =	vperm.xlane v31, v18;
	v22 =	vmul.f32 v22, v35;
	v39 =	vadd.f32 v39, v44;
	v35 =	vld [tilespmem:s20+$0xF0]  }
0x18a: {  	v30 =	vadd.f32 v30, v33;
	v33 =	vmul.f32 v4, v45;
	v44 =	vperm.xlane v26, v0;
	v45 =	vld [tilespmem:s21+$0xF0]  }
0x18b: {  	v31 =	vadd.f32 v31, v43;
	v22 =	vadd.f32 v22, v23;
	v43 =	vperm.xlane v39, v17;
	v23 =	vld [tilespmem:s21+$0x110]  }
0x18c: {  	v30 =	vadd.f32 v42, v30;
	v42 =	vperm.xlane v27, v0;
	v26 =	vadd.f32 v26, v44;
	v44 =	vld [tilespmem:s20+$0x120]  }
0x18d: {  	v31 =	vmul.f32 v5, v31;
	v24 =	vmul.f32 v38, v24;
	v39 =	vadd.f32 v39, v43;
	v38 =	vld [tilespmem:s21+$0x120]  }
0x18e: {  	v30 =	vadd.f32 v33, v30;
	v33 =	vmul.f32 v6, v41;
	v27 =	vadd.f32 v27, v42;
	v41 =	vld [tilespmem:s20+$0x130]  }
0x18f: {  	v22 =	vadd.f32 v24, v22;
	v24 =	vmul.f32 v34, v32;
	v42 =	vperm.xlane v39, v18;
	v32 =	vld [tilespmem:s21+$0x130]  }
0x190: {  	v34 =	vmul.f32 v7, v40;
	v40 =	vperm.xlane v26, v1;
	v43 =	vld [tilespmem:s21+$0x180]  }
0x191: {  	v23 =	vmul.f32 v36, v23;
	v39 =	vadd.f32 v39, v42;
	v42 =	vperm.xlane v27, v1;
	v36 =	vld [tilespmem:s20+$0x1A0]  }
0x192: {  	v30 =	vadd.f32 v31, v30;
	v31 =	vmul.f32 v35, v45;
	v35 =	vmul.f32 v44, v38;
	v38 =	vld [tilespmem:s20+$0x180]  }
0x193: {  	v23 =	vadd.f32 v23, v24;
	v39 =	vmul.f32 v8, v39;
	v27 =	vadd.f32 v27, v42;
	v24 =	vld [tilespmem:s21+$0x1A0]  }
0x194: {  	v26 =	vadd.f32 v26, v40;
	v22 =	vadd.f32 v31, v22;
	v31 =	vmul.f32 v41, v32;
	v32 =	vld [tilespmem:s20+$0x1C0]  }
0x195: {  	v37 =	vmul.f32 v9, v37;
	v23 =	vadd.f32 v35, v23;
	v40 =	vperm.xlane v27, v17;
	v35 =	vld [tilespmem:s21+$0x1C0]  }
0x196: {  	v30 =	vadd.f32 v33, v30;
	v33 =	vperm.xlane v26, v17;
	v41 =	vperm.xlane v22, v0;
	v42 =	vld [tilespmem:s20+$0x1B0]  }
0x197: {  	v23 =	vadd.f32 v31, v23;
	v27 =	vadd.f32 v27, v40;
	v31 =	vmul.f32 v38, v43;
	v38 =	vld [tilespmem:s21+$0x1B0]  }
0x198: {  	v26 =	vadd.f32 v26, v33;
	v22 =	vadd.f32 v22, v41;
	v24 =	vmul.f32 v36, v24  }
0x199: {  	v30 =	vadd.f32 v34, v30;
	v34 =	vperm.xlane v23, v0;
	v33 =	vperm.xlane v27, v18;
	v36 =	vld [tilespmem:s20+$0x1F0]  }
0x19a: {  	v40 =	vperm.xlane v22, v1;
	v28 =	vadd.f32 v28, v31;
	v31 =	vmul.f32 v32, v35;
	v32 =	vld [tilespmem:s21+$0x1F0]  }
0x19b: {  	v30 =	vadd.f32 v39, v30;
	v27 =	vadd.f32 v27, v33;
	v33 =	vperm.xlane v26, v18  }
0x19c: {  	v25 =	vmul.f32 v12, v25;
	v22 =	vadd.f32 v22, v40;
	v35 =	vmul.f32 v42, v38  }
0x19d: {  	v20 =	vadd.f32 v20, v31;
	v27 =	vmul.f32 v10, v27;
	v26 =	vadd.f32 v26, v33  }
0x19e: {  	v23 =	vadd.f32 v23, v34;
	v24 =	vadd.f32 v24, v28;
	v31 =	vperm.xlane v22, v17  }
0x19f: {  	v28 =	vadd.f32 v37, v30;
	v20 =	vadd.f32 v29, v20;
	v26 =	vmul.f32 v11, v26  }
0x1a0: {  	v22 =	vadd.f32 v22, v31;
	v29 =	vperm.xlane v23, v1;
	v24 =	vadd.f32 v35, v24  }
0x1a1: {  	v27 =	vadd.f32 v27, v28;
	v28 =	vmul.f32 v36, v32  }
0x1a2: {  	v30 =	vperm.xlane v22, v18;
	v23 =	vadd.f32 v23, v29;
	v29 =	vperm.xlane v24, v0  }
.Ltmp0:
0x1a3: {  	v26 =	vadd.f32 v26, v27;
	v27 =	vadd.f32 v28, v20;
	(pc) =	sbr.rel @p0 .LBB2_2-.Ltmp0, $4  }
0x1a4: {  	v22 =	vadd.f32 v22, v30;
	v28 =	vperm.xlane v23, v17;
	v24 =	vadd.f32 v24, v29  }
0x1a5: {  	v20 =	vadd.f32 v25, v26;
	v25 =	vperm.xlane v27, v0  }
0x1a6: {  	v22 =	vmul.f32 v13, v22;
	v23 =	vadd.f32 v23, v28;
	v26 =	vperm.xlane v24, v1  }
0x1a7: {  	v25 =	vadd.f32 v27, v25  }
0x1a8: {  	_ = 	snop  }
0x1a9: {  	v24 =	vadd.f32 v24, v26;
	v54 =	vperm.xlane v25, v1;
	_ =	sdelay $0x1  }
0x1aa: {  	v27 =	vperm.xlane v23, v18;
	v55 =	vperm.xlane v24, v17;
	v25 =	vadd.f32 v25, v54;
	_ =	sdelay $0x1  }
0x1ab: {  	v23 =	vadd.f32 v23, v27;
	v24 =	vadd.f32 v24, v55;
	v56 =	vperm.xlane v25, v17  }
0x1ac: {  	v20 =	vadd.f32 v22, v20  }
0x1ad: {  	v57 =	vmul.f32 v14, v23;
	v58 =	vperm.xlane v24, v18;
	v25 =	vadd.f32 v25, v56  }
0x1ae: {  	v21 =	vmul.f32 v15, v21  }
0x1af: {  	v20 =	vadd.f32 v57, v20;
	v59 =	vadd.f32 v24, v58;
	v60 =	vperm.xlane v25, v18;
	_ =	sdelay $0x1  }
0x1b0: {  	v20 =	vadd.f32 v21, v20;
	v61 =	vmul.f32 v16, v59;
	v62 =	vadd.f32 v25, v60;
	_ =	sdelay $0x1  }
0x1b1: {  	v20 =	vadd.f32 v61, v20;
	v63 =	vmul.f32 v19, v62;
	_ =	sdelay $0x1  }
0x1b2: {  	s18 =	sadd.s32 $0x1, s18;
	v20 =	vadd.f32 v63, v20  }
0x1b3: {  	p0 =	sne.s32 s18, s10  }
.Ltmp1:
0x1b4: {  	[tilespmem:s24+$0x10800] =	vst v20;
	(pc) =	sbr.rel @p0 .LBB2_1-.Ltmp1, $4  }
0x1b5: {  	[hbm4b:s9+s2] =	stream.linear.scatter [tilespmem:s17], [sflag:$0x2], $0x200, $0x38;
	[tilespmem:$0x10A00] =	vst v63  }
0x1b6: {  	_ =	swait.ge [sflag:s11], $0x200  }
0x1b7: {  	[sflag:s11] =	ssyncset.done $0x0  }
0x1b8: {  	[sflag:s11] =	ssyncadd.s32 $0xFFFFFE00  }
0x1b9: {  	_ =	sfence.sel $0x180000  }
0x1ba: {  	[bflag:$0x0] =	sbarrier.arrive $0xFFFF  }
0x1bb: {  	_ =	strace $0x90000047  }
0x1bc: {  	s0 =	stileid.u32;
	[bflag:$0x2] =	sbarrier.arrive $0xFFFF  }
0x1bd: {  	p0 =	sne.s32 s0, $0x0;
	s0 =	rddreg [dreg:$0x4]  }
0x1be: {  	s0 =	sadd.s32 @!p0 $0x100000, s0  }
0x1bf: {  	[sflag:s0] =	ssyncadd.tile.s32 @!p0 $0x1;
	_ =	shalt  }
.Lfunc_end2:
_tile_overlayer_lowered:
.L_overlay_start_2:
0x1c0: {  	(tag) =	ssettag $0x2  }
0x1c1: {  	s0 =	rddreg [dreg:$0x0];
	s2 =	stileid.u32  }
0x1c2: {  	s1 =	rddreg [dreg:$0x1];
	p0 =	sne.s32 s2, $0x0  }
0x1c3: {  	s3 =	rddreg [dreg:$0x2];
	[bflag:$0x3] =	sbarrier.arrive $0xFFFF;
	s2 =	simm.s32 @!p0 $0x1C02  }
0x1c4: {  	[timem:s3], [sflag:s2] =	dma.local @!p0 [hbm:s0], s1  }
0x1c5: {  	s0 =	simm.s32 @!p0 $0x2  }
0x1c6: {  	_ =	swait.ge @!p0 [sflag:s0], s1  }
0x1c7: {  	s1 =	ssub.s32 @!p0 $0x0, s1;
	[sflag:s0] =	ssyncset.done @!p0 $0x0  }
0x1c8: {  	[sflag:s0] =	ssyncadd.s32 @!p0 s1  }
0x1c9: {  	[bflag:$0x3] =	sbarrier.arrive $0xFFFF  }
0x1ca: {  	_ =	shalt  }

</sc_bundles>
